<compile_context>
chip_gen: v7x
topology: tpu7x:2x2x1
jax: 0.10.2.dev20260603
libtpu: 0.0.44.dev20260713+nightly
codegen_flags: <defaults>
</compile_context>

<pallas_src>
import functools

import jax
import jax.numpy as jnp
from jax import lax
from jax.experimental import pallas as pl
from jax.experimental.pallas import tpu as pltpu
from jax.experimental.pallas import tpu_sc as plsc

_N = 10000
_NP = 10240
_E = 320000
_D = 128
_NCLS = 32
_NC = 2
_NS = 16
_NW = _NC * _NS
_EPT = _E // _NW
_CK = 40
_NCH = _EPT // _CK
_RPS = _NP // _NS
_RB = 1024


def _make_sc_agg(with_deg):
    mesh = plsc.VectorSubcoreMesh(core_axis_name="c", subcore_axis_name="s")

    NBUF = 5
    out_type = [jax.ShapeDtypeStruct((_NC, _NP, _D), jnp.float32)]
    scratch = (
        [pltpu.VMEM((_EPT,), jnp.int32),
         pltpu.VMEM((_EPT,), jnp.int32)]
        + [pltpu.VMEM((_CK, _D), jnp.float32) for _ in range(NBUF)]
        + [pltpu.VMEM_SHARED((_NP, _D), jnp.float32)]
        + [pltpu.SemaphoreType.DMA for _ in range(2 * NBUF)]
    )
    if with_deg:
        out_type.append(jax.ShapeDtypeStruct((_NC, _NP), jnp.float32))
        scratch += [
            pltpu.VMEM((48,), jnp.float32),
            pltpu.VMEM_SHARED((_NP,), jnp.float32),
            pltpu.SemaphoreType.DMA,
        ]

    @functools.partial(
        pl.kernel,
        out_type=out_type,
        mesh=mesh,
        compiler_params=pltpu.CompilerParams(use_tc_tiling_on_sc=False),
        scratch_types=scratch,
    )
    def sc_agg(table, eidx, zeros, zeros1, *refs):
        if with_deg:
            (out_feat, out_deg, src_v, dst_v, *rest) = refs
            rows = rest[:NBUF]
            acc = rest[NBUF]
            sg = rest[NBUF + 1:2 * NBUF + 1]
            ss = rest[2 * NBUF + 1:3 * NBUF + 1]
            ones_v, accd, semd = rest[3 * NBUF + 1:]
        else:
            (out_feat, src_v, dst_v, *rest) = refs
            rows = rest[:NBUF]
            acc = rest[NBUF]
            sg = rest[NBUF + 1:2 * NBUF + 1]
            ss = rest[2 * NBUF + 1:3 * NBUF + 1]
        cid = lax.axis_index("c")
        sid = lax.axis_index("s")
        wid = cid * _NS + sid
        base = wid * _EPT

        pltpu.sync_copy(zeros.at[pl.ds(sid * _RPS, _RPS)],
                        acc.at[pl.ds(sid * _RPS, _RPS)])
        if with_deg:
            pltpu.sync_copy(zeros1.at[pl.ds(sid * _RPS, _RPS)],
                            accd.at[pl.ds(sid * _RPS, _RPS)])
            def initones(j, carry):
                ones_v[pl.ds(j * 16, 16)] = jnp.full((16,), 1.0, jnp.float32)
                return carry
            lax.fori_loop(0, 3, initones, 0)
        pltpu.sync_copy(eidx.at[0, pl.ds(base, _EPT)], src_v)
        pltpu.sync_copy(eidx.at[1, pl.ds(base, _EPT)], dst_v)
        plsc.subcore_barrier()

        def gather(c, j):
            pltpu.async_copy(table.at[src_v.at[pl.ds(c * _CK, _CK)]],
                             rows[j], sg[j])

        def wait_g(c, j):
            pltpu.make_async_copy(
                table.at[src_v.at[pl.ds(c * _CK, _CK)]], rows[j], sg[j]).wait()

        def scat(c, j):
            pltpu.async_copy(rows[j], acc.at[dst_v.at[pl.ds(c * _CK, _CK)]],
                             ss[j], add=True)
            if with_deg:
                @pl.when(c > 0)
                def _():
                    pltpu.make_async_copy(
                        ones_v.at[pl.ds(0, _CK)],
                        accd.at[dst_v.at[pl.ds((c - 1) * _CK, _CK)]],
                        semd).wait()
                pltpu.async_copy(
                    ones_v.at[pl.ds(0, _CK)],
                    accd.at[dst_v.at[pl.ds(c * _CK, _CK)]], semd,
                    add=True)

        def wait_s(c, j):
            pltpu.make_async_copy(
                rows[j], acc.at[dst_v.at[pl.ds(c * _CK, _CK)]], ss[j]).wait()

        for jj in range(3):
            gather(jj, jj)

        def body(i, carry):
            for j in range(NBUF):
                c = NBUF * i + j
                bn = (j + 3) % NBUF

                @pl.when(c >= 2)
                def _():
                    wait_s(c - 2, bn)

                @pl.when(c + 3 < _NCH)
                def _():
                    gather(c + 3, bn)
                wait_g(c, j)
                scat(c, j)
            return carry

        lax.fori_loop(0, _NCH // NBUF, body, 0)
        wait_s(_NCH - 2, (_NCH - 2) % NBUF)
        wait_s(_NCH - 1, (_NCH - 1) % NBUF)

        if with_deg:
            pltpu.make_async_copy(
                ones_v.at[pl.ds(0, _CK)],
                accd.at[dst_v.at[pl.ds((_NCH - 1) * _CK, _CK)]],
                semd).wait()

        plsc.subcore_barrier()
        pltpu.sync_copy(acc.at[pl.ds(sid * _RPS, _RPS)],
                        out_feat.at[cid, pl.ds(sid * _RPS, _RPS)])
        if with_deg:
            pltpu.sync_copy(accd.at[pl.ds(sid * _RPS, _RPS)],
                            out_deg.at[cid, pl.ds(sid * _RPS, _RPS)])

    return sc_agg


_sc_agg_deg = _make_sc_agg(True)
_sc_agg = _make_sc_agg(False)


def _make_sc_edge(k0):
    mesh = plsc.VectorSubcoreMesh(core_axis_name="c", subcore_axis_name="s")
    NBLK = _EPT // 16
    NPAIR = _NCLS // 2

    @functools.partial(
        pl.kernel,
        out_type=jax.ShapeDtypeStruct((_NCLS, _E), jnp.float32),
        mesh=mesh,
        compiler_params=pltpu.CompilerParams(use_tc_tiling_on_sc=False,
                                             needs_layout_passes=False),
        scratch_types=[
            pltpu.VMEM((_EPT,), jnp.int32),
            pltpu.VMEM((_EPT,), jnp.int32),
            pltpu.VMEM((2, 2, _NP), jnp.float32),
            pltpu.VMEM((2, 2, _NP), jnp.float32),
            pltpu.VMEM((2, _EPT), jnp.float32),
            pltpu.SemaphoreType.DMA,
            pltpu.SemaphoreType.DMA,
            pltpu.SemaphoreType.DMA,
        ],
    )
    def sc_edge(pu, pv, eidx, out, src_v, dst_v, u_v, v_v, s_v,
                semg0, semg1, sems):
        cid = lax.axis_index("c")
        sid = lax.axis_index("s")
        wid = cid * _NS + sid
        base = wid * _EPT
        pltpu.sync_copy(eidx.at[0, pl.ds(base, _EPT)], src_v)
        pltpu.sync_copy(eidx.at[1, pl.ds(base, _EPT)], dst_v)

        semg = (semg0, semg1)

        def fetch(p, b):
            pltpu.async_copy(pu.at[pl.ds(k0 + 2 * p, 2)], u_v.at[b], semg[b])
            pltpu.async_copy(pv.at[pl.ds(k0 + 2 * p, 2)], v_v.at[b], semg[b])

        def waitg(p, b):
            pltpu.make_async_copy(pu.at[pl.ds(k0 + 2 * p, 2)], u_v.at[b],
                                  semg[b]).wait()
            pltpu.make_async_copy(pv.at[pl.ds(k0 + 2 * p, 2)], v_v.at[b],
                                  semg[b]).wait()

        def store(p):
            pltpu.async_copy(s_v, out.at[pl.ds(2 * p, 2), pl.ds(base, _EPT)],
                             sems)

        def waitst(p):
            pltpu.make_async_copy(
                s_v, out.at[pl.ds(2 * p, 2), pl.ds(base, _EPT)], sems).wait()

        def compute(b):
            @plsc.parallel_loop(0, NBLK, 1, unroll=25)
            def blk(j):
                sl = pl.ds(j * 16, 16)
                iu = src_v[sl]
                iv = dst_v[sl]
                s_v[0, sl] = (plsc.load_gather(u_v.at[b, 0], [iu])
                              + plsc.load_gather(v_v.at[b, 0], [iv]))
                s_v[1, sl] = (plsc.load_gather(u_v.at[b, 1], [iu])
                              + plsc.load_gather(v_v.at[b, 1], [iv]))

        fetch(0, 0)

        def body(i, carry):
            for b in range(2):
                p = 2 * i + b

                @pl.when(p + 1 < NPAIR)
                def _():
                    fetch(p + 1, 1 - b)
                waitg(p, b)

                @pl.when(p > 0)
                def _():
                    waitst(p - 1)
                compute(b)
                store(p)
            return carry

        lax.fori_loop(0, NPAIR // 2, body, 0)
        waitst(NPAIR - 1)

    return sc_edge


_sc_edge = _make_sc_edge(0)


def _tcself_body(x_ref, w_ref, b_ref, o_ref):
    o_ref[...] = jnp.dot(x_ref[...], w_ref[...],
                         preferred_element_type=jnp.float32) + b_ref[...]


def _tcself_call(x, w, b):
    return pl.pallas_call(
        _tcself_body,
        grid=(_NP // _RB,),
        in_specs=[
            pl.BlockSpec((_RB, _D), lambda i: (i, 0)),
            pl.BlockSpec((_D, _D), lambda i: (0, 0)),
            pl.BlockSpec((_D,), lambda i: (0,)),
        ],
        out_specs=pl.BlockSpec((_RB, _D), lambda i: (i, 0)),
        out_shape=jax.ShapeDtypeStruct((_N, _D), jnp.float32),
    )(x, w, b)


def _tc1_body(s_ref, a_ref, d_ref, wn_ref, h1_ref, inv_ref):
    dsum = d_ref[0] + d_ref[1]
    inv = 1.0 / jnp.clip(dsum, 1.0, None)
    invc = jnp.transpose(inv.reshape(1, _RB))
    neigh = (a_ref[0] + a_ref[1]) * invc
    h = s_ref[...] + jnp.dot(neigh, wn_ref[...],
                             preferred_element_type=jnp.float32)
    h1_ref[...] = jnp.maximum(h, 0.0)
    inv_ref[...] = jnp.broadcast_to(invc, (_RB, _D))


def _tc1_call(self1, aggp, deg, wn1):
    return pl.pallas_call(
        _tc1_body,
        grid=(_NP // _RB,),
        in_specs=[
            pl.BlockSpec((_RB, _D), lambda i: (i, 0)),
            pl.BlockSpec((_NC, _RB, _D), lambda i: (0, i, 0)),
            pl.BlockSpec((_NC, _RB), lambda i: (0, i)),
            pl.BlockSpec((_D, _D), lambda i: (0, 0)),
        ],
        out_specs=[
            pl.BlockSpec((_RB, _D), lambda i: (i, 0)),
            pl.BlockSpec((_RB, _D), lambda i: (i, 0)),
        ],
        out_shape=[
            jax.ShapeDtypeStruct((_N, _D), jnp.float32),
            jax.ShapeDtypeStruct((_N, _D), jnp.float32),
        ],
    )(self1, aggp, deg, wn1)


def _tc2_body(s_ref, a_ref, inv_ref, wn_ref, wpu_ref, wpv_ref,
              bp_ref, pu_ref, pv_ref):
    neigh = (a_ref[0] + a_ref[1]) * inv_ref[...]
    h2 = s_ref[...] + jnp.dot(neigh, wn_ref[...],
                              preferred_element_type=jnp.float32)
    pu = jnp.dot(h2, wpu_ref[...], preferred_element_type=jnp.float32)
    pv = jnp.dot(h2, wpv_ref[...], preferred_element_type=jnp.float32)
    pu_ref[...] = jnp.transpose(pu)
    pv_ref[...] = jnp.transpose(pv + bp_ref[...])


def _tc2_call(self2, aggp, invdeg, wn2, wpu, wpv, bp):
    return pl.pallas_call(
        _tc2_body,
        grid=(_NP // _RB,),
        in_specs=[
            pl.BlockSpec((_RB, _D), lambda i: (i, 0)),
            pl.BlockSpec((_NC, _RB, _D), lambda i: (0, i, 0)),
            pl.BlockSpec((_RB, _D), lambda i: (i, 0)),
            pl.BlockSpec((_D, _D), lambda i: (0, 0)),
            pl.BlockSpec((_D, _NCLS), lambda i: (0, 0)),
            pl.BlockSpec((_D, _NCLS), lambda i: (0, 0)),
            pl.BlockSpec((_NCLS,), lambda i: (0,)),
        ],
        out_specs=[
            pl.BlockSpec((_NCLS, _RB), lambda i: (0, i)),
            pl.BlockSpec((_NCLS, _RB), lambda i: (0, i)),
        ],
        out_shape=[
            jax.ShapeDtypeStruct((_NCLS, _NP), jnp.float32),
            jax.ShapeDtypeStruct((_NCLS, _NP), jnp.float32),
        ],
    )(self2, aggp, invdeg, wn2, wpu, wpv, bp)


def kernel(x, edge_index, W_self1, W_neigh1, b1, W_self2, W_neigh2, b2,
           W_pred, b_pred):
    zeros = jnp.zeros((_NP, _D), jnp.float32)
    zeros1 = jnp.zeros((_NP,), jnp.float32)

    self1 = _tcself_call(x, W_self1, b1)
    feat1, deg = _sc_agg_deg(x, edge_index, zeros, zeros1)
    h1, invdeg = _tc1_call(self1, feat1, deg, W_neigh1)
    self2 = _tcself_call(h1, W_self2, b2)
    feat2 = _sc_agg(h1, edge_index, zeros, zeros1)[0]
    pu_t, pv_t = _tc2_call(self2, feat2, invdeg, W_neigh2,
                           W_pred[:_D], W_pred[_D:], b_pred)
    score_t = _sc_edge(pu_t, pv_t, edge_index)
    return jnp.transpose(score_t)

# --- scband reference (transcript-rebuilt; emitter-appended) ---
"""Pipeline reference for scband-link-pred-model-multi-output-47699906789908 (READ-ONLY COPY).

The authoritative reference and input builder live on the scoring server;
editing this copy changes nothing except your own understanding.
"""

import jax, jax.numpy as jnp
import numpy as np

N = 10000
E = 320000
D_IN = 128
D_HID = 128
D_OUT = 128
N_CLASSES = 32


def setup_inputs(seed: int = 0) -> dict:
    key = jax.random.key(seed)
    ks = jax.random.split(key, 10)
    x = jax.random.normal(ks[0], (N, D_IN), dtype=jnp.float32)
    edge_index = jax.random.randint(ks[1], (2, E), 0, N, dtype=jnp.int32)

    def lin(k, fan_in, fan_out):
        return jax.random.normal(k, (fan_in, fan_out), dtype=jnp.float32) / np.sqrt(fan_in)

    W_self1 = lin(ks[2], D_IN, D_HID)
    W_neigh1 = lin(ks[3], D_IN, D_HID)
    b1 = jnp.zeros((D_HID,), dtype=jnp.float32)
    W_self2 = lin(ks[4], D_HID, D_OUT)
    W_neigh2 = lin(ks[5], D_HID, D_OUT)
    b2 = jnp.zeros((D_OUT,), dtype=jnp.float32)
    W_pred = lin(ks[6], 2 * D_OUT, N_CLASSES)
    b_pred = jnp.zeros((N_CLASSES,), dtype=jnp.float32)
    return {
        "x": x,
        "edge_index": edge_index,
        "W_self1": W_self1,
        "W_neigh1": W_neigh1,
        "b1": b1,
        "W_self2": W_self2,
        "W_neigh2": W_neigh2,
        "b2": b2,
        "W_pred": W_pred,
        "b_pred": b_pred,
    }


def _sage_conv(h, src, dst, W_self, W_neigh, b):
    # DGL SAGEConv(aggregator_type='mean'):
    #   neigh = mean of src features over in-edges of each dst node
    #   out = fc_self(h) + fc_neigh(neigh) + bias
    msg = h[src]  # gather source features per edge
    agg = jax.ops.segment_sum(msg, dst, num_segments=N)  # scatter-add by dst
    deg = jax.ops.segment_sum(jnp.ones((src.shape[0],), dtype=h.dtype), dst, num_segments=N)
    neigh = agg / jnp.clip(deg, 1.0, None)[:, None]  # zero in-degree -> neigh stays 0
    return h @ W_self + neigh @ W_neigh + b


def reference(x, edge_index, W_self1, W_neigh1, b1, W_self2, W_neigh2, b2, W_pred, b_pred):
    src = edge_index[0]
    dst = edge_index[1]
    # SAGE (2 layers, mean aggregation)
    h = _sage_conv(x, src, dst, W_self1, W_neigh1, b1)
    h = jax.nn.relu(h)
    h = _sage_conv(h, src, dst, W_self2, W_neigh2, b2)
    # MLPPredictor: per-edge score = Linear(cat([h_src, h_dst], 1))
    h_u = h[src]
    h_v = h[dst]
    score = jnp.concatenate([h_u, h_v], axis=1) @ W_pred + b_pred
    return score

if __name__ == "__main__":
    import jax
    _d = setup_inputs()
    print(jax.jit(kernel)(*tuple(_d.values())))

</pallas_src>

<mosaic_0001>
#map = affine_map<(d0, d1) -> (0, 0)>
#map1 = affine_map<(d0, d1) -> (0)>
#map2 = affine_map<(d0, d1) -> (0, 0, 0)>
module attributes {stable_mosaic.version = 14 : i64} {
  func.func @sc_agg(%arg0: i32, %arg1: i32, %arg2: memref<10000x128xf32, #tpu.memory_space<hbm>>, %arg3: memref<2x320000xi32, #tpu.memory_space<hbm>>, %arg4: memref<10240x128xf32, #tpu.memory_space<hbm>>, %arg5: memref<10240xf32, #tpu.memory_space<hbm>>, %arg6: memref<2x10240x128xf32, #tpu.memory_space<hbm>>, %arg7: memref<2x10240xf32, #tpu.memory_space<hbm>>, %arg8: memref<10000xi32, #tpu.memory_space<vmem>>, %arg9: memref<10000xi32, #tpu.memory_space<vmem>>, %arg10: memref<40x128xf32, #tpu.memory_space<vmem>>, %arg11: memref<40x128xf32, #tpu.memory_space<vmem>>, %arg12: memref<40x128xf32, #tpu.memory_space<vmem>>, %arg13: memref<40x128xf32, #tpu.memory_space<vmem>>, %arg14: memref<40x128xf32, #tpu.memory_space<vmem>>, %arg15: memref<10240x128xf32, #tpu.memory_space<vmem_shared>>, %arg16: memref<!tpu.dma_semaphore, #tpu.memory_space<semaphore_mem>>, %arg17: memref<!tpu.dma_semaphore, #tpu.memory_space<semaphore_mem>>, %arg18: memref<!tpu.dma_semaphore, #tpu.memory_space<semaphore_mem>>, %arg19: memref<!tpu.dma_semaphore, #tpu.memory_space<semaphore_mem>>, %arg20: memref<!tpu.dma_semaphore, #tpu.memory_space<semaphore_mem>>, %arg21: memref<!tpu.dma_semaphore, #tpu.memory_space<semaphore_mem>>, %arg22: memref<!tpu.dma_semaphore, #tpu.memory_space<semaphore_mem>>, %arg23: memref<!tpu.dma_semaphore, #tpu.memory_space<semaphore_mem>>, %arg24: memref<!tpu.dma_semaphore, #tpu.memory_space<semaphore_mem>>, %arg25: memref<!tpu.dma_semaphore, #tpu.memory_space<semaphore_mem>>, %arg26: memref<48xf32, #tpu.memory_space<vmem>>, %arg27: memref<10240xf32, #tpu.memory_space<vmem_shared>>, %arg28: memref<!tpu.dma_semaphore, #tpu.memory_space<semaphore_mem>>) attributes {dimension_semantics = [#tpu.dimension_semantics<core_parallel>, #tpu.dimension_semantics<subcore_parallel>], iteration_bounds = array<i64: 2, 16>, scalar_prefetch = 0 : i64, scratch_operands = 21 : i64, tpu.core_type = #tpu.core_type<sc_vector_subcore>, window_params = [{transform_indices = #map}, {transform_indices = #map}, {transform_indices = #map}, {transform_indices = #map1}, {transform_indices = #map2}, {transform_indices = #map}]} {
    %mul3A = arith.constant 16 : i32
    %mul3A_0 = arith.muli %arg0, %mul3A : i32
    %add3A = arith.addi %mul3A_0, %arg1 : i32
    %mul3A_1 = arith.constant 10000 : i32
    %mul3A_2 = arith.muli %add3A, %mul3A_1 : i32
    %mul3A_3 = arith.constant 640 : i32
    %mul3A_4 = arith.muli %arg1, %mul3A_3 : i32
    %mul3A_5 = arith.constant 640 : i32
    %mul3A_6 = arith.muli %arg1, %mul3A_5 : i32
    "tpu.region"() ({
      %run_scoped3A_61 = tpu.sem_alloc : memref<!tpu.dma_semaphore, #tpu.memory_space<semaphore_mem>>
      %dma_start3A_62 = arith.constant 0 : i32
      %dma_start3A_63 = tpu.memref_slice %arg15[%mul3A_6, %dma_start3A_62] : memref<10240x128xf32, #tpu.memory_space<vmem_shared>> -> memref<640x128xf32, #tpu.memory_space<vmem_shared>>
      %dma_start3A_64 = arith.constant 0 : i32
      %dma_start3A_65 = tpu.memref_slice %arg4[%mul3A_4, %dma_start3A_64] : memref<10240x128xf32, #tpu.memory_space<hbm>> -> memref<640x128xf32, #tpu.memory_space<hbm>>
      tpu.enqueue_dma source(%dma_start3A_65 : memref<640x128xf32, #tpu.memory_space<hbm>>) target(%dma_start3A_63 : memref<640x128xf32, #tpu.memory_space<vmem_shared>>) target_semaphore(%run_scoped3A_61 : memref<!tpu.dma_semaphore, #tpu.memory_space<semaphore_mem>>)
      %dma_wait3A_66 = arith.constant 0 : i32
      %dma_wait3A_67 = tpu.memref_slice %arg15[%mul3A_6, %dma_wait3A_66] : memref<10240x128xf32, #tpu.memory_space<vmem_shared>> -> memref<640x128xf32, #tpu.memory_space<vmem_shared>>
      %dma_wait3A_68 = arith.constant 0 : i32
      %dma_wait3A_69 = tpu.memref_slice %arg4[%mul3A_4, %dma_wait3A_68] : memref<10240x128xf32, #tpu.memory_space<hbm>> -> memref<640x128xf32, #tpu.memory_space<hbm>>
      tpu.wait_dma2 semaphore(%run_scoped3A_61 : memref<!tpu.dma_semaphore, #tpu.memory_space<semaphore_mem>>) src(%dma_wait3A_69 : memref<640x128xf32, #tpu.memory_space<hbm>>) dst(%dma_wait3A_67 : memref<640x128xf32, #tpu.memory_space<vmem_shared>>)
      tpu.yield
    }) : () -> ()
    %mul3A_7 = arith.constant 640 : i32
    %mul3A_8 = arith.muli %arg1, %mul3A_7 : i32
    %mul3A_9 = arith.constant 640 : i32
    %mul3A_10 = arith.muli %arg1, %mul3A_9 : i32
    "tpu.region"() ({
      %run_scoped3A_61 = tpu.sem_alloc : memref<!tpu.dma_semaphore, #tpu.memory_space<semaphore_mem>>
      %dma_start3A_62 = tpu.memref_slice %arg27[%mul3A_10] : memref<10240xf32, #tpu.memory_space<vmem_shared>> -> memref<640xf32, #tpu.memory_space<vmem_shared>>
      %dma_start3A_63 = tpu.memref_slice %arg5[%mul3A_8] : memref<10240xf32, #tpu.memory_space<hbm>> -> memref<640xf32, #tpu.memory_space<hbm>>
      tpu.enqueue_dma source(%dma_start3A_63 : memref<640xf32, #tpu.memory_space<hbm>>) target(%dma_start3A_62 : memref<640xf32, #tpu.memory_space<vmem_shared>>) target_semaphore(%run_scoped3A_61 : memref<!tpu.dma_semaphore, #tpu.memory_space<semaphore_mem>>)
      %dma_wait3A_64 = tpu.memref_slice %arg27[%mul3A_10] : memref<10240xf32, #tpu.memory_space<vmem_shared>> -> memref<640xf32, #tpu.memory_space<vmem_shared>>
      %dma_wait3A_65 = tpu.memref_slice %arg5[%mul3A_8] : memref<10240xf32, #tpu.memory_space<hbm>> -> memref<640xf32, #tpu.memory_space<hbm>>
      tpu.wait_dma2 semaphore(%run_scoped3A_61 : memref<!tpu.dma_semaphore, #tpu.memory_space<semaphore_mem>>) src(%dma_wait3A_65 : memref<640xf32, #tpu.memory_space<hbm>>) dst(%dma_wait3A_64 : memref<640xf32, #tpu.memory_space<vmem_shared>>)
      tpu.yield
    }) : () -> ()
    %scan3A = arith.constant 0 : i32
    %scan3A_11 = arith.constant 0 : i32
    %scan3A_12 = arith.constant 3 : i32
    %scan3A_13 = arith.addi %scan3A_11, %scan3A_12 : i32
    %scan3A_14 = arith.constant 1 : i32
    scf.for %scan3A_61 = %scan3A_11 to %scan3A_13 step %scan3A_14  : i32 {
      %broadcast_in_dim3A = arith.constant 1.000000e+00 : f32
      %broadcast_in_dim3A_62 = vector.broadcast %broadcast_in_dim3A : f32 to vector<16xf32>
      %mul3A_63 = arith.constant 16 : i32
      %mul3A_64 = arith.muli %scan3A_61, %mul3A_63 : i32
      %swap3A = arith.index_cast %mul3A_64 : i32 to index
      %swap3A_65 = tpu.vector_load %arg26[%swap3A] {strides = array<i32>} : memref<48xf32, #tpu.memory_space<vmem>>, vector<16xf32>,
      %swap3A_66 = vector.shape_cast %swap3A_65 : vector<16xf32> to vector<16xf32>
      %swap3A_67 = vector.shape_cast %broadcast_in_dim3A_62 : vector<16xf32> to vector<16xf32>
      tpu.vector_store %arg26[%swap3A], %swap3A_67 {strides = array<i32>} : memref<48xf32, #tpu.memory_space<vmem>>, vector<16xf32>,
    }
    %scan3A_15 = arith.constant 3 : i32
    %run_scoped3A = arith.constant 0 : i32
    "tpu.region"() ({
      %run_scoped3A_61 = tpu.sem_alloc : memref<!tpu.dma_semaphore, #tpu.memory_space<semaphore_mem>>
      %dma_start3A_62 = tpu.memref_slice %arg3[%run_scoped3A, %mul3A_2] : memref<2x320000xi32, #tpu.memory_space<hbm>> -> memref<1x10000xi32, #tpu.memory_space<hbm>>
      %dma_start3A_63 = tpu.memref_squeeze %dma_start3A_62 : memref<1x10000xi32, #tpu.memory_space<hbm>> -> memref<10000xi32, #tpu.memory_space<hbm>>
      %dma_start3A_64 = tpu.memref_slice %arg3[%run_scoped3A, %mul3A_2] : memref<2x320000xi32, #tpu.memory_space<hbm>> -> memref<1x10000xi32, #tpu.memory_space<hbm>>
      %dma_start3A_65 = tpu.memref_squeeze %dma_start3A_64 : memref<1x10000xi32, #tpu.memory_space<hbm>> -> memref<10000xi32, #tpu.memory_space<hbm>>
      tpu.enqueue_dma source(%dma_start3A_65 : memref<10000xi32, #tpu.memory_space<hbm>>) target(%arg8 : memref<10000xi32, #tpu.memory_space<vmem>>) target_semaphore(%run_scoped3A_61 : memref<!tpu.dma_semaphore, #tpu.memory_space<semaphore_mem>>)
      %dma_wait3A_66 = tpu.memref_slice %arg3[%run_scoped3A, %mul3A_2] : memref<2x320000xi32, #tpu.memory_space<hbm>> -> memref<1x10000xi32, #tpu.memory_space<hbm>>
      %dma_wait3A_67 = tpu.memref_squeeze %dma_wait3A_66 : memref<1x10000xi32, #tpu.memory_space<hbm>> -> memref<10000xi32, #tpu.memory_space<hbm>>
      %dma_wait3A_68 = tpu.memref_slice %arg3[%run_scoped3A, %mul3A_2] : memref<2x320000xi32, #tpu.memory_space<hbm>> -> memref<1x10000xi32, #tpu.memory_space<hbm>>
      %dma_wait3A_69 = tpu.memref_squeeze %dma_wait3A_68 : memref<1x10000xi32, #tpu.memory_space<hbm>> -> memref<10000xi32, #tpu.memory_space<hbm>>
      tpu.wait_dma2 semaphore(%run_scoped3A_61 : memref<!tpu.dma_semaphore, #tpu.memory_space<semaphore_mem>>) src(%dma_wait3A_69 : memref<10000xi32, #tpu.memory_space<hbm>>) dst(%arg8 : memref<10000xi32, #tpu.memory_space<vmem>>)
      tpu.yield
    }) : () -> ()
    %run_scoped3A_16 = arith.constant 1 : i32
    "tpu.region"() ({
      %run_scoped3A_61 = tpu.sem_alloc : memref<!tpu.dma_semaphore, #tpu.memory_space<semaphore_mem>>
      %dma_start3A_62 = tpu.memref_slice %arg3[%run_scoped3A_16, %mul3A_2] : memref<2x320000xi32, #tpu.memory_space<hbm>> -> memref<1x10000xi32, #tpu.memory_space<hbm>>
      %dma_start3A_63 = tpu.memref_squeeze %dma_start3A_62 : memref<1x10000xi32, #tpu.memory_space<hbm>> -> memref<10000xi32, #tpu.memory_space<hbm>>
      %dma_start3A_64 = tpu.memref_slice %arg3[%run_scoped3A_16, %mul3A_2] : memref<2x320000xi32, #tpu.memory_space<hbm>> -> memref<1x10000xi32, #tpu.memory_space<hbm>>
      %dma_start3A_65 = tpu.memref_squeeze %dma_start3A_64 : memref<1x10000xi32, #tpu.memory_space<hbm>> -> memref<10000xi32, #tpu.memory_space<hbm>>
      tpu.enqueue_dma source(%dma_start3A_65 : memref<10000xi32, #tpu.memory_space<hbm>>) target(%arg9 : memref<10000xi32, #tpu.memory_space<vmem>>) target_semaphore(%run_scoped3A_61 : memref<!tpu.dma_semaphore, #tpu.memory_space<semaphore_mem>>)
      %dma_wait3A_66 = tpu.memref_slice %arg3[%run_scoped3A_16, %mul3A_2] : memref<2x320000xi32, #tpu.memory_space<hbm>> -> memref<1x10000xi32, #tpu.memory_space<hbm>>
      %dma_wait3A_67 = tpu.memref_squeeze %dma_wait3A_66 : memref<1x10000xi32, #tpu.memory_space<hbm>> -> memref<10000xi32, #tpu.memory_space<hbm>>
      %dma_wait3A_68 = tpu.memref_slice %arg3[%run_scoped3A_16, %mul3A_2] : memref<2x320000xi32, #tpu.memory_space<hbm>> -> memref<1x10000xi32, #tpu.memory_space<hbm>>
      %dma_wait3A_69 = tpu.memref_squeeze %dma_wait3A_68 : memref<1x10000xi32, #tpu.memory_space<hbm>> -> memref<10000xi32, #tpu.memory_space<hbm>>
      tpu.wait_dma2 semaphore(%run_scoped3A_61 : memref<!tpu.dma_semaphore, #tpu.memory_space<semaphore_mem>>) src(%dma_wait3A_69 : memref<10000xi32, #tpu.memory_space<hbm>>) dst(%arg9 : memref<10000xi32, #tpu.memory_space<vmem>>)
      tpu.yield
    }) : () -> ()
    %barrier3A = arith.constant 0 : index
    tpu.barrier barrier_id(%barrier3A)
    %dma_start3A = arith.constant 0 : i32
    %dma_start3A_17 = tpu.memref_slice %arg8[%dma_start3A] : memref<10000xi32, #tpu.memory_space<vmem>> -> memref<40xi32, #tpu.memory_space<vmem>>
    %dma_start3A_18 = arith.constant 0 : i32
    %dma_start3A_19 = arith.constant 0 : i32
    %dma_start3A_20 = tpu.memref_slice %arg2[%dma_start3A_18, %dma_start3A_19] : memref<10000x128xf32, #tpu.memory_space<hbm>> -> memref<10000x128xf32, #tpu.memory_space<hbm>>
    tpu.enqueue_indirect_dma source(%dma_start3A_20 : memref<10000x128xf32, #tpu.memory_space<hbm>>) target(%arg10 : memref<40x128xf32, #tpu.memory_space<vmem>>) offsets(%dma_start3A_17 : memref<40xi32, #tpu.memory_space<vmem>>) semaphore(%arg16 : memref<!tpu.dma_semaphore, #tpu.memory_space<semaphore_mem>>)
    %dma_start3A_21 = arith.constant 40 : i32
    %dma_start3A_22 = tpu.memref_slice %arg8[%dma_start3A_21] : memref<10000xi32, #tpu.memory_space<vmem>> -> memref<40xi32, #tpu.memory_space<vmem>>
    %dma_start3A_23 = arith.constant 0 : i32
    %dma_start3A_24 = arith.constant 0 : i32
    %dma_start3A_25 = tpu.memref_slice %arg2[%dma_start3A_23, %dma_start3A_24] : memref<10000x128xf32, #tpu.memory_space<hbm>> -> memref<10000x128xf32, #tpu.memory_space<hbm>>
    tpu.enqueue_indirect_dma source(%dma_start3A_25 : memref<10000x128xf32, #tpu.memory_space<hbm>>) target(%arg11 : memref<40x128xf32, #tpu.memory_space<vmem>>) offsets(%dma_start3A_22 : memref<40xi32, #tpu.memory_space<vmem>>) semaphore(%arg17 : memref<!tpu.dma_semaphore, #tpu.memory_space<semaphore_mem>>)
    %dma_start3A_26 = arith.constant 80 : i32
    %dma_start3A_27 = tpu.memref_slice %arg8[%dma_start3A_26] : memref<10000xi32, #tpu.memory_space<vmem>> -> memref<40xi32, #tpu.memory_space<vmem>>
    %dma_start3A_28 = arith.constant 0 : i32
    %dma_start3A_29 = arith.constant 0 : i32
    %dma_start3A_30 = tpu.memref_slice %arg2[%dma_start3A_28, %dma_start3A_29] : memref<10000x128xf32, #tpu.memory_space<hbm>> -> memref<10000x128xf32, #tpu.memory_space<hbm>>
    tpu.enqueue_indirect_dma source(%dma_start3A_30 : memref<10000x128xf32, #tpu.memory_space<hbm>>) target(%arg12 : memref<40x128xf32, #tpu.memory_space<vmem>>) offsets(%dma_start3A_27 : memref<40xi32, #tpu.memory_space<vmem>>) semaphore(%arg18 : memref<!tpu.dma_semaphore, #tpu.memory_space<semaphore_mem>>)
    %scan3A_31 = arith.constant 0 : i32
    %scan3A_32 = arith.constant 0 : i32
    %scan3A_33 = arith.constant 50 : i32
    %scan3A_34 = arith.addi %scan3A_32, %scan3A_33 : i32
    %scan3A_35 = arith.constant 1 : i32
    scf.for %scan3A_61 = %scan3A_32 to %scan3A_34 step %scan3A_35  : i32 {
      %mul3A_62 = arith.constant 5 : i32
      %mul3A_63 = arith.muli %mul3A_62, %scan3A_61 : i32
      %add3A_64 = arith.constant 0 : i32
      %add3A_65 = arith.addi %mul3A_63, %add3A_64 : i32
      %ge3A = arith.constant 2 : i32
      %ge3A_66 = arith.cmpi sge, %add3A_65, %ge3A : i32
      %convert_element_type3A = arith.extui %ge3A_66 : i1 to i32
      %cond3A = arith.constant 0 : i32
      %cond3A_67 = arith.cmpi ne, %convert_element_type3A, %cond3A : i32
      scf.if %cond3A_67 {
        %sub3A = arith.constant 2 : i32
        %sub3A_257 = arith.subi %add3A_65, %sub3A : i32
        %mul3A_258 = arith.constant 40 : i32
        %mul3A_259 = arith.muli %sub3A_257, %mul3A_258 : i32
        %dma_wait3A_260 = tpu.memref_slice %arg9[%mul3A_259] : memref<10000xi32, #tpu.memory_space<vmem>> -> memref<40xi32, #tpu.memory_space<vmem>>
        %dma_wait3A_261 = arith.constant 0 : i32
        %dma_wait3A_262 = arith.constant 0 : i32
        %dma_wait3A_263 = tpu.memref_slice %arg15[%dma_wait3A_261, %dma_wait3A_262] : memref<10240x128xf32, #tpu.memory_space<vmem_shared>> -> memref<10240x128xf32, #tpu.memory_space<vmem_shared>>
        tpu.wait_indirect_dma semaphore(%arg24 : memref<!tpu.dma_semaphore, #tpu.memory_space<semaphore_mem>>) src(%arg13 : memref<40x128xf32, #tpu.memory_space<vmem>>) dst(%dma_wait3A_263 : memref<10240x128xf32, #tpu.memory_space<vmem_shared>>)
      } else {
      }
      %add3A_68 = arith.constant 3 : i32
      %add3A_69 = arith.addi %add3A_65, %add3A_68 : i32
      %lt3A = arith.constant 250 : i32
      %lt3A_70 = arith.cmpi slt, %add3A_69, %lt3A : i32
      %convert_element_type3A_71 = arith.extui %lt3A_70 : i1 to i32
      %cond3A_72 = arith.constant 0 : i32
      %cond3A_73 = arith.cmpi ne, %convert_element_type3A_71, %cond3A_72 : i32
      scf.if %cond3A_73 {
        %add3A_257 = arith.constant 3 : i32
        %add3A_258 = arith.addi %add3A_65, %add3A_257 : i32
        %mul3A_259 = arith.constant 40 : i32
        %mul3A_260 = arith.muli %add3A_258, %mul3A_259 : i32
        %dma_start3A_261 = tpu.memref_slice %arg8[%mul3A_260] : memref<10000xi32, #tpu.memory_space<vmem>> -> memref<40xi32, #tpu.memory_space<vmem>>
        %dma_start3A_262 = arith.constant 0 : i32
        %dma_start3A_263 = arith.constant 0 : i32
        %dma_start3A_264 = tpu.memref_slice %arg2[%dma_start3A_262, %dma_start3A_263] : memref<10000x128xf32, #tpu.memory_space<hbm>> -> memref<10000x128xf32, #tpu.memory_space<hbm>>
        tpu.enqueue_indirect_dma source(%dma_start3A_264 : memref<10000x128xf32, #tpu.memory_space<hbm>>) target(%arg13 : memref<40x128xf32, #tpu.memory_space<vmem>>) offsets(%dma_start3A_261 : memref<40xi32, #tpu.memory_space<vmem>>) semaphore(%arg19 : memref<!tpu.dma_semaphore, #tpu.memory_space<semaphore_mem>>)
      } else {
      }
      %mul3A_74 = arith.constant 40 : i32
      %mul3A_75 = arith.muli %add3A_65, %mul3A_74 : i32
      %dma_wait3A_76 = tpu.memref_slice %arg8[%mul3A_75] : memref<10000xi32, #tpu.memory_space<vmem>> -> memref<40xi32, #tpu.memory_space<vmem>>
      %dma_wait3A_77 = arith.constant 0 : i32
      %dma_wait3A_78 = arith.constant 0 : i32
      %dma_wait3A_79 = tpu.memref_slice %arg2[%dma_wait3A_77, %dma_wait3A_78] : memref<10000x128xf32, #tpu.memory_space<hbm>> -> memref<10000x128xf32, #tpu.memory_space<hbm>>
      tpu.wait_indirect_dma semaphore(%arg16 : memref<!tpu.dma_semaphore, #tpu.memory_space<semaphore_mem>>) src(%dma_wait3A_79 : memref<10000x128xf32, #tpu.memory_space<hbm>>) dst(%arg10 : memref<40x128xf32, #tpu.memory_space<vmem>>)
      %mul3A_80 = arith.constant 40 : i32
      %mul3A_81 = arith.muli %add3A_65, %mul3A_80 : i32
      %dma_start3A_82 = tpu.memref_slice %arg9[%mul3A_81] : memref<10000xi32, #tpu.memory_space<vmem>> -> memref<40xi32, #tpu.memory_space<vmem>>
      %dma_start3A_83 = arith.constant 0 : i32
      %dma_start3A_84 = arith.constant 0 : i32
      %dma_start3A_85 = tpu.memref_slice %arg15[%dma_start3A_83, %dma_start3A_84] : memref<10240x128xf32, #tpu.memory_space<vmem_shared>> -> memref<10240x128xf32, #tpu.memory_space<vmem_shared>>
      tpu.enqueue_indirect_dma source(%arg10 : memref<40x128xf32, #tpu.memory_space<vmem>>) target(%dma_start3A_85 : memref<10240x128xf32, #tpu.memory_space<vmem_shared>>) offsets(%dma_start3A_82 : memref<40xi32, #tpu.memory_space<vmem>>) semaphore(%arg21 : memref<!tpu.dma_semaphore, #tpu.memory_space<semaphore_mem>>) {add = true}
      %gt3A = arith.constant 0 : i32
      %gt3A_86 = arith.cmpi sgt, %add3A_65, %gt3A : i32
      %convert_element_type3A_87 = arith.extui %gt3A_86 : i1 to i32
      %cond3A_88 = arith.constant 0 : i32
      %cond3A_89 = arith.cmpi ne, %convert_element_type3A_87, %cond3A_88 : i32
      scf.if %cond3A_89 {
        %sub3A = arith.constant 1 : i32
        %sub3A_257 = arith.subi %add3A_65, %sub3A : i32
        %mul3A_258 = arith.constant 40 : i32
        %mul3A_259 = arith.muli %sub3A_257, %mul3A_258 : i32
        %dma_wait3A_260 = arith.constant 0 : i32
        %dma_wait3A_261 = tpu.memref_slice %arg26[%dma_wait3A_260] : memref<48xf32, #tpu.memory_space<vmem>> -> memref<40xf32, #tpu.memory_space<vmem>>
        %dma_wait3A_262 = tpu.memref_slice %arg9[%mul3A_259] : memref<10000xi32, #tpu.memory_space<vmem>> -> memref<40xi32, #tpu.memory_space<vmem>>
        %dma_wait3A_263 = arith.constant 0 : i32
        %dma_wait3A_264 = tpu.memref_slice %arg27[%dma_wait3A_263] : memref<10240xf32, #tpu.memory_space<vmem_shared>> -> memref<10240xf32, #tpu.memory_space<vmem_shared>>
        tpu.wait_indirect_dma semaphore(%arg28 : memref<!tpu.dma_semaphore, #tpu.memory_space<semaphore_mem>>) src(%dma_wait3A_261 : memref<40xf32, #tpu.memory_space<vmem>>) dst(%dma_wait3A_264 : memref<10240xf32, #tpu.memory_space<vmem_shared>>)
      } else {
      }
      %mul3A_90 = arith.constant 40 : i32
      %mul3A_91 = arith.muli %add3A_65, %mul3A_90 : i32
      %dma_start3A_92 = arith.constant 0 : i32
      %dma_start3A_93 = tpu.memref_slice %arg26[%dma_start3A_92] : memref<48xf32, #tpu.memory_space<vmem>> -> memref<40xf32, #tpu.memory_space<vmem>>
      %dma_start3A_94 = tpu.memref_slice %arg9[%mul3A_91] : memref<10000xi32, #tpu.memory_space<vmem>> -> memref<40xi32, #tpu.memory_space<vmem>>
      %dma_start3A_95 = arith.constant 0 : i32
      %dma_start3A_96 = tpu.memref_slice %arg27[%dma_start3A_95] : memref<10240xf32, #tpu.memory_space<vmem_shared>> -> memref<10240xf32, #tpu.memory_space<vmem_shared>>
      tpu.enqueue_indirect_dma source(%dma_start3A_93 : memref<40xf32, #tpu.memory_space<vmem>>) target(%dma_start3A_96 : memref<10240xf32, #tpu.memory_space<vmem_shared>>) offsets(%dma_start3A_94 : memref<40xi32, #tpu.memory_space<vmem>>) semaphore(%arg28 : memref<!tpu.dma_semaphore, #tpu.memory_space<semaphore_mem>>) {add = true}
      %mul3A_97 = arith.constant 5 : i32
      %mul3A_98 = arith.muli %mul3A_97, %scan3A_61 : i32
      %add3A_99 = arith.constant 1 : i32
      %add3A_100 = arith.addi %mul3A_98, %add3A_99 : i32
      %ge3A_101 = arith.constant 2 : i32
      %ge3A_102 = arith.cmpi sge, %add3A_100, %ge3A_101 : i32
      %convert_element_type3A_103 = arith.extui %ge3A_102 : i1 to i32
      %cond3A_104 = arith.constant 0 : i32
      %cond3A_105 = arith.cmpi ne, %convert_element_type3A_103, %cond3A_104 : i32
      scf.if %cond3A_105 {
        %sub3A = arith.constant 2 : i32
        %sub3A_257 = arith.subi %add3A_100, %sub3A : i32
        %mul3A_258 = arith.constant 40 : i32
        %mul3A_259 = arith.muli %sub3A_257, %mul3A_258 : i32
        %dma_wait3A_260 = tpu.memref_slice %arg9[%mul3A_259] : memref<10000xi32, #tpu.memory_space<vmem>> -> memref<40xi32, #tpu.memory_space<vmem>>
        %dma_wait3A_261 = arith.constant 0 : i32
        %dma_wait3A_262 = arith.constant 0 : i32
        %dma_wait3A_263 = tpu.memref_slice %arg15[%dma_wait3A_261, %dma_wait3A_262] : memref<10240x128xf32, #tpu.memory_space<vmem_shared>> -> memref<10240x128xf32, #tpu.memory_space<vmem_shared>>
        tpu.wait_indirect_dma semaphore(%arg25 : memref<!tpu.dma_semaphore, #tpu.memory_space<semaphore_mem>>) src(%arg14 : memref<40x128xf32, #tpu.memory_space<vmem>>) dst(%dma_wait3A_263 : memref<10240x128xf32, #tpu.memory_space<vmem_shared>>)
      } else {
      }
      %add3A_106 = arith.constant 3 : i32
      %add3A_107 = arith.addi %add3A_100, %add3A_106 : i32
      %lt3A_108 = arith.constant 250 : i32
      %lt3A_109 = arith.cmpi slt, %add3A_107, %lt3A_108 : i32
      %convert_element_type3A_110 = arith.extui %lt3A_109 : i1 to i32
      %cond3A_111 = arith.constant 0 : i32
      %cond3A_112 = arith.cmpi ne, %convert_element_type3A_110, %cond3A_111 : i32
      scf.if %cond3A_112 {
        %add3A_257 = arith.constant 3 : i32
        %add3A_258 = arith.addi %add3A_100, %add3A_257 : i32
        %mul3A_259 = arith.constant 40 : i32
        %mul3A_260 = arith.muli %add3A_258, %mul3A_259 : i32
        %dma_start3A_261 = tpu.memref_slice %arg8[%mul3A_260] : memref<10000xi32, #tpu.memory_space<vmem>> -> memref<40xi32, #tpu.memory_space<vmem>>
        %dma_start3A_262 = arith.constant 0 : i32
        %dma_start3A_263 = arith.constant 0 : i32
        %dma_start3A_264 = tpu.memref_slice %arg2[%dma_start3A_262, %dma_start3A_263] : memref<10000x128xf32, #tpu.memory_space<hbm>> -> memref<10000x128xf32, #tpu.memory_space<hbm>>
        tpu.enqueue_indirect_dma source(%dma_start3A_264 : memref<10000x128xf32, #tpu.memory_space<hbm>>) target(%arg14 : memref<40x128xf32, #tpu.memory_space<vmem>>) offsets(%dma_start3A_261 : memref<40xi32, #tpu.memory_space<vmem>>) semaphore(%arg20 : memref<!tpu.dma_semaphore, #tpu.memory_space<semaphore_mem>>)
      } else {
      }
      %mul3A_113 = arith.constant 40 : i32
      %mul3A_114 = arith.muli %add3A_100, %mul3A_113 : i32
      %dma_wait3A_115 = tpu.memref_slice %arg8[%mul3A_114] : memref<10000xi32, #tpu.memory_space<vmem>> -> memref<40xi32, #tpu.memory_space<vmem>>
      %dma_wait3A_116 = arith.constant 0 : i32
      %dma_wait3A_117 = arith.constant 0 : i32
      %dma_wait3A_118 = tpu.memref_slice %arg2[%dma_wait3A_116, %dma_wait3A_117] : memref<10000x128xf32, #tpu.memory_space<hbm>> -> memref<10000x128xf32, #tpu.memory_space<hbm>>
      tpu.wait_indirect_dma semaphore(%arg17 : memref<!tpu.dma_semaphore, #tpu.memory_space<semaphore_mem>>) src(%dma_wait3A_118 : memref<10000x128xf32, #tpu.memory_space<hbm>>) dst(%arg11 : memref<40x128xf32, #tpu.memory_space<vmem>>)
      %mul3A_119 = arith.constant 40 : i32
      %mul3A_120 = arith.muli %add3A_100, %mul3A_119 : i32
      %dma_start3A_121 = tpu.memref_slice %arg9[%mul3A_120] : memref<10000xi32, #tpu.memory_space<vmem>> -> memref<40xi32, #tpu.memory_space<vmem>>
      %dma_start3A_122 = arith.constant 0 : i32
      %dma_start3A_123 = arith.constant 0 : i32
      %dma_start3A_124 = tpu.memref_slice %arg15[%dma_start3A_122, %dma_start3A_123] : memref<10240x128xf32, #tpu.memory_space<vmem_shared>> -> memref<10240x128xf32, #tpu.memory_space<vmem_shared>>
      tpu.enqueue_indirect_dma source(%arg11 : memref<40x128xf32, #tpu.memory_space<vmem>>) target(%dma_start3A_124 : memref<10240x128xf32, #tpu.memory_space<vmem_shared>>) offsets(%dma_start3A_121 : memref<40xi32, #tpu.memory_space<vmem>>) semaphore(%arg22 : memref<!tpu.dma_semaphore, #tpu.memory_space<semaphore_mem>>) {add = true}
      %gt3A_125 = arith.constant 0 : i32
      %gt3A_126 = arith.cmpi sgt, %add3A_100, %gt3A_125 : i32
      %convert_element_type3A_127 = arith.extui %gt3A_126 : i1 to i32
      %cond3A_128 = arith.constant 0 : i32
      %cond3A_129 = arith.cmpi ne, %convert_element_type3A_127, %cond3A_128 : i32
      scf.if %cond3A_129 {
        %sub3A = arith.constant 1 : i32
        %sub3A_257 = arith.subi %add3A_100, %sub3A : i32
        %mul3A_258 = arith.constant 40 : i32
        %mul3A_259 = arith.muli %sub3A_257, %mul3A_258 : i32
        %dma_wait3A_260 = arith.constant 0 : i32
        %dma_wait3A_261 = tpu.memref_slice %arg26[%dma_wait3A_260] : memref<48xf32, #tpu.memory_space<vmem>> -> memref<40xf32, #tpu.memory_space<vmem>>
        %dma_wait3A_262 = tpu.memref_slice %arg9[%mul3A_259] : memref<10000xi32, #tpu.memory_space<vmem>> -> memref<40xi32, #tpu.memory_space<vmem>>
        %dma_wait3A_263 = arith.constant 0 : i32
        %dma_wait3A_264 = tpu.memref_slice %arg27[%dma_wait3A_263] : memref<10240xf32, #tpu.memory_space<vmem_shared>> -> memref<10240xf32, #tpu.memory_space<vmem_shared>>
        tpu.wait_indirect_dma semaphore(%arg28 : memref<!tpu.dma_semaphore, #tpu.memory_space<semaphore_mem>>) src(%dma_wait3A_261 : memref<40xf32, #tpu.memory_space<vmem>>) dst(%dma_wait3A_264 : memref<10240xf32, #tpu.memory_space<vmem_shared>>)
      } else {
      }
      %mul3A_130 = arith.constant 40 : i32
      %mul3A_131 = arith.muli %add3A_100, %mul3A_130 : i32
      %dma_start3A_132 = arith.constant 0 : i32
      %dma_start3A_133 = tpu.memref_slice %arg26[%dma_start3A_132] : memref<48xf32, #tpu.memory_space<vmem>> -> memref<40xf32, #tpu.memory_space<vmem>>
      %dma_start3A_134 = tpu.memref_slice %arg9[%mul3A_131] : memref<10000xi32, #tpu.memory_space<vmem>> -> memref<40xi32, #tpu.memory_space<vmem>>
      %dma_start3A_135 = arith.constant 0 : i32
      %dma_start3A_136 = tpu.memref_slice %arg27[%dma_start3A_135] : memref<10240xf32, #tpu.memory_space<vmem_shared>> -> memref<10240xf32, #tpu.memory_space<vmem_shared>>
      tpu.enqueue_indirect_dma source(%dma_start3A_133 : memref<40xf32, #tpu.memory_space<vmem>>) target(%dma_start3A_136 : memref<10240xf32, #tpu.memory_space<vmem_shared>>) offsets(%dma_start3A_134 : memref<40xi32, #tpu.memory_space<vmem>>) semaphore(%arg28 : memref<!tpu.dma_semaphore, #tpu.memory_space<semaphore_mem>>) {add = true}
      %mul3A_137 = arith.constant 5 : i32
      %mul3A_138 = arith.muli %mul3A_137, %scan3A_61 : i32
      %add3A_139 = arith.constant 2 : i32
      %add3A_140 = arith.addi %mul3A_138, %add3A_139 : i32
      %ge3A_141 = arith.constant 2 : i32
      %ge3A_142 = arith.cmpi sge, %add3A_140, %ge3A_141 : i32
      %convert_element_type3A_143 = arith.extui %ge3A_142 : i1 to i32
      %cond3A_144 = arith.constant 0 : i32
      %cond3A_145 = arith.cmpi ne, %convert_element_type3A_143, %cond3A_144 : i32
      scf.if %cond3A_145 {
        %sub3A = arith.constant 2 : i32
        %sub3A_257 = arith.subi %add3A_140, %sub3A : i32
        %mul3A_258 = arith.constant 40 : i32
        %mul3A_259 = arith.muli %sub3A_257, %mul3A_258 : i32
        %dma_wait3A_260 = tpu.memref_slice %arg9[%mul3A_259] : memref<10000xi32, #tpu.memory_space<vmem>> -> memref<40xi32, #tpu.memory_space<vmem>>
        %dma_wait3A_261 = arith.constant 0 : i32
        %dma_wait3A_262 = arith.constant 0 : i32
        %dma_wait3A_263 = tpu.memref_slice %arg15[%dma_wait3A_261, %dma_wait3A_262] : memref<10240x128xf32, #tpu.memory_space<vmem_shared>> -> memref<10240x128xf32, #tpu.memory_space<vmem_shared>>
        tpu.wait_indirect_dma semaphore(%arg21 : memref<!tpu.dma_semaphore, #tpu.memory_space<semaphore_mem>>) src(%arg10 : memref<40x128xf32, #tpu.memory_space<vmem>>) dst(%dma_wait3A_263 : memref<10240x128xf32, #tpu.memory_space<vmem_shared>>)
      } else {
      }
      %add3A_146 = arith.constant 3 : i32
      %add3A_147 = arith.addi %add3A_140, %add3A_146 : i32
      %lt3A_148 = arith.constant 250 : i32
      %lt3A_149 = arith.cmpi slt, %add3A_147, %lt3A_148 : i32
      %convert_element_type3A_150 = arith.extui %lt3A_149 : i1 to i32
      %cond3A_151 = arith.constant 0 : i32
      %cond3A_152 = arith.cmpi ne, %convert_element_type3A_150, %cond3A_151 : i32
      scf.if %cond3A_152 {
        %add3A_257 = arith.constant 3 : i32
        %add3A_258 = arith.addi %add3A_140, %add3A_257 : i32
        %mul3A_259 = arith.constant 40 : i32
        %mul3A_260 = arith.muli %add3A_258, %mul3A_259 : i32
        %dma_start3A_261 = tpu.memref_slice %arg8[%mul3A_260] : memref<10000xi32, #tpu.memory_space<vmem>> -> memref<40xi32, #tpu.memory_space<vmem>>
        %dma_start3A_262 = arith.constant 0 : i32
        %dma_start3A_263 = arith.constant 0 : i32
        %dma_start3A_264 = tpu.memref_slice %arg2[%dma_start3A_262, %dma_start3A_263] : memref<10000x128xf32, #tpu.memory_space<hbm>> -> memref<10000x128xf32, #tpu.memory_space<hbm>>
        tpu.enqueue_indirect_dma source(%dma_start3A_264 : memref<10000x128xf32, #tpu.memory_space<hbm>>) target(%arg10 : memref<40x128xf32, #tpu.memory_space<vmem>>) offsets(%dma_start3A_261 : memref<40xi32, #tpu.memory_space<vmem>>) semaphore(%arg16 : memref<!tpu.dma_semaphore, #tpu.memory_space<semaphore_mem>>)
      } else {
      }
      %mul3A_153 = arith.constant 40 : i32
      %mul3A_154 = arith.muli %add3A_140, %mul3A_153 : i32
      %dma_wait3A_155 = tpu.memref_slice %arg8[%mul3A_154] : memref<10000xi32, #tpu.memory_space<vmem>> -> memref<40xi32, #tpu.memory_space<vmem>>
      %dma_wait3A_156 = arith.constant 0 : i32
      %dma_wait3A_157 = arith.constant 0 : i32
      %dma_wait3A_158 = tpu.memref_slice %arg2[%dma_wait3A_156, %dma_wait3A_157] : memref<10000x128xf32, #tpu.memory_space<hbm>> -> memref<10000x128xf32, #tpu.memory_space<hbm>>
      tpu.wait_indirect_dma semaphore(%arg18 : memref<!tpu.dma_semaphore, #tpu.memory_space<semaphore_mem>>) src(%dma_wait3A_158 : memref<10000x128xf32, #tpu.memory_space<hbm>>) dst(%arg12 : memref<40x128xf32, #tpu.memory_space<vmem>>)
      %mul3A_159 = arith.constant 40 : i32
      %mul3A_160 = arith.muli %add3A_140, %mul3A_159 : i32
      %dma_start3A_161 = tpu.memref_slice %arg9[%mul3A_160] : memref<10000xi32, #tpu.memory_space<vmem>> -> memref<40xi32, #tpu.memory_space<vmem>>
      %dma_start3A_162 = arith.constant 0 : i32
      %dma_start3A_163 = arith.constant 0 : i32
      %dma_start3A_164 = tpu.memref_slice %arg15[%dma_start3A_162, %dma_start3A_163] : memref<10240x128xf32, #tpu.memory_space<vmem_shared>> -> memref<10240x128xf32, #tpu.memory_space<vmem_shared>>
      tpu.enqueue_indirect_dma source(%arg12 : memref<40x128xf32, #tpu.memory_space<vmem>>) target(%dma_start3A_164 : memref<10240x128xf32, #tpu.memory_space<vmem_shared>>) offsets(%dma_start3A_161 : memref<40xi32, #tpu.memory_space<vmem>>) semaphore(%arg23 : memref<!tpu.dma_semaphore, #tpu.memory_space<semaphore_mem>>) {add = true}
      %gt3A_165 = arith.constant 0 : i32
      %gt3A_166 = arith.cmpi sgt, %add3A_140, %gt3A_165 : i32
      %convert_element_type3A_167 = arith.extui %gt3A_166 : i1 to i32
      %cond3A_168 = arith.constant 0 : i32
      %cond3A_169 = arith.cmpi ne, %convert_element_type3A_167, %cond3A_168 : i32
      scf.if %cond3A_169 {
        %sub3A = arith.constant 1 : i32
        %sub3A_257 = arith.subi %add3A_140, %sub3A : i32
        %mul3A_258 = arith.constant 40 : i32
        %mul3A_259 = arith.muli %sub3A_257, %mul3A_258 : i32
        %dma_wait3A_260 = arith.constant 0 : i32
        %dma_wait3A_261 = tpu.memref_slice %arg26[%dma_wait3A_260] : memref<48xf32, #tpu.memory_space<vmem>> -> memref<40xf32, #tpu.memory_space<vmem>>
        %dma_wait3A_262 = tpu.memref_slice %arg9[%mul3A_259] : memref<10000xi32, #tpu.memory_space<vmem>> -> memref<40xi32, #tpu.memory_space<vmem>>
        %dma_wait3A_263 = arith.constant 0 : i32
        %dma_wait3A_264 = tpu.memref_slice %arg27[%dma_wait3A_263] : memref<10240xf32, #tpu.memory_space<vmem_shared>> -> memref<10240xf32, #tpu.memory_space<vmem_shared>>
        tpu.wait_indirect_dma semaphore(%arg28 : memref<!tpu.dma_semaphore, #tpu.memory_space<semaphore_mem>>) src(%dma_wait3A_261 : memref<40xf32, #tpu.memory_space<vmem>>) dst(%dma_wait3A_264 : memref<10240xf32, #tpu.memory_space<vmem_shared>>)
      } else {
      }
      %mul3A_170 = arith.constant 40 : i32
      %mul3A_171 = arith.muli %add3A_140, %mul3A_170 : i32
      %dma_start3A_172 = arith.constant 0 : i32
      %dma_start3A_173 = tpu.memref_slice %arg26[%dma_start3A_172] : memref<48xf32, #tpu.memory_space<vmem>> -> memref<40xf32, #tpu.memory_space<vmem>>
      %dma_start3A_174 = tpu.memref_slice %arg9[%mul3A_171] : memref<10000xi32, #tpu.memory_space<vmem>> -> memref<40xi32, #tpu.memory_space<vmem>>
      %dma_start3A_175 = arith.constant 0 : i32
      %dma_start3A_176 = tpu.memref_slice %arg27[%dma_start3A_175] : memref<10240xf32, #tpu.memory_space<vmem_shared>> -> memref<10240xf32, #tpu.memory_space<vmem_shared>>
      tpu.enqueue_indirect_dma source(%dma_start3A_173 : memref<40xf32, #tpu.memory_space<vmem>>) target(%dma_start3A_176 : memref<10240xf32, #tpu.memory_space<vmem_shared>>) offsets(%dma_start3A_174 : memref<40xi32, #tpu.memory_space<vmem>>) semaphore(%arg28 : memref<!tpu.dma_semaphore, #tpu.memory_space<semaphore_mem>>) {add = true}
      %mul3A_177 = arith.constant 5 : i32
      %mul3A_178 = arith.muli %mul3A_177, %scan3A_61 : i32
      %add3A_179 = arith.constant 3 : i32
      %add3A_180 = arith.addi %mul3A_178, %add3A_179 : i32
      %ge3A_181 = arith.constant 2 : i32
      %ge3A_182 = arith.cmpi sge, %add3A_180, %ge3A_181 : i32
      %convert_element_type3A_183 = arith.extui %ge3A_182 : i1 to i32
      %cond3A_184 = arith.constant 0 : i32
      %cond3A_185 = arith.cmpi ne, %convert_element_type3A_183, %cond3A_184 : i32
      scf.if %cond3A_185 {
        %sub3A = arith.constant 2 : i32
        %sub3A_257 = arith.subi %add3A_180, %sub3A : i32
        %mul3A_258 = arith.constant 40 : i32
        %mul3A_259 = arith.muli %sub3A_257, %mul3A_258 : i32
        %dma_wait3A_260 = tpu.memref_slice %arg9[%mul3A_259] : memref<10000xi32, #tpu.memory_space<vmem>> -> memref<40xi32, #tpu.memory_space<vmem>>
        %dma_wait3A_261 = arith.constant 0 : i32
        %dma_wait3A_262 = arith.constant 0 : i32
        %dma_wait3A_263 = tpu.memref_slice %arg15[%dma_wait3A_261, %dma_wait3A_262] : memref<10240x128xf32, #tpu.memory_space<vmem_shared>> -> memref<10240x128xf32, #tpu.memory_space<vmem_shared>>
        tpu.wait_indirect_dma semaphore(%arg22 : memref<!tpu.dma_semaphore, #tpu.memory_space<semaphore_mem>>) src(%arg11 : memref<40x128xf32, #tpu.memory_space<vmem>>) dst(%dma_wait3A_263 : memref<10240x128xf32, #tpu.memory_space<vmem_shared>>)
      } else {
      }
      %add3A_186 = arith.constant 3 : i32
      %add3A_187 = arith.addi %add3A_180, %add3A_186 : i32
      %lt3A_188 = arith.constant 250 : i32
      %lt3A_189 = arith.cmpi slt, %add3A_187, %lt3A_188 : i32
      %convert_element_type3A_190 = arith.extui %lt3A_189 : i1 to i32
      %cond3A_191 = arith.constant 0 : i32
      %cond3A_192 = arith.cmpi ne, %convert_element_type3A_190, %cond3A_191 : i32
      scf.if %cond3A_192 {
        %add3A_257 = arith.constant 3 : i32
        %add3A_258 = arith.addi %add3A_180, %add3A_257 : i32
        %mul3A_259 = arith.constant 40 : i32
        %mul3A_260 = arith.muli %add3A_258, %mul3A_259 : i32
        %dma_start3A_261 = tpu.memref_slice %arg8[%mul3A_260] : memref<10000xi32, #tpu.memory_space<vmem>> -> memref<40xi32, #tpu.memory_space<vmem>>
        %dma_start3A_262 = arith.constant 0 : i32
        %dma_start3A_263 = arith.constant 0 : i32
        %dma_start3A_264 = tpu.memref_slice %arg2[%dma_start3A_262, %dma_start3A_263] : memref<10000x128xf32, #tpu.memory_space<hbm>> -> memref<10000x128xf32, #tpu.memory_space<hbm>>
        tpu.enqueue_indirect_dma source(%dma_start3A_264 : memref<10000x128xf32, #tpu.memory_space<hbm>>) target(%arg11 : memref<40x128xf32, #tpu.memory_space<vmem>>) offsets(%dma_start3A_261 : memref<40xi32, #tpu.memory_space<vmem>>) semaphore(%arg17 : memref<!tpu.dma_semaphore, #tpu.memory_space<semaphore_mem>>)
      } else {
      }
      %mul3A_193 = arith.constant 40 : i32
      %mul3A_194 = arith.muli %add3A_180, %mul3A_193 : i32
      %dma_wait3A_195 = tpu.memref_slice %arg8[%mul3A_194] : memref<10000xi32, #tpu.memory_space<vmem>> -> memref<40xi32, #tpu.memory_space<vmem>>
      %dma_wait3A_196 = arith.constant 0 : i32
      %dma_wait3A_197 = arith.constant 0 : i32
      %dma_wait3A_198 = tpu.memref_slice %arg2[%dma_wait3A_196, %dma_wait3A_197] : memref<10000x128xf32, #tpu.memory_space<hbm>> -> memref<10000x128xf32, #tpu.memory_space<hbm>>
      tpu.wait_indirect_dma semaphore(%arg19 : memref<!tpu.dma_semaphore, #tpu.memory_space<semaphore_mem>>) src(%dma_wait3A_198 : memref<10000x128xf32, #tpu.memory_space<hbm>>) dst(%arg13 : memref<40x128xf32, #tpu.memory_space<vmem>>)
      %mul3A_199 = arith.constant 40 : i32
      %mul3A_200 = arith.muli %add3A_180, %mul3A_199 : i32
      %dma_start3A_201 = tpu.memref_slice %arg9[%mul3A_200] : memref<10000xi32, #tpu.memory_space<vmem>> -> memref<40xi32, #tpu.memory_space<vmem>>
      %dma_start3A_202 = arith.constant 0 : i32
      %dma_start3A_203 = arith.constant 0 : i32
      %dma_start3A_204 = tpu.memref_slice %arg15[%dma_start3A_202, %dma_start3A_203] : memref<10240x128xf32, #tpu.memory_space<vmem_shared>> -> memref<10240x128xf32, #tpu.memory_space<vmem_shared>>
      tpu.enqueue_indirect_dma source(%arg13 : memref<40x128xf32, #tpu.memory_space<vmem>>) target(%dma_start3A_204 : memref<10240x128xf32, #tpu.memory_space<vmem_shared>>) offsets(%dma_start3A_201 : memref<40xi32, #tpu.memory_space<vmem>>) semaphore(%arg24 : memref<!tpu.dma_semaphore, #tpu.memory_space<semaphore_mem>>) {add = true}
      %gt3A_205 = arith.constant 0 : i32
      %gt3A_206 = arith.cmpi sgt, %add3A_180, %gt3A_205 : i32
      %convert_element_type3A_207 = arith.extui %gt3A_206 : i1 to i32
      %cond3A_208 = arith.constant 0 : i32
      %cond3A_209 = arith.cmpi ne, %convert_element_type3A_207, %cond3A_208 : i32
      scf.if %cond3A_209 {
        %sub3A = arith.constant 1 : i32
        %sub3A_257 = arith.subi %add3A_180, %sub3A : i32
        %mul3A_258 = arith.constant 40 : i32
        %mul3A_259 = arith.muli %sub3A_257, %mul3A_258 : i32
        %dma_wait3A_260 = arith.constant 0 : i32
        %dma_wait3A_261 = tpu.memref_slice %arg26[%dma_wait3A_260] : memref<48xf32, #tpu.memory_space<vmem>> -> memref<40xf32, #tpu.memory_space<vmem>>
        %dma_wait3A_262 = tpu.memref_slice %arg9[%mul3A_259] : memref<10000xi32, #tpu.memory_space<vmem>> -> memref<40xi32, #tpu.memory_space<vmem>>
        %dma_wait3A_263 = arith.constant 0 : i32
        %dma_wait3A_264 = tpu.memref_slice %arg27[%dma_wait3A_263] : memref<10240xf32, #tpu.memory_space<vmem_shared>> -> memref<10240xf32, #tpu.memory_space<vmem_shared>>
        tpu.wait_indirect_dma semaphore(%arg28 : memref<!tpu.dma_semaphore, #tpu.memory_space<semaphore_mem>>) src(%dma_wait3A_261 : memref<40xf32, #tpu.memory_space<vmem>>) dst(%dma_wait3A_264 : memref<10240xf32, #tpu.memory_space<vmem_shared>>)
      } else {
      }
      %mul3A_210 = arith.constant 40 : i32
      %mul3A_211 = arith.muli %add3A_180, %mul3A_210 : i32
      %dma_start3A_212 = arith.constant 0 : i32
      %dma_start3A_213 = tpu.memref_slice %arg26[%dma_start3A_212] : memref<48xf32, #tpu.memory_space<vmem>> -> memref<40xf32, #tpu.memory_space<vmem>>
      %dma_start3A_214 = tpu.memref_slice %arg9[%mul3A_211] : memref<10000xi32, #tpu.memory_space<vmem>> -> memref<40xi32, #tpu.memory_space<vmem>>
      %dma_start3A_215 = arith.constant 0 : i32
      %dma_start3A_216 = tpu.memref_slice %arg27[%dma_start3A_215] : memref<10240xf32, #tpu.memory_space<vmem_shared>> -> memref<10240xf32, #tpu.memory_space<vmem_shared>>
      tpu.enqueue_indirect_dma source(%dma_start3A_213 : memref<40xf32, #tpu.memory_space<vmem>>) target(%dma_start3A_216 : memref<10240xf32, #tpu.memory_space<vmem_shared>>) offsets(%dma_start3A_214 : memref<40xi32, #tpu.memory_space<vmem>>) semaphore(%arg28 : memref<!tpu.dma_semaphore, #tpu.memory_space<semaphore_mem>>) {add = true}
      %mul3A_217 = arith.constant 5 : i32
      %mul3A_218 = arith.muli %mul3A_217, %scan3A_61 : i32
      %add3A_219 = arith.constant 4 : i32
      %add3A_220 = arith.addi %mul3A_218, %add3A_219 : i32
      %ge3A_221 = arith.constant 2 : i32
      %ge3A_222 = arith.cmpi sge, %add3A_220, %ge3A_221 : i32
      %convert_element_type3A_223 = arith.extui %ge3A_222 : i1 to i32
      %cond3A_224 = arith.constant 0 : i32
      %cond3A_225 = arith.cmpi ne, %convert_element_type3A_223, %cond3A_224 : i32
      scf.if %cond3A_225 {
        %sub3A = arith.constant 2 : i32
        %sub3A_257 = arith.subi %add3A_220, %sub3A : i32
        %mul3A_258 = arith.constant 40 : i32
        %mul3A_259 = arith.muli %sub3A_257, %mul3A_258 : i32
        %dma_wait3A_260 = tpu.memref_slice %arg9[%mul3A_259] : memref<10000xi32, #tpu.memory_space<vmem>> -> memref<40xi32, #tpu.memory_space<vmem>>
        %dma_wait3A_261 = arith.constant 0 : i32
        %dma_wait3A_262 = arith.constant 0 : i32
        %dma_wait3A_263 = tpu.memref_slice %arg15[%dma_wait3A_261, %dma_wait3A_262] : memref<10240x128xf32, #tpu.memory_space<vmem_shared>> -> memref<10240x128xf32, #tpu.memory_space<vmem_shared>>
        tpu.wait_indirect_dma semaphore(%arg23 : memref<!tpu.dma_semaphore, #tpu.memory_space<semaphore_mem>>) src(%arg12 : memref<40x128xf32, #tpu.memory_space<vmem>>) dst(%dma_wait3A_263 : memref<10240x128xf32, #tpu.memory_space<vmem_shared>>)
      } else {
      }
      %add3A_226 = arith.constant 3 : i32
      %add3A_227 = arith.addi %add3A_220, %add3A_226 : i32
      %lt3A_228 = arith.constant 250 : i32
      %lt3A_229 = arith.cmpi slt, %add3A_227, %lt3A_228 : i32
      %convert_element_type3A_230 = arith.extui %lt3A_229 : i1 to i32
      %cond3A_231 = arith.constant 0 : i32
      %cond3A_232 = arith.cmpi ne, %convert_element_type3A_230, %cond3A_231 : i32
      scf.if %cond3A_232 {
        %add3A_257 = arith.constant 3 : i32
        %add3A_258 = arith.addi %add3A_220, %add3A_257 : i32
        %mul3A_259 = arith.constant 40 : i32
        %mul3A_260 = arith.muli %add3A_258, %mul3A_259 : i32
        %dma_start3A_261 = tpu.memref_slice %arg8[%mul3A_260] : memref<10000xi32, #tpu.memory_space<vmem>> -> memref<40xi32, #tpu.memory_space<vmem>>
        %dma_start3A_262 = arith.constant 0 : i32
        %dma_start3A_263 = arith.constant 0 : i32
        %dma_start3A_264 = tpu.memref_slice %arg2[%dma_start3A_262, %dma_start3A_263] : memref<10000x128xf32, #tpu.memory_space<hbm>> -> memref<10000x128xf32, #tpu.memory_space<hbm>>
        tpu.enqueue_indirect_dma source(%dma_start3A_264 : memref<10000x128xf32, #tpu.memory_space<hbm>>) target(%arg12 : memref<40x128xf32, #tpu.memory_space<vmem>>) offsets(%dma_start3A_261 : memref<40xi32, #tpu.memory_space<vmem>>) semaphore(%arg18 : memref<!tpu.dma_semaphore, #tpu.memory_space<semaphore_mem>>)
      } else {
      }
      %mul3A_233 = arith.constant 40 : i32
      %mul3A_234 = arith.muli %add3A_220, %mul3A_233 : i32
      %dma_wait3A_235 = tpu.memref_slice %arg8[%mul3A_234] : memref<10000xi32, #tpu.memory_space<vmem>> -> memref<40xi32, #tpu.memory_space<vmem>>
      %dma_wait3A_236 = arith.constant 0 : i32
      %dma_wait3A_237 = arith.constant 0 : i32
      %dma_wait3A_238 = tpu.memref_slice %arg2[%dma_wait3A_236, %dma_wait3A_237] : memref<10000x128xf32, #tpu.memory_space<hbm>> -> memref<10000x128xf32, #tpu.memory_space<hbm>>
      tpu.wait_indirect_dma semaphore(%arg20 : memref<!tpu.dma_semaphore, #tpu.memory_space<semaphore_mem>>) src(%dma_wait3A_238 : memref<10000x128xf32, #tpu.memory_space<hbm>>) dst(%arg14 : memref<40x128xf32, #tpu.memory_space<vmem>>)
      %mul3A_239 = arith.constant 40 : i32
      %mul3A_240 = arith.muli %add3A_220, %mul3A_239 : i32
      %dma_start3A_241 = tpu.memref_slice %arg9[%mul3A_240] : memref<10000xi32, #tpu.memory_space<vmem>> -> memref<40xi32, #tpu.memory_space<vmem>>
      %dma_start3A_242 = arith.constant 0 : i32
      %dma_start3A_243 = arith.constant 0 : i32
      %dma_start3A_244 = tpu.memref_slice %arg15[%dma_start3A_242, %dma_start3A_243] : memref<10240x128xf32, #tpu.memory_space<vmem_shared>> -> memref<10240x128xf32, #tpu.memory_space<vmem_shared>>
      tpu.enqueue_indirect_dma source(%arg14 : memref<40x128xf32, #tpu.memory_space<vmem>>) target(%dma_start3A_244 : memref<10240x128xf32, #tpu.memory_space<vmem_shared>>) offsets(%dma_start3A_241 : memref<40xi32, #tpu.memory_space<vmem>>) semaphore(%arg25 : memref<!tpu.dma_semaphore, #tpu.memory_space<semaphore_mem>>) {add = true}
      %gt3A_245 = arith.constant 0 : i32
      %gt3A_246 = arith.cmpi sgt, %add3A_220, %gt3A_245 : i32
      %convert_element_type3A_247 = arith.extui %gt3A_246 : i1 to i32
      %cond3A_248 = arith.constant 0 : i32
      %cond3A_249 = arith.cmpi ne, %convert_element_type3A_247, %cond3A_248 : i32
      scf.if %cond3A_249 {
        %sub3A = arith.constant 1 : i32
        %sub3A_257 = arith.subi %add3A_220, %sub3A : i32
        %mul3A_258 = arith.constant 40 : i32
        %mul3A_259 = arith.muli %sub3A_257, %mul3A_258 : i32
        %dma_wait3A_260 = arith.constant 0 : i32
        %dma_wait3A_261 = tpu.memref_slice %arg26[%dma_wait3A_260] : memref<48xf32, #tpu.memory_space<vmem>> -> memref<40xf32, #tpu.memory_space<vmem>>
        %dma_wait3A_262 = tpu.memref_slice %arg9[%mul3A_259] : memref<10000xi32, #tpu.memory_space<vmem>> -> memref<40xi32, #tpu.memory_space<vmem>>
        %dma_wait3A_263 = arith.constant 0 : i32
        %dma_wait3A_264 = tpu.memref_slice %arg27[%dma_wait3A_263] : memref<10240xf32, #tpu.memory_space<vmem_shared>> -> memref<10240xf32, #tpu.memory_space<vmem_shared>>
        tpu.wait_indirect_dma semaphore(%arg28 : memref<!tpu.dma_semaphore, #tpu.memory_space<semaphore_mem>>) src(%dma_wait3A_261 : memref<40xf32, #tpu.memory_space<vmem>>) dst(%dma_wait3A_264 : memref<10240xf32, #tpu.memory_space<vmem_shared>>)
      } else {
      }
      %mul3A_250 = arith.constant 40 : i32
      %mul3A_251 = arith.muli %add3A_220, %mul3A_250 : i32
      %dma_start3A_252 = arith.constant 0 : i32
      %dma_start3A_253 = tpu.memref_slice %arg26[%dma_start3A_252] : memref<48xf32, #tpu.memory_space<vmem>> -> memref<40xf32, #tpu.memory_space<vmem>>
      %dma_start3A_254 = tpu.memref_slice %arg9[%mul3A_251] : memref<10000xi32, #tpu.memory_space<vmem>> -> memref<40xi32, #tpu.memory_space<vmem>>
      %dma_start3A_255 = arith.constant 0 : i32
      %dma_start3A_256 = tpu.memref_slice %arg27[%dma_start3A_255] : memref<10240xf32, #tpu.memory_space<vmem_shared>> -> memref<10240xf32, #tpu.memory_space<vmem_shared>>
      tpu.enqueue_indirect_dma source(%dma_start3A_253 : memref<40xf32, #tpu.memory_space<vmem>>) target(%dma_start3A_256 : memref<10240xf32, #tpu.memory_space<vmem_shared>>) offsets(%dma_start3A_254 : memref<40xi32, #tpu.memory_space<vmem>>) semaphore(%arg28 : memref<!tpu.dma_semaphore, #tpu.memory_space<semaphore_mem>>) {add = true}
    }
    %scan3A_36 = arith.constant 50 : i32
    %dma_wait3A = arith.constant 9920 : i32
    %dma_wait3A_37 = tpu.memref_slice %arg9[%dma_wait3A] : memref<10000xi32, #tpu.memory_space<vmem>> -> memref<40xi32, #tpu.memory_space<vmem>>
    %dma_wait3A_38 = arith.constant 0 : i32
    %dma_wait3A_39 = arith.constant 0 : i32
    %dma_wait3A_40 = tpu.memref_slice %arg15[%dma_wait3A_38, %dma_wait3A_39] : memref<10240x128xf32, #tpu.memory_space<vmem_shared>> -> memref<10240x128xf32, #tpu.memory_space<vmem_shared>>
    tpu.wait_indirect_dma semaphore(%arg24 : memref<!tpu.dma_semaphore, #tpu.memory_space<semaphore_mem>>) src(%arg13 : memref<40x128xf32, #tpu.memory_space<vmem>>) dst(%dma_wait3A_40 : memref<10240x128xf32, #tpu.memory_space<vmem_shared>>)
    %dma_wait3A_41 = arith.constant 9960 : i32
    %dma_wait3A_42 = tpu.memref_slice %arg9[%dma_wait3A_41] : memref<10000xi32, #tpu.memory_space<vmem>> -> memref<40xi32, #tpu.memory_space<vmem>>
    %dma_wait3A_43 = arith.constant 0 : i32
    %dma_wait3A_44 = arith.constant 0 : i32
    %dma_wait3A_45 = tpu.memref_slice %arg15[%dma_wait3A_43, %dma_wait3A_44] : memref<10240x128xf32, #tpu.memory_space<vmem_shared>> -> memref<10240x128xf32, #tpu.memory_space<vmem_shared>>
    tpu.wait_indirect_dma semaphore(%arg25 : memref<!tpu.dma_semaphore, #tpu.memory_space<semaphore_mem>>) src(%arg14 : memref<40x128xf32, #tpu.memory_space<vmem>>) dst(%dma_wait3A_45 : memref<10240x128xf32, #tpu.memory_space<vmem_shared>>)
    %dma_wait3A_46 = arith.constant 0 : i32
    %dma_wait3A_47 = tpu.memref_slice %arg26[%dma_wait3A_46] : memref<48xf32, #tpu.memory_space<vmem>> -> memref<40xf32, #tpu.memory_space<vmem>>
    %dma_wait3A_48 = arith.constant 9960 : i32
    %dma_wait3A_49 = tpu.memref_slice %arg9[%dma_wait3A_48] : memref<10000xi32, #tpu.memory_space<vmem>> -> memref<40xi32, #tpu.memory_space<vmem>>
    %dma_wait3A_50 = arith.constant 0 : i32
    %dma_wait3A_51 = tpu.memref_slice %arg27[%dma_wait3A_50] : memref<10240xf32, #tpu.memory_space<vmem_shared>> -> memref<10240xf32, #tpu.memory_space<vmem_shared>>
    tpu.wait_indirect_dma semaphore(%arg28 : memref<!tpu.dma_semaphore, #tpu.memory_space<semaphore_mem>>) src(%dma_wait3A_47 : memref<40xf32, #tpu.memory_space<vmem>>) dst(%dma_wait3A_51 : memref<10240xf32, #tpu.memory_space<vmem_shared>>)
    %barrier3A_52 = arith.constant 0 : index
    tpu.barrier barrier_id(%barrier3A_52)
    %mul3A_53 = arith.constant 640 : i32
    %mul3A_54 = arith.muli %arg1, %mul3A_53 : i32
    %mul3A_55 = arith.constant 640 : i32
    %mul3A_56 = arith.muli %arg1, %mul3A_55 : i32
    "tpu.region"() ({
      %run_scoped3A_61 = tpu.sem_alloc : memref<!tpu.dma_semaphore, #tpu.memory_space<semaphore_mem>>
      %dma_start3A_62 = arith.constant 0 : i32
      %dma_start3A_63 = tpu.memref_slice %arg6[%arg0, %mul3A_56, %dma_start3A_62] : memref<2x10240x128xf32, #tpu.memory_space<hbm>> -> memref<1x640x128xf32, #tpu.memory_space<hbm>>
      %dma_start3A_64 = tpu.memref_squeeze %dma_start3A_63 : memref<1x640x128xf32, #tpu.memory_space<hbm>> -> memref<640x128xf32, #tpu.memory_space<hbm>>
      %dma_start3A_65 = arith.constant 0 : i32
      %dma_start3A_66 = tpu.memref_slice %arg15[%mul3A_54, %dma_start3A_65] : memref<10240x128xf32, #tpu.memory_space<vmem_shared>> -> memref<640x128xf32, #tpu.memory_space<vmem_shared>>
      tpu.enqueue_dma source(%dma_start3A_66 : memref<640x128xf32, #tpu.memory_space<vmem_shared>>) target(%dma_start3A_64 : memref<640x128xf32, #tpu.memory_space<hbm>>) target_semaphore(%run_scoped3A_61 : memref<!tpu.dma_semaphore, #tpu.memory_space<semaphore_mem>>)
      %dma_wait3A_67 = arith.constant 0 : i32
      %dma_wait3A_68 = tpu.memref_slice %arg6[%arg0, %mul3A_56, %dma_wait3A_67] : memref<2x10240x128xf32, #tpu.memory_space<hbm>> -> memref<1x640x128xf32, #tpu.memory_space<hbm>>
      %dma_wait3A_69 = tpu.memref_squeeze %dma_wait3A_68 : memref<1x640x128xf32, #tpu.memory_space<hbm>> -> memref<640x128xf32, #tpu.memory_space<hbm>>
      %dma_wait3A_70 = arith.constant 0 : i32
      %dma_wait3A_71 = tpu.memref_slice %arg15[%mul3A_54, %dma_wait3A_70] : memref<10240x128xf32, #tpu.memory_space<vmem_shared>> -> memref<640x128xf32, #tpu.memory_space<vmem_shared>>
      tpu.wait_dma2 semaphore(%run_scoped3A_61 : memref<!tpu.dma_semaphore, #tpu.memory_space<semaphore_mem>>) src(%dma_wait3A_71 : memref<640x128xf32, #tpu.memory_space<vmem_shared>>) dst(%dma_wait3A_69 : memref<640x128xf32, #tpu.memory_space<hbm>>)
      tpu.yield
    }) : () -> ()
    %mul3A_57 = arith.constant 640 : i32
    %mul3A_58 = arith.muli %arg1, %mul3A_57 : i32
    %mul3A_59 = arith.constant 640 : i32
    %mul3A_60 = arith.muli %arg1, %mul3A_59 : i32
    "tpu.region"() ({
      %run_scoped3A_61 = tpu.sem_alloc : memref<!tpu.dma_semaphore, #tpu.memory_space<semaphore_mem>>
      %dma_start3A_62 = tpu.memref_slice %arg7[%arg0, %mul3A_60] : memref<2x10240xf32, #tpu.memory_space<hbm>> -> memref<1x640xf32, #tpu.memory_space<hbm>>
      %dma_start3A_63 = tpu.memref_squeeze %dma_start3A_62 : memref<1x640xf32, #tpu.memory_space<hbm>> -> memref<640xf32, #tpu.memory_space<hbm>>
      %dma_start3A_64 = tpu.memref_slice %arg27[%mul3A_58] : memref<10240xf32, #tpu.memory_space<vmem_shared>> -> memref<640xf32, #tpu.memory_space<vmem_shared>>
      tpu.enqueue_dma source(%dma_start3A_64 : memref<640xf32, #tpu.memory_space<vmem_shared>>) target(%dma_start3A_63 : memref<640xf32, #tpu.memory_space<hbm>>) target_semaphore(%run_scoped3A_61 : memref<!tpu.dma_semaphore, #tpu.memory_space<semaphore_mem>>)
      %dma_wait3A_65 = tpu.memref_slice %arg7[%arg0, %mul3A_60] : memref<2x10240xf32, #tpu.memory_space<hbm>> -> memref<1x640xf32, #tpu.memory_space<hbm>>
      %dma_wait3A_66 = tpu.memref_squeeze %dma_wait3A_65 : memref<1x640xf32, #tpu.memory_space<hbm>> -> memref<640xf32, #tpu.memory_space<hbm>>
      %dma_wait3A_67 = tpu.memref_slice %arg27[%mul3A_58] : memref<10240xf32, #tpu.memory_space<vmem_shared>> -> memref<640xf32, #tpu.memory_space<vmem_shared>>
      tpu.wait_dma2 semaphore(%run_scoped3A_61 : memref<!tpu.dma_semaphore, #tpu.memory_space<semaphore_mem>>) src(%dma_wait3A_67 : memref<640xf32, #tpu.memory_space<vmem_shared>>) dst(%dma_wait3A_66 : memref<640xf32, #tpu.memory_space<hbm>>)
      tpu.yield
    }) : () -> ()
    return
  }
}

#map = affine_map<(d0, d1) -> (0, 0)>
module attributes {stable_mosaic.version = 14 : i64} {
  func.func @sc_edge(%arg0: i32, %arg1: i32, %arg2: memref<32x10240xf32, #tpu.memory_space<hbm>>, %arg3: memref<32x10240xf32, #tpu.memory_space<hbm>>, %arg4: memref<2x320000xi32, #tpu.memory_space<hbm>>, %arg5: memref<32x320000xf32, #tpu.memory_space<hbm>>, %arg6: memref<10000xi32, #tpu.memory_space<vmem>>, %arg7: memref<10000xi32, #tpu.memory_space<vmem>>, %arg8: memref<2x2x10240xf32, #tpu.memory_space<vmem>>, %arg9: memref<2x2x10240xf32, #tpu.memory_space<vmem>>, %arg10: memref<2x10000xf32, #tpu.memory_space<vmem>>, %arg11: memref<!tpu.dma_semaphore, #tpu.memory_space<semaphore_mem>>, %arg12: memref<!tpu.dma_semaphore, #tpu.memory_space<semaphore_mem>>, %arg13: memref<!tpu.dma_semaphore, #tpu.memory_space<semaphore_mem>>) attributes {dimension_semantics = [#tpu.dimension_semantics<core_parallel>, #tpu.dimension_semantics<subcore_parallel>], iteration_bounds = array<i64: 2, 16>, scalar_prefetch = 0 : i64, scratch_operands = 8 : i64, tpu.core_type = #tpu.core_type<sc_vector_subcore>, window_params = [{transform_indices = #map}, {transform_indices = #map}, {transform_indices = #map}, {transform_indices = #map}]} {
    %mul3A = arith.constant 16 : i32
    %mul3A_0 = arith.muli %arg0, %mul3A : i32
    %add3A = arith.addi %mul3A_0, %arg1 : i32
    %mul3A_1 = arith.constant 10000 : i32
    %mul3A_2 = arith.muli %add3A, %mul3A_1 : i32
    %run_scoped3A = arith.constant 0 : i32
    "tpu.region"() ({
      %run_scoped3A_41 = tpu.sem_alloc : memref<!tpu.dma_semaphore, #tpu.memory_space<semaphore_mem>>
      %dma_start3A_42 = tpu.memref_slice %arg4[%run_scoped3A, %mul3A_2] : memref<2x320000xi32, #tpu.memory_space<hbm>> -> memref<1x10000xi32, #tpu.memory_space<hbm>>
      %dma_start3A_43 = tpu.memref_squeeze %dma_start3A_42 : memref<1x10000xi32, #tpu.memory_space<hbm>> -> memref<10000xi32, #tpu.memory_space<hbm>>
      %dma_start3A_44 = tpu.memref_slice %arg4[%run_scoped3A, %mul3A_2] : memref<2x320000xi32, #tpu.memory_space<hbm>> -> memref<1x10000xi32, #tpu.memory_space<hbm>>
      %dma_start3A_45 = tpu.memref_squeeze %dma_start3A_44 : memref<1x10000xi32, #tpu.memory_space<hbm>> -> memref<10000xi32, #tpu.memory_space<hbm>>
      tpu.enqueue_dma source(%dma_start3A_45 : memref<10000xi32, #tpu.memory_space<hbm>>) target(%arg6 : memref<10000xi32, #tpu.memory_space<vmem>>) target_semaphore(%run_scoped3A_41 : memref<!tpu.dma_semaphore, #tpu.memory_space<semaphore_mem>>)
      %dma_wait3A_46 = tpu.memref_slice %arg4[%run_scoped3A, %mul3A_2] : memref<2x320000xi32, #tpu.memory_space<hbm>> -> memref<1x10000xi32, #tpu.memory_space<hbm>>
      %dma_wait3A_47 = tpu.memref_squeeze %dma_wait3A_46 : memref<1x10000xi32, #tpu.memory_space<hbm>> -> memref<10000xi32, #tpu.memory_space<hbm>>
      %dma_wait3A_48 = tpu.memref_slice %arg4[%run_scoped3A, %mul3A_2] : memref<2x320000xi32, #tpu.memory_space<hbm>> -> memref<1x10000xi32, #tpu.memory_space<hbm>>
      %dma_wait3A_49 = tpu.memref_squeeze %dma_wait3A_48 : memref<1x10000xi32, #tpu.memory_space<hbm>> -> memref<10000xi32, #tpu.memory_space<hbm>>
      tpu.wait_dma2 semaphore(%run_scoped3A_41 : memref<!tpu.dma_semaphore, #tpu.memory_space<semaphore_mem>>) src(%dma_wait3A_49 : memref<10000xi32, #tpu.memory_space<hbm>>) dst(%arg6 : memref<10000xi32, #tpu.memory_space<vmem>>)
      tpu.yield
    }) : () -> ()
    %run_scoped3A_3 = arith.constant 1 : i32
    "tpu.region"() ({
      %run_scoped3A_41 = tpu.sem_alloc : memref<!tpu.dma_semaphore, #tpu.memory_space<semaphore_mem>>
      %dma_start3A_42 = tpu.memref_slice %arg4[%run_scoped3A_3, %mul3A_2] : memref<2x320000xi32, #tpu.memory_space<hbm>> -> memref<1x10000xi32, #tpu.memory_space<hbm>>
      %dma_start3A_43 = tpu.memref_squeeze %dma_start3A_42 : memref<1x10000xi32, #tpu.memory_space<hbm>> -> memref<10000xi32, #tpu.memory_space<hbm>>
      %dma_start3A_44 = tpu.memref_slice %arg4[%run_scoped3A_3, %mul3A_2] : memref<2x320000xi32, #tpu.memory_space<hbm>> -> memref<1x10000xi32, #tpu.memory_space<hbm>>
      %dma_start3A_45 = tpu.memref_squeeze %dma_start3A_44 : memref<1x10000xi32, #tpu.memory_space<hbm>> -> memref<10000xi32, #tpu.memory_space<hbm>>
      tpu.enqueue_dma source(%dma_start3A_45 : memref<10000xi32, #tpu.memory_space<hbm>>) target(%arg7 : memref<10000xi32, #tpu.memory_space<vmem>>) target_semaphore(%run_scoped3A_41 : memref<!tpu.dma_semaphore, #tpu.memory_space<semaphore_mem>>)
      %dma_wait3A_46 = tpu.memref_slice %arg4[%run_scoped3A_3, %mul3A_2] : memref<2x320000xi32, #tpu.memory_space<hbm>> -> memref<1x10000xi32, #tpu.memory_space<hbm>>
      %dma_wait3A_47 = tpu.memref_squeeze %dma_wait3A_46 : memref<1x10000xi32, #tpu.memory_space<hbm>> -> memref<10000xi32, #tpu.memory_space<hbm>>
      %dma_wait3A_48 = tpu.memref_slice %arg4[%run_scoped3A_3, %mul3A_2] : memref<2x320000xi32, #tpu.memory_space<hbm>> -> memref<1x10000xi32, #tpu.memory_space<hbm>>
      %dma_wait3A_49 = tpu.memref_squeeze %dma_wait3A_48 : memref<1x10000xi32, #tpu.memory_space<hbm>> -> memref<10000xi32, #tpu.memory_space<hbm>>
      tpu.wait_dma2 semaphore(%run_scoped3A_41 : memref<!tpu.dma_semaphore, #tpu.memory_space<semaphore_mem>>) src(%dma_wait3A_49 : memref<10000xi32, #tpu.memory_space<hbm>>) dst(%arg7 : memref<10000xi32, #tpu.memory_space<vmem>>)
      tpu.yield
    }) : () -> ()
    %dma_start3A = arith.constant 0 : i32
    %dma_start3A_4 = arith.constant 0 : i32
    %dma_start3A_5 = arith.constant 0 : i32
    %dma_start3A_6 = tpu.memref_slice %arg8[%dma_start3A, %dma_start3A_4, %dma_start3A_5] : memref<2x2x10240xf32, #tpu.memory_space<vmem>> -> memref<1x2x10240xf32, #tpu.memory_space<vmem>>
    %dma_start3A_7 = tpu.memref_squeeze %dma_start3A_6 : memref<1x2x10240xf32, #tpu.memory_space<vmem>> -> memref<2x10240xf32, #tpu.memory_space<vmem>>
    %dma_start3A_8 = arith.constant 0 : i32
    %dma_start3A_9 = arith.constant 0 : i32
    %dma_start3A_10 = tpu.memref_slice %arg2[%dma_start3A_8, %dma_start3A_9] : memref<32x10240xf32, #tpu.memory_space<hbm>> -> memref<2x10240xf32, #tpu.memory_space<hbm>>
    %dma_start3A_11 = arith.constant 0 : i32
    %dma_start3A_12 = arith.constant 0 : i32
    %dma_start3A_13 = tpu.memref_slice %arg8[%dma_start3A, %dma_start3A_11, %dma_start3A_12] : memref<2x2x10240xf32, #tpu.memory_space<vmem>> -> memref<1x2x10240xf32, #tpu.memory_space<vmem>>
    %dma_start3A_14 = tpu.memref_squeeze %dma_start3A_13 : memref<1x2x10240xf32, #tpu.memory_space<vmem>> -> memref<2x10240xf32, #tpu.memory_space<vmem>>
    %dma_start3A_15 = arith.constant 0 : i32
    %dma_start3A_16 = arith.constant 0 : i32
    %dma_start3A_17 = tpu.memref_slice %arg2[%dma_start3A_15, %dma_start3A_16] : memref<32x10240xf32, #tpu.memory_space<hbm>> -> memref<2x10240xf32, #tpu.memory_space<hbm>>
    tpu.enqueue_dma source(%dma_start3A_17 : memref<2x10240xf32, #tpu.memory_space<hbm>>) target(%dma_start3A_14 : memref<2x10240xf32, #tpu.memory_space<vmem>>) target_semaphore(%arg11 : memref<!tpu.dma_semaphore, #tpu.memory_space<semaphore_mem>>)
    %dma_start3A_18 = arith.constant 0 : i32
    %dma_start3A_19 = arith.constant 0 : i32
    %dma_start3A_20 = arith.constant 0 : i32
    %dma_start3A_21 = tpu.memref_slice %arg9[%dma_start3A_18, %dma_start3A_19, %dma_start3A_20] : memref<2x2x10240xf32, #tpu.memory_space<vmem>> -> memref<1x2x10240xf32, #tpu.memory_space<vmem>>
    %dma_start3A_22 = tpu.memref_squeeze %dma_start3A_21 : memref<1x2x10240xf32, #tpu.memory_space<vmem>> -> memref<2x10240xf32, #tpu.memory_space<vmem>>
    %dma_start3A_23 = arith.constant 0 : i32
    %dma_start3A_24 = arith.constant 0 : i32
    %dma_start3A_25 = tpu.memref_slice %arg3[%dma_start3A_23, %dma_start3A_24] : memref<32x10240xf32, #tpu.memory_space<hbm>> -> memref<2x10240xf32, #tpu.memory_space<hbm>>
    %dma_start3A_26 = arith.constant 0 : i32
    %dma_start3A_27 = arith.constant 0 : i32
    %dma_start3A_28 = tpu.memref_slice %arg9[%dma_start3A_18, %dma_start3A_26, %dma_start3A_27] : memref<2x2x10240xf32, #tpu.memory_space<vmem>> -> memref<1x2x10240xf32, #tpu.memory_space<vmem>>
    %dma_start3A_29 = tpu.memref_squeeze %dma_start3A_28 : memref<1x2x10240xf32, #tpu.memory_space<vmem>> -> memref<2x10240xf32, #tpu.memory_space<vmem>>
    %dma_start3A_30 = arith.constant 0 : i32
    %dma_start3A_31 = arith.constant 0 : i32
    %dma_start3A_32 = tpu.memref_slice %arg3[%dma_start3A_30, %dma_start3A_31] : memref<32x10240xf32, #tpu.memory_space<hbm>> -> memref<2x10240xf32, #tpu.memory_space<hbm>>
    tpu.enqueue_dma source(%dma_start3A_32 : memref<2x10240xf32, #tpu.memory_space<hbm>>) target(%dma_start3A_29 : memref<2x10240xf32, #tpu.memory_space<vmem>>) target_semaphore(%arg11 : memref<!tpu.dma_semaphore, #tpu.memory_space<semaphore_mem>>)
    %scan3A = arith.constant 0 : i32
    %scan3A_33 = arith.constant 0 : i32
    %scan3A_34 = arith.constant 8 : i32
    %scan3A_35 = arith.addi %scan3A_33, %scan3A_34 : i32
    %scan3A_36 = arith.constant 1 : i32
    scf.for %scan3A_41 = %scan3A_33 to %scan3A_35 step %scan3A_36  : i32 {
      %mul3A_42 = arith.constant 2 : i32
      %mul3A_43 = arith.muli %mul3A_42, %scan3A_41 : i32
      %add3A_44 = arith.constant 0 : i32
      %add3A_45 = arith.addi %mul3A_43, %add3A_44 : i32
      %add3A_46 = arith.constant 1 : i32
      %add3A_47 = arith.addi %add3A_45, %add3A_46 : i32
      %lt3A = arith.constant 16 : i32
      %lt3A_48 = arith.cmpi slt, %add3A_47, %lt3A : i32
      %convert_element_type3A = arith.extui %lt3A_48 : i1 to i32
      %cond3A = arith.constant 0 : i32
      %cond3A_49 = arith.cmpi ne, %convert_element_type3A, %cond3A : i32
      scf.if %cond3A_49 {
        %add3A_151 = arith.constant 1 : i32
        %add3A_152 = arith.addi %add3A_45, %add3A_151 : i32
        %mul3A_153 = arith.constant 2 : i32
        %mul3A_154 = arith.muli %mul3A_153, %add3A_152 : i32
        %add3A_155 = arith.constant 0 : i32
        %add3A_156 = arith.addi %add3A_155, %mul3A_154 : i32
        %dma_start3A_157 = arith.constant 1 : i32
        %dma_start3A_158 = arith.constant 0 : i32
        %dma_start3A_159 = arith.constant 0 : i32
        %dma_start3A_160 = tpu.memref_slice %arg8[%dma_start3A_157, %dma_start3A_158, %dma_start3A_159] : memref<2x2x10240xf32, #tpu.memory_space<vmem>> -> memref<1x2x10240xf32, #tpu.memory_space<vmem>>
        %dma_start3A_161 = tpu.memref_squeeze %dma_start3A_160 : memref<1x2x10240xf32, #tpu.memory_space<vmem>> -> memref<2x10240xf32, #tpu.memory_space<vmem>>
        %dma_start3A_162 = arith.constant 0 : i32
        %dma_start3A_163 = tpu.memref_slice %arg2[%add3A_156, %dma_start3A_162] : memref<32x10240xf32, #tpu.memory_space<hbm>> -> memref<2x10240xf32, #tpu.memory_space<hbm>>
        %dma_start3A_164 = arith.constant 0 : i32
        %dma_start3A_165 = arith.constant 0 : i32
        %dma_start3A_166 = tpu.memref_slice %arg8[%dma_start3A_157, %dma_start3A_164, %dma_start3A_165] : memref<2x2x10240xf32, #tpu.memory_space<vmem>> -> memref<1x2x10240xf32, #tpu.memory_space<vmem>>
        %dma_start3A_167 = tpu.memref_squeeze %dma_start3A_166 : memref<1x2x10240xf32, #tpu.memory_space<vmem>> -> memref<2x10240xf32, #tpu.memory_space<vmem>>
        %dma_start3A_168 = arith.constant 0 : i32
        %dma_start3A_169 = tpu.memref_slice %arg2[%add3A_156, %dma_start3A_168] : memref<32x10240xf32, #tpu.memory_space<hbm>> -> memref<2x10240xf32, #tpu.memory_space<hbm>>
        tpu.enqueue_dma source(%dma_start3A_169 : memref<2x10240xf32, #tpu.memory_space<hbm>>) target(%dma_start3A_167 : memref<2x10240xf32, #tpu.memory_space<vmem>>) target_semaphore(%arg12 : memref<!tpu.dma_semaphore, #tpu.memory_space<semaphore_mem>>)
        %mul3A_170 = arith.constant 2 : i32
        %mul3A_171 = arith.muli %mul3A_170, %add3A_152 : i32
        %add3A_172 = arith.constant 0 : i32
        %add3A_173 = arith.addi %add3A_172, %mul3A_171 : i32
        %dma_start3A_174 = arith.constant 1 : i32
        %dma_start3A_175 = arith.constant 0 : i32
        %dma_start3A_176 = arith.constant 0 : i32
        %dma_start3A_177 = tpu.memref_slice %arg9[%dma_start3A_174, %dma_start3A_175, %dma_start3A_176] : memref<2x2x10240xf32, #tpu.memory_space<vmem>> -> memref<1x2x10240xf32, #tpu.memory_space<vmem>>
        %dma_start3A_178 = tpu.memref_squeeze %dma_start3A_177 : memref<1x2x10240xf32, #tpu.memory_space<vmem>> -> memref<2x10240xf32, #tpu.memory_space<vmem>>
        %dma_start3A_179 = arith.constant 0 : i32
        %dma_start3A_180 = tpu.memref_slice %arg3[%add3A_173, %dma_start3A_179] : memref<32x10240xf32, #tpu.memory_space<hbm>> -> memref<2x10240xf32, #tpu.memory_space<hbm>>
        %dma_start3A_181 = arith.constant 0 : i32
        %dma_start3A_182 = arith.constant 0 : i32
        %dma_start3A_183 = tpu.memref_slice %arg9[%dma_start3A_174, %dma_start3A_181, %dma_start3A_182] : memref<2x2x10240xf32, #tpu.memory_space<vmem>> -> memref<1x2x10240xf32, #tpu.memory_space<vmem>>
        %dma_start3A_184 = tpu.memref_squeeze %dma_start3A_183 : memref<1x2x10240xf32, #tpu.memory_space<vmem>> -> memref<2x10240xf32, #tpu.memory_space<vmem>>
        %dma_start3A_185 = arith.constant 0 : i32
        %dma_start3A_186 = tpu.memref_slice %arg3[%add3A_173, %dma_start3A_185] : memref<32x10240xf32, #tpu.memory_space<hbm>> -> memref<2x10240xf32, #tpu.memory_space<hbm>>
        tpu.enqueue_dma source(%dma_start3A_186 : memref<2x10240xf32, #tpu.memory_space<hbm>>) target(%dma_start3A_184 : memref<2x10240xf32, #tpu.memory_space<vmem>>) target_semaphore(%arg12 : memref<!tpu.dma_semaphore, #tpu.memory_space<semaphore_mem>>)
      } else {
      }
      %mul3A_50 = arith.constant 2 : i32
      %mul3A_51 = arith.muli %mul3A_50, %add3A_45 : i32
      %add3A_52 = arith.constant 0 : i32
      %add3A_53 = arith.addi %add3A_52, %mul3A_51 : i32
      %dma_wait3A_54 = arith.constant 0 : i32
      %dma_wait3A_55 = arith.constant 0 : i32
      %dma_wait3A_56 = arith.constant 0 : i32
      %dma_wait3A_57 = tpu.memref_slice %arg8[%dma_wait3A_54, %dma_wait3A_55, %dma_wait3A_56] : memref<2x2x10240xf32, #tpu.memory_space<vmem>> -> memref<1x2x10240xf32, #tpu.memory_space<vmem>>
      %dma_wait3A_58 = tpu.memref_squeeze %dma_wait3A_57 : memref<1x2x10240xf32, #tpu.memory_space<vmem>> -> memref<2x10240xf32, #tpu.memory_space<vmem>>
      %dma_wait3A_59 = arith.constant 0 : i32
      %dma_wait3A_60 = tpu.memref_slice %arg2[%add3A_53, %dma_wait3A_59] : memref<32x10240xf32, #tpu.memory_space<hbm>> -> memref<2x10240xf32, #tpu.memory_space<hbm>>
      %dma_wait3A_61 = arith.constant 0 : i32
      %dma_wait3A_62 = arith.constant 0 : i32
      %dma_wait3A_63 = tpu.memref_slice %arg8[%dma_wait3A_54, %dma_wait3A_61, %dma_wait3A_62] : memref<2x2x10240xf32, #tpu.memory_space<vmem>> -> memref<1x2x10240xf32, #tpu.memory_space<vmem>>
      %dma_wait3A_64 = tpu.memref_squeeze %dma_wait3A_63 : memref<1x2x10240xf32, #tpu.memory_space<vmem>> -> memref<2x10240xf32, #tpu.memory_space<vmem>>
      %dma_wait3A_65 = arith.constant 0 : i32
      %dma_wait3A_66 = tpu.memref_slice %arg2[%add3A_53, %dma_wait3A_65] : memref<32x10240xf32, #tpu.memory_space<hbm>> -> memref<2x10240xf32, #tpu.memory_space<hbm>>
      tpu.wait_dma2 semaphore(%arg11 : memref<!tpu.dma_semaphore, #tpu.memory_space<semaphore_mem>>) src(%dma_wait3A_66 : memref<2x10240xf32, #tpu.memory_space<hbm>>) dst(%dma_wait3A_64 : memref<2x10240xf32, #tpu.memory_space<vmem>>)
      %mul3A_67 = arith.constant 2 : i32
      %mul3A_68 = arith.muli %mul3A_67, %add3A_45 : i32
      %add3A_69 = arith.constant 0 : i32
      %add3A_70 = arith.addi %add3A_69, %mul3A_68 : i32
      %dma_wait3A_71 = arith.constant 0 : i32
      %dma_wait3A_72 = arith.constant 0 : i32
      %dma_wait3A_73 = arith.constant 0 : i32
      %dma_wait3A_74 = tpu.memref_slice %arg9[%dma_wait3A_71, %dma_wait3A_72, %dma_wait3A_73] : memref<2x2x10240xf32, #tpu.memory_space<vmem>> -> memref<1x2x10240xf32, #tpu.memory_space<vmem>>
      %dma_wait3A_75 = tpu.memref_squeeze %dma_wait3A_74 : memref<1x2x10240xf32, #tpu.memory_space<vmem>> -> memref<2x10240xf32, #tpu.memory_space<vmem>>
      %dma_wait3A_76 = arith.constant 0 : i32
      %dma_wait3A_77 = tpu.memref_slice %arg3[%add3A_70, %dma_wait3A_76] : memref<32x10240xf32, #tpu.memory_space<hbm>> -> memref<2x10240xf32, #tpu.memory_space<hbm>>
      %dma_wait3A_78 = arith.constant 0 : i32
      %dma_wait3A_79 = arith.constant 0 : i32
      %dma_wait3A_80 = tpu.memref_slice %arg9[%dma_wait3A_71, %dma_wait3A_78, %dma_wait3A_79] : memref<2x2x10240xf32, #tpu.memory_space<vmem>> -> memref<1x2x10240xf32, #tpu.memory_space<vmem>>
      %dma_wait3A_81 = tpu.memref_squeeze %dma_wait3A_80 : memref<1x2x10240xf32, #tpu.memory_space<vmem>> -> memref<2x10240xf32, #tpu.memory_space<vmem>>
      %dma_wait3A_82 = arith.constant 0 : i32
      %dma_wait3A_83 = tpu.memref_slice %arg3[%add3A_70, %dma_wait3A_82] : memref<32x10240xf32, #tpu.memory_space<hbm>> -> memref<2x10240xf32, #tpu.memory_space<hbm>>
      tpu.wait_dma2 semaphore(%arg11 : memref<!tpu.dma_semaphore, #tpu.memory_space<semaphore_mem>>) src(%dma_wait3A_83 : memref<2x10240xf32, #tpu.memory_space<hbm>>) dst(%dma_wait3A_81 : memref<2x10240xf32, #tpu.memory_space<vmem>>)
      %gt3A = arith.constant 0 : i32
      %gt3A_84 = arith.cmpi sgt, %add3A_45, %gt3A : i32
      %convert_element_type3A_85 = arith.extui %gt3A_84 : i1 to i32
      %cond3A_86 = arith.constant 0 : i32
      %cond3A_87 = arith.cmpi ne, %convert_element_type3A_85, %cond3A_86 : i32
      scf.if %cond3A_87 {
        %sub3A = arith.constant 1 : i32
        %sub3A_151 = arith.subi %add3A_45, %sub3A : i32
        %mul3A_152 = arith.constant 2 : i32
        %mul3A_153 = arith.muli %mul3A_152, %sub3A_151 : i32
        %dma_wait3A_154 = tpu.memref_slice %arg5[%mul3A_153, %mul3A_2] : memref<32x320000xf32, #tpu.memory_space<hbm>> -> memref<2x10000xf32, #tpu.memory_space<hbm>>
        %dma_wait3A_155 = tpu.memref_slice %arg5[%mul3A_153, %mul3A_2] : memref<32x320000xf32, #tpu.memory_space<hbm>> -> memref<2x10000xf32, #tpu.memory_space<hbm>>
        tpu.wait_dma2 semaphore(%arg13 : memref<!tpu.dma_semaphore, #tpu.memory_space<semaphore_mem>>) src(%arg10 : memref<2x10000xf32, #tpu.memory_space<vmem>>) dst(%dma_wait3A_155 : memref<2x10000xf32, #tpu.memory_space<hbm>>)
      } else {
      }
      %parallel_loop3A = arith.constant 0 : i32
      %parallel_loop3A_88 = arith.constant 625 : i32
      %parallel_loop3A_89 = arith.constant 1 : i32
      scf.for %parallel_loop3A_151 = %parallel_loop3A to %parallel_loop3A_88 step %parallel_loop3A_89  : i32 {
        %parallel_loop3A_152 = arith.constant 16 : i32
        %parallel_loop3A_153 = arith.muli %parallel_loop3A_151, %parallel_loop3A_152 : i32
        %parallel_loop3A_154 = arith.index_cast %parallel_loop3A_153 : i32 to index
        %parallel_loop3A_155 = tpu.vector_load %arg6[%parallel_loop3A_154] {strides = array<i32>} : memref<10000xi32, #tpu.memory_space<vmem>>, vector<16xi32>,
        %parallel_loop3A_156 = arith.index_cast %parallel_loop3A_153 : i32 to index
        %parallel_loop3A_157 = tpu.vector_load %arg7[%parallel_loop3A_156] {strides = array<i32>} : memref<10000xi32, #tpu.memory_space<vmem>>, vector<16xi32>,
        %parallel_loop3A_158 = arith.constant 0 : i32
        %parallel_loop3A_159 = arith.constant 0 : i32
        %parallel_loop3A_160 = arith.constant 0 : i32
        %parallel_loop3A_161 = tpu.memref_slice %arg8[%parallel_loop3A_158, %parallel_loop3A_159, %parallel_loop3A_160] : memref<2x2x10240xf32, #tpu.memory_space<vmem>> -> memref<1x1x10240xf32, #tpu.memory_space<vmem>>
        %parallel_loop3A_162 = tpu.memref_squeeze %parallel_loop3A_161 : memref<1x1x10240xf32, #tpu.memory_space<vmem>> -> memref<10240xf32, #tpu.memory_space<vmem>>
        %parallel_loop3A_163 = tpu.vector_load_idx %parallel_loop3A_162[%parallel_loop3A_155] : memref<10240xf32, #tpu.memory_space<vmem>>[vector<16xi32>], vector<16xf32>,
        %parallel_loop3A_164 = arith.constant 0 : i32
        %parallel_loop3A_165 = arith.constant 0 : i32
        %parallel_loop3A_166 = arith.constant 0 : i32
        %parallel_loop3A_167 = tpu.memref_slice %arg9[%parallel_loop3A_164, %parallel_loop3A_165, %parallel_loop3A_166] : memref<2x2x10240xf32, #tpu.memory_space<vmem>> -> memref<1x1x10240xf32, #tpu.memory_space<vmem>>
        %parallel_loop3A_168 = tpu.memref_squeeze %parallel_loop3A_167 : memref<1x1x10240xf32, #tpu.memory_space<vmem>> -> memref<10240xf32, #tpu.memory_space<vmem>>
        %parallel_loop3A_169 = tpu.vector_load_idx %parallel_loop3A_168[%parallel_loop3A_157] : memref<10240xf32, #tpu.memory_space<vmem>>[vector<16xi32>], vector<16xf32>,
        %parallel_loop3A_170 = arith.addf %parallel_loop3A_163, %parallel_loop3A_169 : vector<16xf32>
        %parallel_loop3A_171 = arith.constant 0 : i32
        %parallel_loop3A_172 = arith.index_cast %parallel_loop3A_171 : i32 to index
        %parallel_loop3A_173 = arith.index_cast %parallel_loop3A_153 : i32 to index
        %parallel_loop3A_174 = tpu.vector_load %arg10[%parallel_loop3A_172, %parallel_loop3A_173] {strides = array<i32>} : memref<2x10000xf32, #tpu.memory_space<vmem>>, vector<16xf32>,
        tpu.vector_store %arg10[%parallel_loop3A_172, %parallel_loop3A_173], %parallel_loop3A_170 {strides = array<i32>} : memref<2x10000xf32, #tpu.memory_space<vmem>>, vector<16xf32>,
        %parallel_loop3A_175 = arith.constant 0 : i32
        %parallel_loop3A_176 = arith.constant 1 : i32
        %parallel_loop3A_177 = arith.constant 0 : i32
        %parallel_loop3A_178 = tpu.memref_slice %arg8[%parallel_loop3A_175, %parallel_loop3A_176, %parallel_loop3A_177] : memref<2x2x10240xf32, #tpu.memory_space<vmem>> -> memref<1x1x10240xf32, #tpu.memory_space<vmem>>
        %parallel_loop3A_179 = tpu.memref_squeeze %parallel_loop3A_178 : memref<1x1x10240xf32, #tpu.memory_space<vmem>> -> memref<10240xf32, #tpu.memory_space<vmem>>
        %parallel_loop3A_180 = tpu.vector_load_idx %parallel_loop3A_179[%parallel_loop3A_155] : memref<10240xf32, #tpu.memory_space<vmem>>[vector<16xi32>], vector<16xf32>,
        %parallel_loop3A_181 = arith.constant 0 : i32
        %parallel_loop3A_182 = arith.constant 1 : i32
        %parallel_loop3A_183 = arith.constant 0 : i32
        %parallel_loop3A_184 = tpu.memref_slice %arg9[%parallel_loop3A_181, %parallel_loop3A_182, %parallel_loop3A_183] : memref<2x2x10240xf32, #tpu.memory_space<vmem>> -> memref<1x1x10240xf32, #tpu.memory_space<vmem>>
        %parallel_loop3A_185 = tpu.memref_squeeze %parallel_loop3A_184 : memref<1x1x10240xf32, #tpu.memory_space<vmem>> -> memref<10240xf32, #tpu.memory_space<vmem>>
        %parallel_loop3A_186 = tpu.vector_load_idx %parallel_loop3A_185[%parallel_loop3A_157] : memref<10240xf32, #tpu.memory_space<vmem>>[vector<16xi32>], vector<16xf32>,
        %parallel_loop3A_187 = arith.addf %parallel_loop3A_180, %parallel_loop3A_186 : vector<16xf32>
        %parallel_loop3A_188 = arith.constant 1 : i32
        %parallel_loop3A_189 = arith.index_cast %parallel_loop3A_188 : i32 to index
        %parallel_loop3A_190 = arith.index_cast %parallel_loop3A_153 : i32 to index
        %parallel_loop3A_191 = tpu.vector_load %arg10[%parallel_loop3A_189, %parallel_loop3A_190] {strides = array<i32>} : memref<2x10000xf32, #tpu.memory_space<vmem>>, vector<16xf32>,
        tpu.vector_store %arg10[%parallel_loop3A_189, %parallel_loop3A_190], %parallel_loop3A_187 {strides = array<i32>} : memref<2x10000xf32, #tpu.memory_space<vmem>>, vector<16xf32>,
      } {sc.loop_unroll_factor = 25 : i64, sc.parallel_access}
      %mul3A_90 = arith.constant 2 : i32
      %mul3A_91 = arith.muli %mul3A_90, %add3A_45 : i32
      %dma_start3A_92 = tpu.memref_slice %arg5[%mul3A_91, %mul3A_2] : memref<32x320000xf32, #tpu.memory_space<hbm>> -> memref<2x10000xf32, #tpu.memory_space<hbm>>
      %dma_start3A_93 = tpu.memref_slice %arg5[%mul3A_91, %mul3A_2] : memref<32x320000xf32, #tpu.memory_space<hbm>> -> memref<2x10000xf32, #tpu.memory_space<hbm>>
      tpu.enqueue_dma source(%arg10 : memref<2x10000xf32, #tpu.memory_space<vmem>>) target(%dma_start3A_93 : memref<2x10000xf32, #tpu.memory_space<hbm>>) target_semaphore(%arg13 : memref<!tpu.dma_semaphore, #tpu.memory_space<semaphore_mem>>)
      %mul3A_94 = arith.constant 2 : i32
      %mul3A_95 = arith.muli %mul3A_94, %scan3A_41 : i32
      %add3A_96 = arith.constant 1 : i32
      %add3A_97 = arith.addi %mul3A_95, %add3A_96 : i32
      %add3A_98 = arith.constant 1 : i32
      %add3A_99 = arith.addi %add3A_97, %add3A_98 : i32
      %lt3A_100 = arith.constant 16 : i32
      %lt3A_101 = arith.cmpi slt, %add3A_99, %lt3A_100 : i32
      %convert_element_type3A_102 = arith.extui %lt3A_101 : i1 to i32
      %cond3A_103 = arith.constant 0 : i32
      %cond3A_104 = arith.cmpi ne, %convert_element_type3A_102, %cond3A_103 : i32
      scf.if %cond3A_104 {
        %add3A_151 = arith.constant 1 : i32
        %add3A_152 = arith.addi %add3A_97, %add3A_151 : i32
        %mul3A_153 = arith.constant 2 : i32
        %mul3A_154 = arith.muli %mul3A_153, %add3A_152 : i32
        %add3A_155 = arith.constant 0 : i32
        %add3A_156 = arith.addi %add3A_155, %mul3A_154 : i32
        %dma_start3A_157 = arith.constant 0 : i32
        %dma_start3A_158 = arith.constant 0 : i32
        %dma_start3A_159 = arith.constant 0 : i32
        %dma_start3A_160 = tpu.memref_slice %arg8[%dma_start3A_157, %dma_start3A_158, %dma_start3A_159] : memref<2x2x10240xf32, #tpu.memory_space<vmem>> -> memref<1x2x10240xf32, #tpu.memory_space<vmem>>
        %dma_start3A_161 = tpu.memref_squeeze %dma_start3A_160 : memref<1x2x10240xf32, #tpu.memory_space<vmem>> -> memref<2x10240xf32, #tpu.memory_space<vmem>>
        %dma_start3A_162 = arith.constant 0 : i32
        %dma_start3A_163 = tpu.memref_slice %arg2[%add3A_156, %dma_start3A_162] : memref<32x10240xf32, #tpu.memory_space<hbm>> -> memref<2x10240xf32, #tpu.memory_space<hbm>>
        %dma_start3A_164 = arith.constant 0 : i32
        %dma_start3A_165 = arith.constant 0 : i32
        %dma_start3A_166 = tpu.memref_slice %arg8[%dma_start3A_157, %dma_start3A_164, %dma_start3A_165] : memref<2x2x10240xf32, #tpu.memory_space<vmem>> -> memref<1x2x10240xf32, #tpu.memory_space<vmem>>
        %dma_start3A_167 = tpu.memref_squeeze %dma_start3A_166 : memref<1x2x10240xf32, #tpu.memory_space<vmem>> -> memref<2x10240xf32, #tpu.memory_space<vmem>>
        %dma_start3A_168 = arith.constant 0 : i32
        %dma_start3A_169 = tpu.memref_slice %arg2[%add3A_156, %dma_start3A_168] : memref<32x10240xf32, #tpu.memory_space<hbm>> -> memref<2x10240xf32, #tpu.memory_space<hbm>>
        tpu.enqueue_dma source(%dma_start3A_169 : memref<2x10240xf32, #tpu.memory_space<hbm>>) target(%dma_start3A_167 : memref<2x10240xf32, #tpu.memory_space<vmem>>) target_semaphore(%arg11 : memref<!tpu.dma_semaphore, #tpu.memory_space<semaphore_mem>>)
        %mul3A_170 = arith.constant 2 : i32
        %mul3A_171 = arith.muli %mul3A_170, %add3A_152 : i32
        %add3A_172 = arith.constant 0 : i32
        %add3A_173 = arith.addi %add3A_172, %mul3A_171 : i32
        %dma_start3A_174 = arith.constant 0 : i32
        %dma_start3A_175 = arith.constant 0 : i32
        %dma_start3A_176 = arith.constant 0 : i32
        %dma_start3A_177 = tpu.memref_slice %arg9[%dma_start3A_174, %dma_start3A_175, %dma_start3A_176] : memref<2x2x10240xf32, #tpu.memory_space<vmem>> -> memref<1x2x10240xf32, #tpu.memory_space<vmem>>
        %dma_start3A_178 = tpu.memref_squeeze %dma_start3A_177 : memref<1x2x10240xf32, #tpu.memory_space<vmem>> -> memref<2x10240xf32, #tpu.memory_space<vmem>>
        %dma_start3A_179 = arith.constant 0 : i32
        %dma_start3A_180 = tpu.memref_slice %arg3[%add3A_173, %dma_start3A_179] : memref<32x10240xf32, #tpu.memory_space<hbm>> -> memref<2x10240xf32, #tpu.memory_space<hbm>>
        %dma_start3A_181 = arith.constant 0 : i32
        %dma_start3A_182 = arith.constant 0 : i32
        %dma_start3A_183 = tpu.memref_slice %arg9[%dma_start3A_174, %dma_start3A_181, %dma_start3A_182] : memref<2x2x10240xf32, #tpu.memory_space<vmem>> -> memref<1x2x10240xf32, #tpu.memory_space<vmem>>
        %dma_start3A_184 = tpu.memref_squeeze %dma_start3A_183 : memref<1x2x10240xf32, #tpu.memory_space<vmem>> -> memref<2x10240xf32, #tpu.memory_space<vmem>>
        %dma_start3A_185 = arith.constant 0 : i32
        %dma_start3A_186 = tpu.memref_slice %arg3[%add3A_173, %dma_start3A_185] : memref<32x10240xf32, #tpu.memory_space<hbm>> -> memref<2x10240xf32, #tpu.memory_space<hbm>>
        tpu.enqueue_dma source(%dma_start3A_186 : memref<2x10240xf32, #tpu.memory_space<hbm>>) target(%dma_start3A_184 : memref<2x10240xf32, #tpu.memory_space<vmem>>) target_semaphore(%arg11 : memref<!tpu.dma_semaphore, #tpu.memory_space<semaphore_mem>>)
      } else {
      }
      %mul3A_105 = arith.constant 2 : i32
      %mul3A_106 = arith.muli %mul3A_105, %add3A_97 : i32
      %add3A_107 = arith.constant 0 : i32
      %add3A_108 = arith.addi %add3A_107, %mul3A_106 : i32
      %dma_wait3A_109 = arith.constant 1 : i32
      %dma_wait3A_110 = arith.constant 0 : i32
      %dma_wait3A_111 = arith.constant 0 : i32
      %dma_wait3A_112 = tpu.memref_slice %arg8[%dma_wait3A_109, %dma_wait3A_110, %dma_wait3A_111] : memref<2x2x10240xf32, #tpu.memory_space<vmem>> -> memref<1x2x10240xf32, #tpu.memory_space<vmem>>
      %dma_wait3A_113 = tpu.memref_squeeze %dma_wait3A_112 : memref<1x2x10240xf32, #tpu.memory_space<vmem>> -> memref<2x10240xf32, #tpu.memory_space<vmem>>
      %dma_wait3A_114 = arith.constant 0 : i32
      %dma_wait3A_115 = tpu.memref_slice %arg2[%add3A_108, %dma_wait3A_114] : memref<32x10240xf32, #tpu.memory_space<hbm>> -> memref<2x10240xf32, #tpu.memory_space<hbm>>
      %dma_wait3A_116 = arith.constant 0 : i32
      %dma_wait3A_117 = arith.constant 0 : i32
      %dma_wait3A_118 = tpu.memref_slice %arg8[%dma_wait3A_109, %dma_wait3A_116, %dma_wait3A_117] : memref<2x2x10240xf32, #tpu.memory_space<vmem>> -> memref<1x2x10240xf32, #tpu.memory_space<vmem>>
      %dma_wait3A_119 = tpu.memref_squeeze %dma_wait3A_118 : memref<1x2x10240xf32, #tpu.memory_space<vmem>> -> memref<2x10240xf32, #tpu.memory_space<vmem>>
      %dma_wait3A_120 = arith.constant 0 : i32
      %dma_wait3A_121 = tpu.memref_slice %arg2[%add3A_108, %dma_wait3A_120] : memref<32x10240xf32, #tpu.memory_space<hbm>> -> memref<2x10240xf32, #tpu.memory_space<hbm>>
      tpu.wait_dma2 semaphore(%arg12 : memref<!tpu.dma_semaphore, #tpu.memory_space<semaphore_mem>>) src(%dma_wait3A_121 : memref<2x10240xf32, #tpu.memory_space<hbm>>) dst(%dma_wait3A_119 : memref<2x10240xf32, #tpu.memory_space<vmem>>)
      %mul3A_122 = arith.constant 2 : i32
      %mul3A_123 = arith.muli %mul3A_122, %add3A_97 : i32
      %add3A_124 = arith.constant 0 : i32
      %add3A_125 = arith.addi %add3A_124, %mul3A_123 : i32
      %dma_wait3A_126 = arith.constant 1 : i32
      %dma_wait3A_127 = arith.constant 0 : i32
      %dma_wait3A_128 = arith.constant 0 : i32
      %dma_wait3A_129 = tpu.memref_slice %arg9[%dma_wait3A_126, %dma_wait3A_127, %dma_wait3A_128] : memref<2x2x10240xf32, #tpu.memory_space<vmem>> -> memref<1x2x10240xf32, #tpu.memory_space<vmem>>
      %dma_wait3A_130 = tpu.memref_squeeze %dma_wait3A_129 : memref<1x2x10240xf32, #tpu.memory_space<vmem>> -> memref<2x10240xf32, #tpu.memory_space<vmem>>
      %dma_wait3A_131 = arith.constant 0 : i32
      %dma_wait3A_132 = tpu.memref_slice %arg3[%add3A_125, %dma_wait3A_131] : memref<32x10240xf32, #tpu.memory_space<hbm>> -> memref<2x10240xf32, #tpu.memory_space<hbm>>
      %dma_wait3A_133 = arith.constant 0 : i32
      %dma_wait3A_134 = arith.constant 0 : i32
      %dma_wait3A_135 = tpu.memref_slice %arg9[%dma_wait3A_126, %dma_wait3A_133, %dma_wait3A_134] : memref<2x2x10240xf32, #tpu.memory_space<vmem>> -> memref<1x2x10240xf32, #tpu.memory_space<vmem>>
      %dma_wait3A_136 = tpu.memref_squeeze %dma_wait3A_135 : memref<1x2x10240xf32, #tpu.memory_space<vmem>> -> memref<2x10240xf32, #tpu.memory_space<vmem>>
      %dma_wait3A_137 = arith.constant 0 : i32
      %dma_wait3A_138 = tpu.memref_slice %arg3[%add3A_125, %dma_wait3A_137] : memref<32x10240xf32, #tpu.memory_space<hbm>> -> memref<2x10240xf32, #tpu.memory_space<hbm>>
      tpu.wait_dma2 semaphore(%arg12 : memref<!tpu.dma_semaphore, #tpu.memory_space<semaphore_mem>>) src(%dma_wait3A_138 : memref<2x10240xf32, #tpu.memory_space<hbm>>) dst(%dma_wait3A_136 : memref<2x10240xf32, #tpu.memory_space<vmem>>)
      %gt3A_139 = arith.constant 0 : i32
      %gt3A_140 = arith.cmpi sgt, %add3A_97, %gt3A_139 : i32
      %convert_element_type3A_141 = arith.extui %gt3A_140 : i1 to i32
      %cond3A_142 = arith.constant 0 : i32
      %cond3A_143 = arith.cmpi ne, %convert_element_type3A_141, %cond3A_142 : i32
      scf.if %cond3A_143 {
        %sub3A = arith.constant 1 : i32
        %sub3A_151 = arith.subi %add3A_97, %sub3A : i32
        %mul3A_152 = arith.constant 2 : i32
        %mul3A_153 = arith.muli %mul3A_152, %sub3A_151 : i32
        %dma_wait3A_154 = tpu.memref_slice %arg5[%mul3A_153, %mul3A_2] : memref<32x320000xf32, #tpu.memory_space<hbm>> -> memref<2x10000xf32, #tpu.memory_space<hbm>>
        %dma_wait3A_155 = tpu.memref_slice %arg5[%mul3A_153, %mul3A_2] : memref<32x320000xf32, #tpu.memory_space<hbm>> -> memref<2x10000xf32, #tpu.memory_space<hbm>>
        tpu.wait_dma2 semaphore(%arg13 : memref<!tpu.dma_semaphore, #tpu.memory_space<semaphore_mem>>) src(%arg10 : memref<2x10000xf32, #tpu.memory_space<vmem>>) dst(%dma_wait3A_155 : memref<2x10000xf32, #tpu.memory_space<hbm>>)
      } else {
      }
      %parallel_loop3A_144 = arith.constant 0 : i32
      %parallel_loop3A_145 = arith.constant 625 : i32
      %parallel_loop3A_146 = arith.constant 1 : i32
      scf.for %parallel_loop3A_151 = %parallel_loop3A_144 to %parallel_loop3A_145 step %parallel_loop3A_146  : i32 {
        %parallel_loop3A_152 = arith.constant 16 : i32
        %parallel_loop3A_153 = arith.muli %parallel_loop3A_151, %parallel_loop3A_152 : i32
        %parallel_loop3A_154 = arith.index_cast %parallel_loop3A_153 : i32 to index
        %parallel_loop3A_155 = tpu.vector_load %arg6[%parallel_loop3A_154] {strides = array<i32>} : memref<10000xi32, #tpu.memory_space<vmem>>, vector<16xi32>,
        %parallel_loop3A_156 = arith.index_cast %parallel_loop3A_153 : i32 to index
        %parallel_loop3A_157 = tpu.vector_load %arg7[%parallel_loop3A_156] {strides = array<i32>} : memref<10000xi32, #tpu.memory_space<vmem>>, vector<16xi32>,
        %parallel_loop3A_158 = arith.constant 1 : i32
        %parallel_loop3A_159 = arith.constant 0 : i32
        %parallel_loop3A_160 = arith.constant 0 : i32
        %parallel_loop3A_161 = tpu.memref_slice %arg8[%parallel_loop3A_158, %parallel_loop3A_159, %parallel_loop3A_160] : memref<2x2x10240xf32, #tpu.memory_space<vmem>> -> memref<1x1x10240xf32, #tpu.memory_space<vmem>>
        %parallel_loop3A_162 = tpu.memref_squeeze %parallel_loop3A_161 : memref<1x1x10240xf32, #tpu.memory_space<vmem>> -> memref<10240xf32, #tpu.memory_space<vmem>>
        %parallel_loop3A_163 = tpu.vector_load_idx %parallel_loop3A_162[%parallel_loop3A_155] : memref<10240xf32, #tpu.memory_space<vmem>>[vector<16xi32>], vector<16xf32>,
        %parallel_loop3A_164 = arith.constant 1 : i32
        %parallel_loop3A_165 = arith.constant 0 : i32
        %parallel_loop3A_166 = arith.constant 0 : i32
        %parallel_loop3A_167 = tpu.memref_slice %arg9[%parallel_loop3A_164, %parallel_loop3A_165, %parallel_loop3A_166] : memref<2x2x10240xf32, #tpu.memory_space<vmem>> -> memref<1x1x10240xf32, #tpu.memory_space<vmem>>
        %parallel_loop3A_168 = tpu.memref_squeeze %parallel_loop3A_167 : memref<1x1x10240xf32, #tpu.memory_space<vmem>> -> memref<10240xf32, #tpu.memory_space<vmem>>
        %parallel_loop3A_169 = tpu.vector_load_idx %parallel_loop3A_168[%parallel_loop3A_157] : memref<10240xf32, #tpu.memory_space<vmem>>[vector<16xi32>], vector<16xf32>,
        %parallel_loop3A_170 = arith.addf %parallel_loop3A_163, %parallel_loop3A_169 : vector<16xf32>
        %parallel_loop3A_171 = arith.constant 0 : i32
        %parallel_loop3A_172 = arith.index_cast %parallel_loop3A_171 : i32 to index
        %parallel_loop3A_173 = arith.index_cast %parallel_loop3A_153 : i32 to index
        %parallel_loop3A_174 = tpu.vector_load %arg10[%parallel_loop3A_172, %parallel_loop3A_173] {strides = array<i32>} : memref<2x10000xf32, #tpu.memory_space<vmem>>, vector<16xf32>,
        tpu.vector_store %arg10[%parallel_loop3A_172, %parallel_loop3A_173], %parallel_loop3A_170 {strides = array<i32>} : memref<2x10000xf32, #tpu.memory_space<vmem>>, vector<16xf32>,
        %parallel_loop3A_175 = arith.constant 1 : i32
        %parallel_loop3A_176 = arith.constant 1 : i32
        %parallel_loop3A_177 = arith.constant 0 : i32
        %parallel_loop3A_178 = tpu.memref_slice %arg8[%parallel_loop3A_175, %parallel_loop3A_176, %parallel_loop3A_177] : memref<2x2x10240xf32, #tpu.memory_space<vmem>> -> memref<1x1x10240xf32, #tpu.memory_space<vmem>>
        %parallel_loop3A_179 = tpu.memref_squeeze %parallel_loop3A_178 : memref<1x1x10240xf32, #tpu.memory_space<vmem>> -> memref<10240xf32, #tpu.memory_space<vmem>>
        %parallel_loop3A_180 = tpu.vector_load_idx %parallel_loop3A_179[%parallel_loop3A_155] : memref<10240xf32, #tpu.memory_space<vmem>>[vector<16xi32>], vector<16xf32>,
        %parallel_loop3A_181 = arith.constant 1 : i32
        %parallel_loop3A_182 = arith.constant 1 : i32
        %parallel_loop3A_183 = arith.constant 0 : i32
        %parallel_loop3A_184 = tpu.memref_slice %arg9[%parallel_loop3A_181, %parallel_loop3A_182, %parallel_loop3A_183] : memref<2x2x10240xf32, #tpu.memory_space<vmem>> -> memref<1x1x10240xf32, #tpu.memory_space<vmem>>
        %parallel_loop3A_185 = tpu.memref_squeeze %parallel_loop3A_184 : memref<1x1x10240xf32, #tpu.memory_space<vmem>> -> memref<10240xf32, #tpu.memory_space<vmem>>
        %parallel_loop3A_186 = tpu.vector_load_idx %parallel_loop3A_185[%parallel_loop3A_157] : memref<10240xf32, #tpu.memory_space<vmem>>[vector<16xi32>], vector<16xf32>,
        %parallel_loop3A_187 = arith.addf %parallel_loop3A_180, %parallel_loop3A_186 : vector<16xf32>
        %parallel_loop3A_188 = arith.constant 1 : i32
        %parallel_loop3A_189 = arith.index_cast %parallel_loop3A_188 : i32 to index
        %parallel_loop3A_190 = arith.index_cast %parallel_loop3A_153 : i32 to index
        %parallel_loop3A_191 = tpu.vector_load %arg10[%parallel_loop3A_189, %parallel_loop3A_190] {strides = array<i32>} : memref<2x10000xf32, #tpu.memory_space<vmem>>, vector<16xf32>,
        tpu.vector_store %arg10[%parallel_loop3A_189, %parallel_loop3A_190], %parallel_loop3A_187 {strides = array<i32>} : memref<2x10000xf32, #tpu.memory_space<vmem>>, vector<16xf32>,
      } {sc.loop_unroll_factor = 25 : i64, sc.parallel_access}
      %mul3A_147 = arith.constant 2 : i32
      %mul3A_148 = arith.muli %mul3A_147, %add3A_97 : i32
      %dma_start3A_149 = tpu.memref_slice %arg5[%mul3A_148, %mul3A_2] : memref<32x320000xf32, #tpu.memory_space<hbm>> -> memref<2x10000xf32, #tpu.memory_space<hbm>>
      %dma_start3A_150 = tpu.memref_slice %arg5[%mul3A_148, %mul3A_2] : memref<32x320000xf32, #tpu.memory_space<hbm>> -> memref<2x10000xf32, #tpu.memory_space<hbm>>
      tpu.enqueue_dma source(%arg10 : memref<2x10000xf32, #tpu.memory_space<vmem>>) target(%dma_start3A_150 : memref<2x10000xf32, #tpu.memory_space<hbm>>) target_semaphore(%arg13 : memref<!tpu.dma_semaphore, #tpu.memory_space<semaphore_mem>>)
    }
    %scan3A_37 = arith.constant 8 : i32
    %dma_wait3A = arith.constant 30 : i32
    %dma_wait3A_38 = tpu.memref_slice %arg5[%dma_wait3A, %mul3A_2] : memref<32x320000xf32, #tpu.memory_space<hbm>> -> memref<2x10000xf32, #tpu.memory_space<hbm>>
    %dma_wait3A_39 = arith.constant 30 : i32
    %dma_wait3A_40 = tpu.memref_slice %arg5[%dma_wait3A_39, %mul3A_2] : memref<32x320000xf32, #tpu.memory_space<hbm>> -> memref<2x10000xf32, #tpu.memory_space<hbm>>
    tpu.wait_dma2 semaphore(%arg13 : memref<!tpu.dma_semaphore, #tpu.memory_space<semaphore_mem>>) src(%arg10 : memref<2x10000xf32, #tpu.memory_space<vmem>>) dst(%dma_wait3A_40 : memref<2x10000xf32, #tpu.memory_space<hbm>>)
    return
  }
}

#map = affine_map<(d0, d1) -> (0, 0)>
#map1 = affine_map<(d0, d1) -> (0)>
#map2 = affine_map<(d0, d1) -> (0, 0, 0)>
module attributes {stable_mosaic.version = 14 : i64} {
  func.func @sc_agg(%arg0: i32, %arg1: i32, %arg2: memref<10000x128xf32, #tpu.memory_space<hbm>>, %arg3: memref<2x320000xi32, #tpu.memory_space<hbm>>, %arg4: memref<10240x128xf32, #tpu.memory_space<hbm>>, %arg5: memref<10240xf32, #tpu.memory_space<hbm>>, %arg6: memref<2x10240x128xf32, #tpu.memory_space<hbm>>, %arg7: memref<10000xi32, #tpu.memory_space<vmem>>, %arg8: memref<10000xi32, #tpu.memory_space<vmem>>, %arg9: memref<40x128xf32, #tpu.memory_space<vmem>>, %arg10: memref<40x128xf32, #tpu.memory_space<vmem>>, %arg11: memref<40x128xf32, #tpu.memory_space<vmem>>, %arg12: memref<40x128xf32, #tpu.memory_space<vmem>>, %arg13: memref<40x128xf32, #tpu.memory_space<vmem>>, %arg14: memref<10240x128xf32, #tpu.memory_space<vmem_shared>>, %arg15: memref<!tpu.dma_semaphore, #tpu.memory_space<semaphore_mem>>, %arg16: memref<!tpu.dma_semaphore, #tpu.memory_space<semaphore_mem>>, %arg17: memref<!tpu.dma_semaphore, #tpu.memory_space<semaphore_mem>>, %arg18: memref<!tpu.dma_semaphore, #tpu.memory_space<semaphore_mem>>, %arg19: memref<!tpu.dma_semaphore, #tpu.memory_space<semaphore_mem>>, %arg20: memref<!tpu.dma_semaphore, #tpu.memory_space<semaphore_mem>>, %arg21: memref<!tpu.dma_semaphore, #tpu.memory_space<semaphore_mem>>, %arg22: memref<!tpu.dma_semaphore, #tpu.memory_space<semaphore_mem>>, %arg23: memref<!tpu.dma_semaphore, #tpu.memory_space<semaphore_mem>>, %arg24: memref<!tpu.dma_semaphore, #tpu.memory_space<semaphore_mem>>) attributes {dimension_semantics = [#tpu.dimension_semantics<core_parallel>, #tpu.dimension_semantics<subcore_parallel>], iteration_bounds = array<i64: 2, 16>, scalar_prefetch = 0 : i64, scratch_operands = 18 : i64, tpu.core_type = #tpu.core_type<sc_vector_subcore>, window_params = [{transform_indices = #map}, {transform_indices = #map}, {transform_indices = #map}, {transform_indices = #map1}, {transform_indices = #map2}]} {
    %mul3A = arith.constant 16 : i32
    %mul3A_0 = arith.muli %arg0, %mul3A : i32
    %add3A = arith.addi %mul3A_0, %arg1 : i32
    %mul3A_1 = arith.constant 10000 : i32
    %mul3A_2 = arith.muli %add3A, %mul3A_1 : i32
    %mul3A_3 = arith.constant 640 : i32
    %mul3A_4 = arith.muli %arg1, %mul3A_3 : i32
    %mul3A_5 = arith.constant 640 : i32
    %mul3A_6 = arith.muli %arg1, %mul3A_5 : i32
    "tpu.region"() ({
      %run_scoped3A_41 = tpu.sem_alloc : memref<!tpu.dma_semaphore, #tpu.memory_space<semaphore_mem>>
      %dma_start3A_42 = arith.constant 0 : i32
      %dma_start3A_43 = tpu.memref_slice %arg14[%mul3A_6, %dma_start3A_42] : memref<10240x128xf32, #tpu.memory_space<vmem_shared>> -> memref<640x128xf32, #tpu.memory_space<vmem_shared>>
      %dma_start3A_44 = arith.constant 0 : i32
      %dma_start3A_45 = tpu.memref_slice %arg4[%mul3A_4, %dma_start3A_44] : memref<10240x128xf32, #tpu.memory_space<hbm>> -> memref<640x128xf32, #tpu.memory_space<hbm>>
      tpu.enqueue_dma source(%dma_start3A_45 : memref<640x128xf32, #tpu.memory_space<hbm>>) target(%dma_start3A_43 : memref<640x128xf32, #tpu.memory_space<vmem_shared>>) target_semaphore(%run_scoped3A_41 : memref<!tpu.dma_semaphore, #tpu.memory_space<semaphore_mem>>)
      %dma_wait3A_46 = arith.constant 0 : i32
      %dma_wait3A_47 = tpu.memref_slice %arg14[%mul3A_6, %dma_wait3A_46] : memref<10240x128xf32, #tpu.memory_space<vmem_shared>> -> memref<640x128xf32, #tpu.memory_space<vmem_shared>>
      %dma_wait3A_48 = arith.constant 0 : i32
      %dma_wait3A_49 = tpu.memref_slice %arg4[%mul3A_4, %dma_wait3A_48] : memref<10240x128xf32, #tpu.memory_space<hbm>> -> memref<640x128xf32, #tpu.memory_space<hbm>>
      tpu.wait_dma2 semaphore(%run_scoped3A_41 : memref<!tpu.dma_semaphore, #tpu.memory_space<semaphore_mem>>) src(%dma_wait3A_49 : memref<640x128xf32, #tpu.memory_space<hbm>>) dst(%dma_wait3A_47 : memref<640x128xf32, #tpu.memory_space<vmem_shared>>)
      tpu.yield
    }) : () -> ()
    %run_scoped3A = arith.constant 0 : i32
    "tpu.region"() ({
      %run_scoped3A_41 = tpu.sem_alloc : memref<!tpu.dma_semaphore, #tpu.memory_space<semaphore_mem>>
      %dma_start3A_42 = tpu.memref_slice %arg3[%run_scoped3A, %mul3A_2] : memref<2x320000xi32, #tpu.memory_space<hbm>> -> memref<1x10000xi32, #tpu.memory_space<hbm>>
      %dma_start3A_43 = tpu.memref_squeeze %dma_start3A_42 : memref<1x10000xi32, #tpu.memory_space<hbm>> -> memref<10000xi32, #tpu.memory_space<hbm>>
      %dma_start3A_44 = tpu.memref_slice %arg3[%run_scoped3A, %mul3A_2] : memref<2x320000xi32, #tpu.memory_space<hbm>> -> memref<1x10000xi32, #tpu.memory_space<hbm>>
      %dma_start3A_45 = tpu.memref_squeeze %dma_start3A_44 : memref<1x10000xi32, #tpu.memory_space<hbm>> -> memref<10000xi32, #tpu.memory_space<hbm>>
      tpu.enqueue_dma source(%dma_start3A_45 : memref<10000xi32, #tpu.memory_space<hbm>>) target(%arg7 : memref<10000xi32, #tpu.memory_space<vmem>>) target_semaphore(%run_scoped3A_41 : memref<!tpu.dma_semaphore, #tpu.memory_space<semaphore_mem>>)
      %dma_wait3A_46 = tpu.memref_slice %arg3[%run_scoped3A, %mul3A_2] : memref<2x320000xi32, #tpu.memory_space<hbm>> -> memref<1x10000xi32, #tpu.memory_space<hbm>>
      %dma_wait3A_47 = tpu.memref_squeeze %dma_wait3A_46 : memref<1x10000xi32, #tpu.memory_space<hbm>> -> memref<10000xi32, #tpu.memory_space<hbm>>
      %dma_wait3A_48 = tpu.memref_slice %arg3[%run_scoped3A, %mul3A_2] : memref<2x320000xi32, #tpu.memory_space<hbm>> -> memref<1x10000xi32, #tpu.memory_space<hbm>>
      %dma_wait3A_49 = tpu.memref_squeeze %dma_wait3A_48 : memref<1x10000xi32, #tpu.memory_space<hbm>> -> memref<10000xi32, #tpu.memory_space<hbm>>
      tpu.wait_dma2 semaphore(%run_scoped3A_41 : memref<!tpu.dma_semaphore, #tpu.memory_space<semaphore_mem>>) src(%dma_wait3A_49 : memref<10000xi32, #tpu.memory_space<hbm>>) dst(%arg7 : memref<10000xi32, #tpu.memory_space<vmem>>)
      tpu.yield
    }) : () -> ()
    %run_scoped3A_7 = arith.constant 1 : i32
    "tpu.region"() ({
      %run_scoped3A_41 = tpu.sem_alloc : memref<!tpu.dma_semaphore, #tpu.memory_space<semaphore_mem>>
      %dma_start3A_42 = tpu.memref_slice %arg3[%run_scoped3A_7, %mul3A_2] : memref<2x320000xi32, #tpu.memory_space<hbm>> -> memref<1x10000xi32, #tpu.memory_space<hbm>>
      %dma_start3A_43 = tpu.memref_squeeze %dma_start3A_42 : memref<1x10000xi32, #tpu.memory_space<hbm>> -> memref<10000xi32, #tpu.memory_space<hbm>>
      %dma_start3A_44 = tpu.memref_slice %arg3[%run_scoped3A_7, %mul3A_2] : memref<2x320000xi32, #tpu.memory_space<hbm>> -> memref<1x10000xi32, #tpu.memory_space<hbm>>
      %dma_start3A_45 = tpu.memref_squeeze %dma_start3A_44 : memref<1x10000xi32, #tpu.memory_space<hbm>> -> memref<10000xi32, #tpu.memory_space<hbm>>
      tpu.enqueue_dma source(%dma_start3A_45 : memref<10000xi32, #tpu.memory_space<hbm>>) target(%arg8 : memref<10000xi32, #tpu.memory_space<vmem>>) target_semaphore(%run_scoped3A_41 : memref<!tpu.dma_semaphore, #tpu.memory_space<semaphore_mem>>)
      %dma_wait3A_46 = tpu.memref_slice %arg3[%run_scoped3A_7, %mul3A_2] : memref<2x320000xi32, #tpu.memory_space<hbm>> -> memref<1x10000xi32, #tpu.memory_space<hbm>>
      %dma_wait3A_47 = tpu.memref_squeeze %dma_wait3A_46 : memref<1x10000xi32, #tpu.memory_space<hbm>> -> memref<10000xi32, #tpu.memory_space<hbm>>
      %dma_wait3A_48 = tpu.memref_slice %arg3[%run_scoped3A_7, %mul3A_2] : memref<2x320000xi32, #tpu.memory_space<hbm>> -> memref<1x10000xi32, #tpu.memory_space<hbm>>
      %dma_wait3A_49 = tpu.memref_squeeze %dma_wait3A_48 : memref<1x10000xi32, #tpu.memory_space<hbm>> -> memref<10000xi32, #tpu.memory_space<hbm>>
      tpu.wait_dma2 semaphore(%run_scoped3A_41 : memref<!tpu.dma_semaphore, #tpu.memory_space<semaphore_mem>>) src(%dma_wait3A_49 : memref<10000xi32, #tpu.memory_space<hbm>>) dst(%arg8 : memref<10000xi32, #tpu.memory_space<vmem>>)
      tpu.yield
    }) : () -> ()
    %barrier3A = arith.constant 0 : index
    tpu.barrier barrier_id(%barrier3A)
    %dma_start3A = arith.constant 0 : i32
    %dma_start3A_8 = tpu.memref_slice %arg7[%dma_start3A] : memref<10000xi32, #tpu.memory_space<vmem>> -> memref<40xi32, #tpu.memory_space<vmem>>
    %dma_start3A_9 = arith.constant 0 : i32
    %dma_start3A_10 = arith.constant 0 : i32
    %dma_start3A_11 = tpu.memref_slice %arg2[%dma_start3A_9, %dma_start3A_10] : memref<10000x128xf32, #tpu.memory_space<hbm>> -> memref<10000x128xf32, #tpu.memory_space<hbm>>
    tpu.enqueue_indirect_dma source(%dma_start3A_11 : memref<10000x128xf32, #tpu.memory_space<hbm>>) target(%arg9 : memref<40x128xf32, #tpu.memory_space<vmem>>) offsets(%dma_start3A_8 : memref<40xi32, #tpu.memory_space<vmem>>) semaphore(%arg15 : memref<!tpu.dma_semaphore, #tpu.memory_space<semaphore_mem>>)
    %dma_start3A_12 = arith.constant 40 : i32
    %dma_start3A_13 = tpu.memref_slice %arg7[%dma_start3A_12] : memref<10000xi32, #tpu.memory_space<vmem>> -> memref<40xi32, #tpu.memory_space<vmem>>
    %dma_start3A_14 = arith.constant 0 : i32
    %dma_start3A_15 = arith.constant 0 : i32
    %dma_start3A_16 = tpu.memref_slice %arg2[%dma_start3A_14, %dma_start3A_15] : memref<10000x128xf32, #tpu.memory_space<hbm>> -> memref<10000x128xf32, #tpu.memory_space<hbm>>
    tpu.enqueue_indirect_dma source(%dma_start3A_16 : memref<10000x128xf32, #tpu.memory_space<hbm>>) target(%arg10 : memref<40x128xf32, #tpu.memory_space<vmem>>) offsets(%dma_start3A_13 : memref<40xi32, #tpu.memory_space<vmem>>) semaphore(%arg16 : memref<!tpu.dma_semaphore, #tpu.memory_space<semaphore_mem>>)
    %dma_start3A_17 = arith.constant 80 : i32
    %dma_start3A_18 = tpu.memref_slice %arg7[%dma_start3A_17] : memref<10000xi32, #tpu.memory_space<vmem>> -> memref<40xi32, #tpu.memory_space<vmem>>
    %dma_start3A_19 = arith.constant 0 : i32
    %dma_start3A_20 = arith.constant 0 : i32
    %dma_start3A_21 = tpu.memref_slice %arg2[%dma_start3A_19, %dma_start3A_20] : memref<10000x128xf32, #tpu.memory_space<hbm>> -> memref<10000x128xf32, #tpu.memory_space<hbm>>
    tpu.enqueue_indirect_dma source(%dma_start3A_21 : memref<10000x128xf32, #tpu.memory_space<hbm>>) target(%arg11 : memref<40x128xf32, #tpu.memory_space<vmem>>) offsets(%dma_start3A_18 : memref<40xi32, #tpu.memory_space<vmem>>) semaphore(%arg17 : memref<!tpu.dma_semaphore, #tpu.memory_space<semaphore_mem>>)
    %scan3A = arith.constant 0 : i32
    %scan3A_22 = arith.constant 0 : i32
    %scan3A_23 = arith.constant 50 : i32
    %scan3A_24 = arith.addi %scan3A_22, %scan3A_23 : i32
    %scan3A_25 = arith.constant 1 : i32
    scf.for %scan3A_41 = %scan3A_22 to %scan3A_24 step %scan3A_25  : i32 {
      %mul3A_42 = arith.constant 5 : i32
      %mul3A_43 = arith.muli %mul3A_42, %scan3A_41 : i32
      %add3A_44 = arith.constant 0 : i32
      %add3A_45 = arith.addi %mul3A_43, %add3A_44 : i32
      %ge3A = arith.constant 2 : i32
      %ge3A_46 = arith.cmpi sge, %add3A_45, %ge3A : i32
      %convert_element_type3A = arith.extui %ge3A_46 : i1 to i32
      %cond3A = arith.constant 0 : i32
      %cond3A_47 = arith.cmpi ne, %convert_element_type3A, %cond3A : i32
      scf.if %cond3A_47 {
        %sub3A = arith.constant 2 : i32
        %sub3A_178 = arith.subi %add3A_45, %sub3A : i32
        %mul3A_179 = arith.constant 40 : i32
        %mul3A_180 = arith.muli %sub3A_178, %mul3A_179 : i32
        %dma_wait3A_181 = tpu.memref_slice %arg8[%mul3A_180] : memref<10000xi32, #tpu.memory_space<vmem>> -> memref<40xi32, #tpu.memory_space<vmem>>
        %dma_wait3A_182 = arith.constant 0 : i32
        %dma_wait3A_183 = arith.constant 0 : i32
        %dma_wait3A_184 = tpu.memref_slice %arg14[%dma_wait3A_182, %dma_wait3A_183] : memref<10240x128xf32, #tpu.memory_space<vmem_shared>> -> memref<10240x128xf32, #tpu.memory_space<vmem_shared>>
        tpu.wait_indirect_dma semaphore(%arg23 : memref<!tpu.dma_semaphore, #tpu.memory_space<semaphore_mem>>) src(%arg12 : memref<40x128xf32, #tpu.memory_space<vmem>>) dst(%dma_wait3A_184 : memref<10240x128xf32, #tpu.memory_space<vmem_shared>>)
      } else {
      }
      %add3A_48 = arith.constant 3 : i32
      %add3A_49 = arith.addi %add3A_45, %add3A_48 : i32
      %lt3A = arith.constant 250 : i32
      %lt3A_50 = arith.cmpi slt, %add3A_49, %lt3A : i32
      %convert_element_type3A_51 = arith.extui %lt3A_50 : i1 to i32
      %cond3A_52 = arith.constant 0 : i32
      %cond3A_53 = arith.cmpi ne, %convert_element_type3A_51, %cond3A_52 : i32
      scf.if %cond3A_53 {
        %add3A_178 = arith.constant 3 : i32
        %add3A_179 = arith.addi %add3A_45, %add3A_178 : i32
        %mul3A_180 = arith.constant 40 : i32
        %mul3A_181 = arith.muli %add3A_179, %mul3A_180 : i32
        %dma_start3A_182 = tpu.memref_slice %arg7[%mul3A_181] : memref<10000xi32, #tpu.memory_space<vmem>> -> memref<40xi32, #tpu.memory_space<vmem>>
        %dma_start3A_183 = arith.constant 0 : i32
        %dma_start3A_184 = arith.constant 0 : i32
        %dma_start3A_185 = tpu.memref_slice %arg2[%dma_start3A_183, %dma_start3A_184] : memref<10000x128xf32, #tpu.memory_space<hbm>> -> memref<10000x128xf32, #tpu.memory_space<hbm>>
        tpu.enqueue_indirect_dma source(%dma_start3A_185 : memref<10000x128xf32, #tpu.memory_space<hbm>>) target(%arg12 : memref<40x128xf32, #tpu.memory_space<vmem>>) offsets(%dma_start3A_182 : memref<40xi32, #tpu.memory_space<vmem>>) semaphore(%arg18 : memref<!tpu.dma_semaphore, #tpu.memory_space<semaphore_mem>>)
      } else {
      }
      %mul3A_54 = arith.constant 40 : i32
      %mul3A_55 = arith.muli %add3A_45, %mul3A_54 : i32
      %dma_wait3A_56 = tpu.memref_slice %arg7[%mul3A_55] : memref<10000xi32, #tpu.memory_space<vmem>> -> memref<40xi32, #tpu.memory_space<vmem>>
      %dma_wait3A_57 = arith.constant 0 : i32
      %dma_wait3A_58 = arith.constant 0 : i32
      %dma_wait3A_59 = tpu.memref_slice %arg2[%dma_wait3A_57, %dma_wait3A_58] : memref<10000x128xf32, #tpu.memory_space<hbm>> -> memref<10000x128xf32, #tpu.memory_space<hbm>>
      tpu.wait_indirect_dma semaphore(%arg15 : memref<!tpu.dma_semaphore, #tpu.memory_space<semaphore_mem>>) src(%dma_wait3A_59 : memref<10000x128xf32, #tpu.memory_space<hbm>>) dst(%arg9 : memref<40x128xf32, #tpu.memory_space<vmem>>)
      %mul3A_60 = arith.constant 40 : i32
      %mul3A_61 = arith.muli %add3A_45, %mul3A_60 : i32
      %dma_start3A_62 = tpu.memref_slice %arg8[%mul3A_61] : memref<10000xi32, #tpu.memory_space<vmem>> -> memref<40xi32, #tpu.memory_space<vmem>>
      %dma_start3A_63 = arith.constant 0 : i32
      %dma_start3A_64 = arith.constant 0 : i32
      %dma_start3A_65 = tpu.memref_slice %arg14[%dma_start3A_63, %dma_start3A_64] : memref<10240x128xf32, #tpu.memory_space<vmem_shared>> -> memref<10240x128xf32, #tpu.memory_space<vmem_shared>>
      tpu.enqueue_indirect_dma source(%arg9 : memref<40x128xf32, #tpu.memory_space<vmem>>) target(%dma_start3A_65 : memref<10240x128xf32, #tpu.memory_space<vmem_shared>>) offsets(%dma_start3A_62 : memref<40xi32, #tpu.memory_space<vmem>>) semaphore(%arg20 : memref<!tpu.dma_semaphore, #tpu.memory_space<semaphore_mem>>) {add = true}
      %mul3A_66 = arith.constant 5 : i32
      %mul3A_67 = arith.muli %mul3A_66, %scan3A_41 : i32
      %add3A_68 = arith.constant 1 : i32
      %add3A_69 = arith.addi %mul3A_67, %add3A_68 : i32
      %ge3A_70 = arith.constant 2 : i32
      %ge3A_71 = arith.cmpi sge, %add3A_69, %ge3A_70 : i32
      %convert_element_type3A_72 = arith.extui %ge3A_71 : i1 to i32
      %cond3A_73 = arith.constant 0 : i32
      %cond3A_74 = arith.cmpi ne, %convert_element_type3A_72, %cond3A_73 : i32
      scf.if %cond3A_74 {
        %sub3A = arith.constant 2 : i32
        %sub3A_178 = arith.subi %add3A_69, %sub3A : i32
        %mul3A_179 = arith.constant 40 : i32
        %mul3A_180 = arith.muli %sub3A_178, %mul3A_179 : i32
        %dma_wait3A_181 = tpu.memref_slice %arg8[%mul3A_180] : memref<10000xi32, #tpu.memory_space<vmem>> -> memref<40xi32, #tpu.memory_space<vmem>>
        %dma_wait3A_182 = arith.constant 0 : i32
        %dma_wait3A_183 = arith.constant 0 : i32
        %dma_wait3A_184 = tpu.memref_slice %arg14[%dma_wait3A_182, %dma_wait3A_183] : memref<10240x128xf32, #tpu.memory_space<vmem_shared>> -> memref<10240x128xf32, #tpu.memory_space<vmem_shared>>
        tpu.wait_indirect_dma semaphore(%arg24 : memref<!tpu.dma_semaphore, #tpu.memory_space<semaphore_mem>>) src(%arg13 : memref<40x128xf32, #tpu.memory_space<vmem>>) dst(%dma_wait3A_184 : memref<10240x128xf32, #tpu.memory_space<vmem_shared>>)
      } else {
      }
      %add3A_75 = arith.constant 3 : i32
      %add3A_76 = arith.addi %add3A_69, %add3A_75 : i32
      %lt3A_77 = arith.constant 250 : i32
      %lt3A_78 = arith.cmpi slt, %add3A_76, %lt3A_77 : i32
      %convert_element_type3A_79 = arith.extui %lt3A_78 : i1 to i32
      %cond3A_80 = arith.constant 0 : i32
      %cond3A_81 = arith.cmpi ne, %convert_element_type3A_79, %cond3A_80 : i32
      scf.if %cond3A_81 {
        %add3A_178 = arith.constant 3 : i32
        %add3A_179 = arith.addi %add3A_69, %add3A_178 : i32
        %mul3A_180 = arith.constant 40 : i32
        %mul3A_181 = arith.muli %add3A_179, %mul3A_180 : i32
        %dma_start3A_182 = tpu.memref_slice %arg7[%mul3A_181] : memref<10000xi32, #tpu.memory_space<vmem>> -> memref<40xi32, #tpu.memory_space<vmem>>
        %dma_start3A_183 = arith.constant 0 : i32
        %dma_start3A_184 = arith.constant 0 : i32
        %dma_start3A_185 = tpu.memref_slice %arg2[%dma_start3A_183, %dma_start3A_184] : memref<10000x128xf32, #tpu.memory_space<hbm>> -> memref<10000x128xf32, #tpu.memory_space<hbm>>
        tpu.enqueue_indirect_dma source(%dma_start3A_185 : memref<10000x128xf32, #tpu.memory_space<hbm>>) target(%arg13 : memref<40x128xf32, #tpu.memory_space<vmem>>) offsets(%dma_start3A_182 : memref<40xi32, #tpu.memory_space<vmem>>) semaphore(%arg19 : memref<!tpu.dma_semaphore, #tpu.memory_space<semaphore_mem>>)
      } else {
      }
      %mul3A_82 = arith.constant 40 : i32
      %mul3A_83 = arith.muli %add3A_69, %mul3A_82 : i32
      %dma_wait3A_84 = tpu.memref_slice %arg7[%mul3A_83] : memref<10000xi32, #tpu.memory_space<vmem>> -> memref<40xi32, #tpu.memory_space<vmem>>
      %dma_wait3A_85 = arith.constant 0 : i32
      %dma_wait3A_86 = arith.constant 0 : i32
      %dma_wait3A_87 = tpu.memref_slice %arg2[%dma_wait3A_85, %dma_wait3A_86] : memref<10000x128xf32, #tpu.memory_space<hbm>> -> memref<10000x128xf32, #tpu.memory_space<hbm>>
      tpu.wait_indirect_dma semaphore(%arg16 : memref<!tpu.dma_semaphore, #tpu.memory_space<semaphore_mem>>) src(%dma_wait3A_87 : memref<10000x128xf32, #tpu.memory_space<hbm>>) dst(%arg10 : memref<40x128xf32, #tpu.memory_space<vmem>>)
      %mul3A_88 = arith.constant 40 : i32
      %mul3A_89 = arith.muli %add3A_69, %mul3A_88 : i32
      %dma_start3A_90 = tpu.memref_slice %arg8[%mul3A_89] : memref<10000xi32, #tpu.memory_space<vmem>> -> memref<40xi32, #tpu.memory_space<vmem>>
      %dma_start3A_91 = arith.constant 0 : i32
      %dma_start3A_92 = arith.constant 0 : i32
      %dma_start3A_93 = tpu.memref_slice %arg14[%dma_start3A_91, %dma_start3A_92] : memref<10240x128xf32, #tpu.memory_space<vmem_shared>> -> memref<10240x128xf32, #tpu.memory_space<vmem_shared>>
      tpu.enqueue_indirect_dma source(%arg10 : memref<40x128xf32, #tpu.memory_space<vmem>>) target(%dma_start3A_93 : memref<10240x128xf32, #tpu.memory_space<vmem_shared>>) offsets(%dma_start3A_90 : memref<40xi32, #tpu.memory_space<vmem>>) semaphore(%arg21 : memref<!tpu.dma_semaphore, #tpu.memory_space<semaphore_mem>>) {add = true}
      %mul3A_94 = arith.constant 5 : i32
      %mul3A_95 = arith.muli %mul3A_94, %scan3A_41 : i32
      %add3A_96 = arith.constant 2 : i32
      %add3A_97 = arith.addi %mul3A_95, %add3A_96 : i32
      %ge3A_98 = arith.constant 2 : i32
      %ge3A_99 = arith.cmpi sge, %add3A_97, %ge3A_98 : i32
      %convert_element_type3A_100 = arith.extui %ge3A_99 : i1 to i32
      %cond3A_101 = arith.constant 0 : i32
      %cond3A_102 = arith.cmpi ne, %convert_element_type3A_100, %cond3A_101 : i32
      scf.if %cond3A_102 {
        %sub3A = arith.constant 2 : i32
        %sub3A_178 = arith.subi %add3A_97, %sub3A : i32
        %mul3A_179 = arith.constant 40 : i32
        %mul3A_180 = arith.muli %sub3A_178, %mul3A_179 : i32
        %dma_wait3A_181 = tpu.memref_slice %arg8[%mul3A_180] : memref<10000xi32, #tpu.memory_space<vmem>> -> memref<40xi32, #tpu.memory_space<vmem>>
        %dma_wait3A_182 = arith.constant 0 : i32
        %dma_wait3A_183 = arith.constant 0 : i32
        %dma_wait3A_184 = tpu.memref_slice %arg14[%dma_wait3A_182, %dma_wait3A_183] : memref<10240x128xf32, #tpu.memory_space<vmem_shared>> -> memref<10240x128xf32, #tpu.memory_space<vmem_shared>>
        tpu.wait_indirect_dma semaphore(%arg20 : memref<!tpu.dma_semaphore, #tpu.memory_space<semaphore_mem>>) src(%arg9 : memref<40x128xf32, #tpu.memory_space<vmem>>) dst(%dma_wait3A_184 : memref<10240x128xf32, #tpu.memory_space<vmem_shared>>)
      } else {
      }
      %add3A_103 = arith.constant 3 : i32
      %add3A_104 = arith.addi %add3A_97, %add3A_103 : i32
      %lt3A_105 = arith.constant 250 : i32
      %lt3A_106 = arith.cmpi slt, %add3A_104, %lt3A_105 : i32
      %convert_element_type3A_107 = arith.extui %lt3A_106 : i1 to i32
      %cond3A_108 = arith.constant 0 : i32
      %cond3A_109 = arith.cmpi ne, %convert_element_type3A_107, %cond3A_108 : i32
      scf.if %cond3A_109 {
        %add3A_178 = arith.constant 3 : i32
        %add3A_179 = arith.addi %add3A_97, %add3A_178 : i32
        %mul3A_180 = arith.constant 40 : i32
        %mul3A_181 = arith.muli %add3A_179, %mul3A_180 : i32
        %dma_start3A_182 = tpu.memref_slice %arg7[%mul3A_181] : memref<10000xi32, #tpu.memory_space<vmem>> -> memref<40xi32, #tpu.memory_space<vmem>>
        %dma_start3A_183 = arith.constant 0 : i32
        %dma_start3A_184 = arith.constant 0 : i32
        %dma_start3A_185 = tpu.memref_slice %arg2[%dma_start3A_183, %dma_start3A_184] : memref<10000x128xf32, #tpu.memory_space<hbm>> -> memref<10000x128xf32, #tpu.memory_space<hbm>>
        tpu.enqueue_indirect_dma source(%dma_start3A_185 : memref<10000x128xf32, #tpu.memory_space<hbm>>) target(%arg9 : memref<40x128xf32, #tpu.memory_space<vmem>>) offsets(%dma_start3A_182 : memref<40xi32, #tpu.memory_space<vmem>>) semaphore(%arg15 : memref<!tpu.dma_semaphore, #tpu.memory_space<semaphore_mem>>)
      } else {
      }
      %mul3A_110 = arith.constant 40 : i32
      %mul3A_111 = arith.muli %add3A_97, %mul3A_110 : i32
      %dma_wait3A_112 = tpu.memref_slice %arg7[%mul3A_111] : memref<10000xi32, #tpu.memory_space<vmem>> -> memref<40xi32, #tpu.memory_space<vmem>>
      %dma_wait3A_113 = arith.constant 0 : i32
      %dma_wait3A_114 = arith.constant 0 : i32
      %dma_wait3A_115 = tpu.memref_slice %arg2[%dma_wait3A_113, %dma_wait3A_114] : memref<10000x128xf32, #tpu.memory_space<hbm>> -> memref<10000x128xf32, #tpu.memory_space<hbm>>
      tpu.wait_indirect_dma semaphore(%arg17 : memref<!tpu.dma_semaphore, #tpu.memory_space<semaphore_mem>>) src(%dma_wait3A_115 : memref<10000x128xf32, #tpu.memory_space<hbm>>) dst(%arg11 : memref<40x128xf32, #tpu.memory_space<vmem>>)
      %mul3A_116 = arith.constant 40 : i32
      %mul3A_117 = arith.muli %add3A_97, %mul3A_116 : i32
      %dma_start3A_118 = tpu.memref_slice %arg8[%mul3A_117] : memref<10000xi32, #tpu.memory_space<vmem>> -> memref<40xi32, #tpu.memory_space<vmem>>
      %dma_start3A_119 = arith.constant 0 : i32
      %dma_start3A_120 = arith.constant 0 : i32
      %dma_start3A_121 = tpu.memref_slice %arg14[%dma_start3A_119, %dma_start3A_120] : memref<10240x128xf32, #tpu.memory_space<vmem_shared>> -> memref<10240x128xf32, #tpu.memory_space<vmem_shared>>
      tpu.enqueue_indirect_dma source(%arg11 : memref<40x128xf32, #tpu.memory_space<vmem>>) target(%dma_start3A_121 : memref<10240x128xf32, #tpu.memory_space<vmem_shared>>) offsets(%dma_start3A_118 : memref<40xi32, #tpu.memory_space<vmem>>) semaphore(%arg22 : memref<!tpu.dma_semaphore, #tpu.memory_space<semaphore_mem>>) {add = true}
      %mul3A_122 = arith.constant 5 : i32
      %mul3A_123 = arith.muli %mul3A_122, %scan3A_41 : i32
      %add3A_124 = arith.constant 3 : i32
      %add3A_125 = arith.addi %mul3A_123, %add3A_124 : i32
      %ge3A_126 = arith.constant 2 : i32
      %ge3A_127 = arith.cmpi sge, %add3A_125, %ge3A_126 : i32
      %convert_element_type3A_128 = arith.extui %ge3A_127 : i1 to i32
      %cond3A_129 = arith.constant 0 : i32
      %cond3A_130 = arith.cmpi ne, %convert_element_type3A_128, %cond3A_129 : i32
      scf.if %cond3A_130 {
        %sub3A = arith.constant 2 : i32
        %sub3A_178 = arith.subi %add3A_125, %sub3A : i32
        %mul3A_179 = arith.constant 40 : i32
        %mul3A_180 = arith.muli %sub3A_178, %mul3A_179 : i32
        %dma_wait3A_181 = tpu.memref_slice %arg8[%mul3A_180] : memref<10000xi32, #tpu.memory_space<vmem>> -> memref<40xi32, #tpu.memory_space<vmem>>
        %dma_wait3A_182 = arith.constant 0 : i32
        %dma_wait3A_183 = arith.constant 0 : i32
        %dma_wait3A_184 = tpu.memref_slice %arg14[%dma_wait3A_182, %dma_wait3A_183] : memref<10240x128xf32, #tpu.memory_space<vmem_shared>> -> memref<10240x128xf32, #tpu.memory_space<vmem_shared>>
        tpu.wait_indirect_dma semaphore(%arg21 : memref<!tpu.dma_semaphore, #tpu.memory_space<semaphore_mem>>) src(%arg10 : memref<40x128xf32, #tpu.memory_space<vmem>>) dst(%dma_wait3A_184 : memref<10240x128xf32, #tpu.memory_space<vmem_shared>>)
      } else {
      }
      %add3A_131 = arith.constant 3 : i32
      %add3A_132 = arith.addi %add3A_125, %add3A_131 : i32
      %lt3A_133 = arith.constant 250 : i32
      %lt3A_134 = arith.cmpi slt, %add3A_132, %lt3A_133 : i32
      %convert_element_type3A_135 = arith.extui %lt3A_134 : i1 to i32
      %cond3A_136 = arith.constant 0 : i32
      %cond3A_137 = arith.cmpi ne, %convert_element_type3A_135, %cond3A_136 : i32
      scf.if %cond3A_137 {
        %add3A_178 = arith.constant 3 : i32
        %add3A_179 = arith.addi %add3A_125, %add3A_178 : i32
        %mul3A_180 = arith.constant 40 : i32
        %mul3A_181 = arith.muli %add3A_179, %mul3A_180 : i32
        %dma_start3A_182 = tpu.memref_slice %arg7[%mul3A_181] : memref<10000xi32, #tpu.memory_space<vmem>> -> memref<40xi32, #tpu.memory_space<vmem>>
        %dma_start3A_183 = arith.constant 0 : i32
        %dma_start3A_184 = arith.constant 0 : i32
        %dma_start3A_185 = tpu.memref_slice %arg2[%dma_start3A_183, %dma_start3A_184] : memref<10000x128xf32, #tpu.memory_space<hbm>> -> memref<10000x128xf32, #tpu.memory_space<hbm>>
        tpu.enqueue_indirect_dma source(%dma_start3A_185 : memref<10000x128xf32, #tpu.memory_space<hbm>>) target(%arg10 : memref<40x128xf32, #tpu.memory_space<vmem>>) offsets(%dma_start3A_182 : memref<40xi32, #tpu.memory_space<vmem>>) semaphore(%arg16 : memref<!tpu.dma_semaphore, #tpu.memory_space<semaphore_mem>>)
      } else {
      }
      %mul3A_138 = arith.constant 40 : i32
      %mul3A_139 = arith.muli %add3A_125, %mul3A_138 : i32
      %dma_wait3A_140 = tpu.memref_slice %arg7[%mul3A_139] : memref<10000xi32, #tpu.memory_space<vmem>> -> memref<40xi32, #tpu.memory_space<vmem>>
      %dma_wait3A_141 = arith.constant 0 : i32
      %dma_wait3A_142 = arith.constant 0 : i32
      %dma_wait3A_143 = tpu.memref_slice %arg2[%dma_wait3A_141, %dma_wait3A_142] : memref<10000x128xf32, #tpu.memory_space<hbm>> -> memref<10000x128xf32, #tpu.memory_space<hbm>>
      tpu.wait_indirect_dma semaphore(%arg18 : memref<!tpu.dma_semaphore, #tpu.memory_space<semaphore_mem>>) src(%dma_wait3A_143 : memref<10000x128xf32, #tpu.memory_space<hbm>>) dst(%arg12 : memref<40x128xf32, #tpu.memory_space<vmem>>)
      %mul3A_144 = arith.constant 40 : i32
      %mul3A_145 = arith.muli %add3A_125, %mul3A_144 : i32
      %dma_start3A_146 = tpu.memref_slice %arg8[%mul3A_145] : memref<10000xi32, #tpu.memory_space<vmem>> -> memref<40xi32, #tpu.memory_space<vmem>>
      %dma_start3A_147 = arith.constant 0 : i32
      %dma_start3A_148 = arith.constant 0 : i32
      %dma_start3A_149 = tpu.memref_slice %arg14[%dma_start3A_147, %dma_start3A_148] : memref<10240x128xf32, #tpu.memory_space<vmem_shared>> -> memref<10240x128xf32, #tpu.memory_space<vmem_shared>>
      tpu.enqueue_indirect_dma source(%arg12 : memref<40x128xf32, #tpu.memory_space<vmem>>) target(%dma_start3A_149 : memref<10240x128xf32, #tpu.memory_space<vmem_shared>>) offsets(%dma_start3A_146 : memref<40xi32, #tpu.memory_space<vmem>>) semaphore(%arg23 : memref<!tpu.dma_semaphore, #tpu.memory_space<semaphore_mem>>) {add = true}
      %mul3A_150 = arith.constant 5 : i32
      %mul3A_151 = arith.muli %mul3A_150, %scan3A_41 : i32
      %add3A_152 = arith.constant 4 : i32
      %add3A_153 = arith.addi %mul3A_151, %add3A_152 : i32
      %ge3A_154 = arith.constant 2 : i32
      %ge3A_155 = arith.cmpi sge, %add3A_153, %ge3A_154 : i32
      %convert_element_type3A_156 = arith.extui %ge3A_155 : i1 to i32
      %cond3A_157 = arith.constant 0 : i32
      %cond3A_158 = arith.cmpi ne, %convert_element_type3A_156, %cond3A_157 : i32
      scf.if %cond3A_158 {
        %sub3A = arith.constant 2 : i32
        %sub3A_178 = arith.subi %add3A_153, %sub3A : i32
        %mul3A_179 = arith.constant 40 : i32
        %mul3A_180 = arith.muli %sub3A_178, %mul3A_179 : i32
        %dma_wait3A_181 = tpu.memref_slice %arg8[%mul3A_180] : memref<10000xi32, #tpu.memory_space<vmem>> -> memref<40xi32, #tpu.memory_space<vmem>>
        %dma_wait3A_182 = arith.constant 0 : i32
        %dma_wait3A_183 = arith.constant 0 : i32
        %dma_wait3A_184 = tpu.memref_slice %arg14[%dma_wait3A_182, %dma_wait3A_183] : memref<10240x128xf32, #tpu.memory_space<vmem_shared>> -> memref<10240x128xf32, #tpu.memory_space<vmem_shared>>
        tpu.wait_indirect_dma semaphore(%arg22 : memref<!tpu.dma_semaphore, #tpu.memory_space<semaphore_mem>>) src(%arg11 : memref<40x128xf32, #tpu.memory_space<vmem>>) dst(%dma_wait3A_184 : memref<10240x128xf32, #tpu.memory_space<vmem_shared>>)
      } else {
      }
      %add3A_159 = arith.constant 3 : i32
      %add3A_160 = arith.addi %add3A_153, %add3A_159 : i32
      %lt3A_161 = arith.constant 250 : i32
      %lt3A_162 = arith.cmpi slt, %add3A_160, %lt3A_161 : i32
      %convert_element_type3A_163 = arith.extui %lt3A_162 : i1 to i32
      %cond3A_164 = arith.constant 0 : i32
      %cond3A_165 = arith.cmpi ne, %convert_element_type3A_163, %cond3A_164 : i32
      scf.if %cond3A_165 {
        %add3A_178 = arith.constant 3 : i32
        %add3A_179 = arith.addi %add3A_153, %add3A_178 : i32
        %mul3A_180 = arith.constant 40 : i32
        %mul3A_181 = arith.muli %add3A_179, %mul3A_180 : i32
        %dma_start3A_182 = tpu.memref_slice %arg7[%mul3A_181] : memref<10000xi32, #tpu.memory_space<vmem>> -> memref<40xi32, #tpu.memory_space<vmem>>
        %dma_start3A_183 = arith.constant 0 : i32
        %dma_start3A_184 = arith.constant 0 : i32
        %dma_start3A_185 = tpu.memref_slice %arg2[%dma_start3A_183, %dma_start3A_184] : memref<10000x128xf32, #tpu.memory_space<hbm>> -> memref<10000x128xf32, #tpu.memory_space<hbm>>
        tpu.enqueue_indirect_dma source(%dma_start3A_185 : memref<10000x128xf32, #tpu.memory_space<hbm>>) target(%arg11 : memref<40x128xf32, #tpu.memory_space<vmem>>) offsets(%dma_start3A_182 : memref<40xi32, #tpu.memory_space<vmem>>) semaphore(%arg17 : memref<!tpu.dma_semaphore, #tpu.memory_space<semaphore_mem>>)
      } else {
      }
      %mul3A_166 = arith.constant 40 : i32
      %mul3A_167 = arith.muli %add3A_153, %mul3A_166 : i32
      %dma_wait3A_168 = tpu.memref_slice %arg7[%mul3A_167] : memref<10000xi32, #tpu.memory_space<vmem>> -> memref<40xi32, #tpu.memory_space<vmem>>
      %dma_wait3A_169 = arith.constant 0 : i32
      %dma_wait3A_170 = arith.constant 0 : i32
      %dma_wait3A_171 = tpu.memref_slice %arg2[%dma_wait3A_169, %dma_wait3A_170] : memref<10000x128xf32, #tpu.memory_space<hbm>> -> memref<10000x128xf32, #tpu.memory_space<hbm>>
      tpu.wait_indirect_dma semaphore(%arg19 : memref<!tpu.dma_semaphore, #tpu.memory_space<semaphore_mem>>) src(%dma_wait3A_171 : memref<10000x128xf32, #tpu.memory_space<hbm>>) dst(%arg13 : memref<40x128xf32, #tpu.memory_space<vmem>>)
      %mul3A_172 = arith.constant 40 : i32
      %mul3A_173 = arith.muli %add3A_153, %mul3A_172 : i32
      %dma_start3A_174 = tpu.memref_slice %arg8[%mul3A_173] : memref<10000xi32, #tpu.memory_space<vmem>> -> memref<40xi32, #tpu.memory_space<vmem>>
      %dma_start3A_175 = arith.constant 0 : i32
      %dma_start3A_176 = arith.constant 0 : i32
      %dma_start3A_177 = tpu.memref_slice %arg14[%dma_start3A_175, %dma_start3A_176] : memref<10240x128xf32, #tpu.memory_space<vmem_shared>> -> memref<10240x128xf32, #tpu.memory_space<vmem_shared>>
      tpu.enqueue_indirect_dma source(%arg13 : memref<40x128xf32, #tpu.memory_space<vmem>>) target(%dma_start3A_177 : memref<10240x128xf32, #tpu.memory_space<vmem_shared>>) offsets(%dma_start3A_174 : memref<40xi32, #tpu.memory_space<vmem>>) semaphore(%arg24 : memref<!tpu.dma_semaphore, #tpu.memory_space<semaphore_mem>>) {add = true}
    }
    %scan3A_26 = arith.constant 50 : i32
    %dma_wait3A = arith.constant 9920 : i32
    %dma_wait3A_27 = tpu.memref_slice %arg8[%dma_wait3A] : memref<10000xi32, #tpu.memory_space<vmem>> -> memref<40xi32, #tpu.memory_space<vmem>>
    %dma_wait3A_28 = arith.constant 0 : i32
    %dma_wait3A_29 = arith.constant 0 : i32
    %dma_wait3A_30 = tpu.memref_slice %arg14[%dma_wait3A_28, %dma_wait3A_29] : memref<10240x128xf32, #tpu.memory_space<vmem_shared>> -> memref<10240x128xf32, #tpu.memory_space<vmem_shared>>
    tpu.wait_indirect_dma semaphore(%arg23 : memref<!tpu.dma_semaphore, #tpu.memory_space<semaphore_mem>>) src(%arg12 : memref<40x128xf32, #tpu.memory_space<vmem>>) dst(%dma_wait3A_30 : memref<10240x128xf32, #tpu.memory_space<vmem_shared>>)
    %dma_wait3A_31 = arith.constant 9960 : i32
    %dma_wait3A_32 = tpu.memref_slice %arg8[%dma_wait3A_31] : memref<10000xi32, #tpu.memory_space<vmem>> -> memref<40xi32, #tpu.memory_space<vmem>>
    %dma_wait3A_33 = arith.constant 0 : i32
    %dma_wait3A_34 = arith.constant 0 : i32
    %dma_wait3A_35 = tpu.memref_slice %arg14[%dma_wait3A_33, %dma_wait3A_34] : memref<10240x128xf32, #tpu.memory_space<vmem_shared>> -> memref<10240x128xf32, #tpu.memory_space<vmem_shared>>
    tpu.wait_indirect_dma semaphore(%arg24 : memref<!tpu.dma_semaphore, #tpu.memory_space<semaphore_mem>>) src(%arg13 : memref<40x128xf32, #tpu.memory_space<vmem>>) dst(%dma_wait3A_35 : memref<10240x128xf32, #tpu.memory_space<vmem_shared>>)
    %barrier3A_36 = arith.constant 0 : index
    tpu.barrier barrier_id(%barrier3A_36)
    %mul3A_37 = arith.constant 640 : i32
    %mul3A_38 = arith.muli %arg1, %mul3A_37 : i32
    %mul3A_39 = arith.constant 640 : i32
    %mul3A_40 = arith.muli %arg1, %mul3A_39 : i32
    "tpu.region"() ({
      %run_scoped3A_41 = tpu.sem_alloc : memref<!tpu.dma_semaphore, #tpu.memory_space<semaphore_mem>>
      %dma_start3A_42 = arith.constant 0 : i32
      %dma_start3A_43 = tpu.memref_slice %arg6[%arg0, %mul3A_40, %dma_start3A_42] : memref<2x10240x128xf32, #tpu.memory_space<hbm>> -> memref<1x640x128xf32, #tpu.memory_space<hbm>>
      %dma_start3A_44 = tpu.memref_squeeze %dma_start3A_43 : memref<1x640x128xf32, #tpu.memory_space<hbm>> -> memref<640x128xf32, #tpu.memory_space<hbm>>
      %dma_start3A_45 = arith.constant 0 : i32
      %dma_start3A_46 = tpu.memref_slice %arg14[%mul3A_38, %dma_start3A_45] : memref<10240x128xf32, #tpu.memory_space<vmem_shared>> -> memref<640x128xf32, #tpu.memory_space<vmem_shared>>
      tpu.enqueue_dma source(%dma_start3A_46 : memref<640x128xf32, #tpu.memory_space<vmem_shared>>) target(%dma_start3A_44 : memref<640x128xf32, #tpu.memory_space<hbm>>) target_semaphore(%run_scoped3A_41 : memref<!tpu.dma_semaphore, #tpu.memory_space<semaphore_mem>>)
      %dma_wait3A_47 = arith.constant 0 : i32
      %dma_wait3A_48 = tpu.memref_slice %arg6[%arg0, %mul3A_40, %dma_wait3A_47] : memref<2x10240x128xf32, #tpu.memory_space<hbm>> -> memref<1x640x128xf32, #tpu.memory_space<hbm>>
      %dma_wait3A_49 = tpu.memref_squeeze %dma_wait3A_48 : memref<1x640x128xf32, #tpu.memory_space<hbm>> -> memref<640x128xf32, #tpu.memory_space<hbm>>
      %dma_wait3A_50 = arith.constant 0 : i32
      %dma_wait3A_51 = tpu.memref_slice %arg14[%mul3A_38, %dma_wait3A_50] : memref<10240x128xf32, #tpu.memory_space<vmem_shared>> -> memref<640x128xf32, #tpu.memory_space<vmem_shared>>
      tpu.wait_dma2 semaphore(%run_scoped3A_41 : memref<!tpu.dma_semaphore, #tpu.memory_space<semaphore_mem>>) src(%dma_wait3A_51 : memref<640x128xf32, #tpu.memory_space<vmem_shared>>) dst(%dma_wait3A_49 : memref<640x128xf32, #tpu.memory_space<hbm>>)
      tpu.yield
    }) : () -> ()
    return
  }
}

module attributes {stable_mosaic.version = 14 : i64} {
  func.func @_tcself_body(%arg0: i32, %arg1: memref<1024x128xf32, #tpu.memory_space<vmem>>, %arg2: memref<128x128xf32, #tpu.memory_space<vmem>>, %arg3: memref<128xf32, #tpu.memory_space<vmem>>, %arg4: memref<1024x128xf32, #tpu.memory_space<vmem>>) attributes {dimension_semantics = [#tpu.dimension_semantics<arbitrary>], iteration_bounds = array<i64: 10>, scalar_prefetch = 0 : i64, scratch_operands = 0 : i64, tpu.core_type = #tpu.core_type<tc>, window_params = [{transform_indices = @transform_0, window_bounds = array<i64: 1024, 128>}, {pipeline_mode = #tpu.pipeline_mode<synchronous>, transform_indices = @transform_1, window_bounds = array<i64: 128, 128>}, {pipeline_mode = #tpu.pipeline_mode<synchronous>, transform_indices = @transform_2, window_bounds = array<i64: 128>}, {transform_indices = @transform_3, window_bounds = array<i64: 1024, 128>}]} {
    %get3A = arith.constant 0 : index
    %get3A_0 = arith.constant 0 : index
    %get3A_1 = vector.load %arg1[%get3A, %get3A_0] : memref<1024x128xf32, #tpu.memory_space<vmem>>, vector<1024x128xf32>
    %get3A_2 = arith.constant 0 : index
    %get3A_3 = arith.constant 0 : index
    %get3A_4 = vector.load %arg2[%get3A_2, %get3A_3] : memref<128x128xf32, #tpu.memory_space<vmem>>, vector<128x128xf32>
    %dot_general3A = arith.constant dense<0.000000e+00> : vector<1024x128xf32>
    %dot_general3A_5 = tpu.matmul %get3A_1, %get3A_4, %dot_general3A {dimension_numbers = #tpu.dot_dimension_numbers<[1], [0], [0], [1], [0, 0, 1, 1], [], []>, transpose_lhs_hint = false} : vector<1024x128xf32>, vector<128x128xf32>, vector<1024x128xf32> -> vector<1024x128xf32>
    %get3A_6 = arith.constant 0 : index
    %get3A_7 = vector.load %arg3[%get3A_6] : memref<128xf32, #tpu.memory_space<vmem>>, vector<128xf32>
    %broadcast_in_dim3A = vector.shape_cast %get3A_7 : vector<128xf32> to vector<1x128xf32>
    %add3A = vector.broadcast %broadcast_in_dim3A : vector<1x128xf32> to vector<1024x128xf32>
    %add3A_8 = arith.addf %dot_general3A_5, %add3A : vector<1024x128xf32>
    %swap3A = arith.constant 0 : index
    %swap3A_9 = arith.constant 0 : index
    %swap3A_10 = vector.load %arg4[%swap3A, %swap3A_9] : memref<1024x128xf32, #tpu.memory_space<vmem>>, vector<1024x128xf32>
    tpu.vector_store %arg4[%swap3A, %swap3A_9], %add3A_8 {strides = array<i32>} : memref<1024x128xf32, #tpu.memory_space<vmem>>, vector<1024x128xf32>,
    return
  }
  func.func @transform_0(%arg0: i32) -> (i32, i32) {
    %c0_i32 = arith.constant 0 : i32
    %c0_i32_0 = arith.constant 0 : i32
    return %arg0, %c0_i32 : i32, i32
  }
  func.func @transform_1(%arg0: i32) -> (i32, i32) {
    %c0_i32 = arith.constant 0 : i32
    %c0_i32_0 = arith.constant 0 : i32
    %c0_i32_1 = arith.constant 0 : i32
    return %c0_i32, %c0_i32_0 : i32, i32
  }
  func.func @transform_2(%arg0: i32) -> i32 {
    %c0_i32 = arith.constant 0 : i32
    %c0_i32_0 = arith.constant 0 : i32
    return %c0_i32 : i32
  }
  func.func @transform_3(%arg0: i32) -> (i32, i32) {
    %c0_i32 = arith.constant 0 : i32
    %c0_i32_0 = arith.constant 0 : i32
    return %arg0, %c0_i32 : i32, i32
  }
}

module attributes {stable_mosaic.version = 14 : i64} {
  func.func @_tc1_body(%arg0: i32, %arg1: memref<1024x128xf32, #tpu.memory_space<vmem>>, %arg2: memref<2x1024x128xf32, #tpu.memory_space<vmem>>, %arg3: memref<2x1024xf32, #tpu.memory_space<vmem>>, %arg4: memref<128x128xf32, #tpu.memory_space<vmem>>, %arg5: memref<1024x128xf32, #tpu.memory_space<vmem>>, %arg6: memref<1024x128xf32, #tpu.memory_space<vmem>>) attributes {dimension_semantics = [#tpu.dimension_semantics<arbitrary>], iteration_bounds = array<i64: 10>, scalar_prefetch = 0 : i64, scratch_operands = 0 : i64, tpu.core_type = #tpu.core_type<tc>, window_params = [{transform_indices = @transform_0, window_bounds = array<i64: 1024, 128>}, {transform_indices = @transform_1, window_bounds = array<i64: 2, 1024, 128>}, {transform_indices = @transform_2, window_bounds = array<i64: 2, 1024>}, {pipeline_mode = #tpu.pipeline_mode<synchronous>, transform_indices = @transform_3, window_bounds = array<i64: 128, 128>}, {transform_indices = @transform_4, window_bounds = array<i64: 1024, 128>}, {transform_indices = @transform_5, window_bounds = array<i64: 1024, 128>}]} {
    %get3A = arith.constant 0 : index
    %get3A_0 = arith.constant 0 : index
    %get3A_1 = vector.load %arg3[%get3A, %get3A_0] : memref<2x1024xf32, #tpu.memory_space<vmem>>, vector<1x1024xf32>
    %get3A_2 = vector.shape_cast %get3A_1 : vector<1x1024xf32> to vector<1024xf32>
    %get3A_3 = arith.constant 1 : index
    %get3A_4 = arith.constant 0 : index
    %get3A_5 = vector.load %arg3[%get3A_3, %get3A_4] : memref<2x1024xf32, #tpu.memory_space<vmem>>, vector<1x1024xf32>
    %get3A_6 = vector.shape_cast %get3A_5 : vector<1x1024xf32> to vector<1024xf32>
    %add3A = arith.addf %get3A_2, %get3A_6 : vector<1024xf32>
    %jit3A = arith.constant 1.000000e+00 : f32
    %max3A = vector.broadcast %jit3A : f32 to vector<1024xf32>
    %max3A_7 = arith.maximumf %max3A, %add3A : vector<1024xf32>
    %div3A = arith.constant 1.000000e+00 : f32
    %div3A_8 = vector.broadcast %div3A : f32 to vector<1024xf32>
    %div3A_9 = arith.divf %div3A_8, %max3A_7 : vector<1024xf32>
    %reshape3A = vector.shape_cast %div3A_9 : vector<1024xf32> to vector<1x1024xf32>
    %transpose3A = tpu.transpose %reshape3A, [1, 0] : vector<1x1024xf32> -> vector<1024x1xf32>
    %get3A_10 = arith.constant 0 : index
    %get3A_11 = arith.constant 0 : index
    %get3A_12 = arith.constant 0 : index
    %get3A_13 = vector.load %arg2[%get3A_10, %get3A_11, %get3A_12] : memref<2x1024x128xf32, #tpu.memory_space<vmem>>, vector<1x1024x128xf32>
    %get3A_14 = vector.shape_cast %get3A_13 : vector<1x1024x128xf32> to vector<1024x128xf32>
    %get3A_15 = arith.constant 1 : index
    %get3A_16 = arith.constant 0 : index
    %get3A_17 = arith.constant 0 : index
    %get3A_18 = vector.load %arg2[%get3A_15, %get3A_16, %get3A_17] : memref<2x1024x128xf32, #tpu.memory_space<vmem>>, vector<1x1024x128xf32>
    %get3A_19 = vector.shape_cast %get3A_18 : vector<1x1024x128xf32> to vector<1024x128xf32>
    %add3A_20 = arith.addf %get3A_14, %get3A_19 : vector<1024x128xf32>
    %mul3A = vector.broadcast %transpose3A : vector<1024x1xf32> to vector<1024x128xf32>
    %mul3A_21 = arith.mulf %add3A_20, %mul3A : vector<1024x128xf32>
    %get3A_22 = arith.constant 0 : index
    %get3A_23 = arith.constant 0 : index
    %get3A_24 = vector.load %arg1[%get3A_22, %get3A_23] : memref<1024x128xf32, #tpu.memory_space<vmem>>, vector<1024x128xf32>
    %get3A_25 = arith.constant 0 : index
    %get3A_26 = arith.constant 0 : index
    %get3A_27 = vector.load %arg4[%get3A_25, %get3A_26] : memref<128x128xf32, #tpu.memory_space<vmem>>, vector<128x128xf32>
    %dot_general3A = arith.constant dense<0.000000e+00> : vector<1024x128xf32>
    %dot_general3A_28 = tpu.matmul %mul3A_21, %get3A_27, %dot_general3A {dimension_numbers = #tpu.dot_dimension_numbers<[1], [0], [0], [1], [0, 0, 1, 1], [], []>, transpose_lhs_hint = false} : vector<1024x128xf32>, vector<128x128xf32>, vector<1024x128xf32> -> vector<1024x128xf32>
    %add3A_29 = arith.addf %get3A_24, %dot_general3A_28 : vector<1024x128xf32>
    %max3A_30 = arith.constant 0.000000e+00 : f32
    %max3A_31 = vector.broadcast %max3A_30 : f32 to vector<1024x128xf32>
    %max3A_32 = arith.maximumf %add3A_29, %max3A_31 : vector<1024x128xf32>
    %swap3A = arith.constant 0 : index
    %swap3A_33 = arith.constant 0 : index
    %swap3A_34 = vector.load %arg5[%swap3A, %swap3A_33] : memref<1024x128xf32, #tpu.memory_space<vmem>>, vector<1024x128xf32>
    tpu.vector_store %arg5[%swap3A, %swap3A_33], %max3A_32 {strides = array<i32>} : memref<1024x128xf32, #tpu.memory_space<vmem>>, vector<1024x128xf32>,
    %broadcast_in_dim3A = vector.shape_cast %transpose3A : vector<1024x1xf32> to vector<1024x1xf32>
    %broadcast_in_dim3A_35 = vector.broadcast %broadcast_in_dim3A : vector<1024x1xf32> to vector<1024x128xf32>
    %swap3A_36 = arith.constant 0 : index
    %swap3A_37 = arith.constant 0 : index
    %swap3A_38 = vector.load %arg6[%swap3A_36, %swap3A_37] : memref<1024x128xf32, #tpu.memory_space<vmem>>, vector<1024x128xf32>
    tpu.vector_store %arg6[%swap3A_36, %swap3A_37], %broadcast_in_dim3A_35 {strides = array<i32>} : memref<1024x128xf32, #tpu.memory_space<vmem>>, vector<1024x128xf32>,
    return
  }
  func.func @transform_0(%arg0: i32) -> (i32, i32) {
    %c0_i32 = arith.constant 0 : i32
    %c0_i32_0 = arith.constant 0 : i32
    return %arg0, %c0_i32 : i32, i32
  }
  func.func @transform_1(%arg0: i32) -> (i32, i32, i32) {
    %c0_i32 = arith.constant 0 : i32
    %c0_i32_0 = arith.constant 0 : i32
    %c0_i32_1 = arith.constant 0 : i32
    return %c0_i32, %arg0, %c0_i32_0 : i32, i32, i32
  }
  func.func @transform_2(%arg0: i32) -> (i32, i32) {
    %c0_i32 = arith.constant 0 : i32
    %c0_i32_0 = arith.constant 0 : i32
    return %c0_i32, %arg0 : i32, i32
  }
  func.func @transform_3(%arg0: i32) -> (i32, i32) {
    %c0_i32 = arith.constant 0 : i32
    %c0_i32_0 = arith.constant 0 : i32
    %c0_i32_1 = arith.constant 0 : i32
    return %c0_i32, %c0_i32_0 : i32, i32
  }
  func.func @transform_4(%arg0: i32) -> (i32, i32) {
    %c0_i32 = arith.constant 0 : i32
    %c0_i32_0 = arith.constant 0 : i32
    return %arg0, %c0_i32 : i32, i32
  }
  func.func @transform_5(%arg0: i32) -> (i32, i32) {
    %c0_i32 = arith.constant 0 : i32
    %c0_i32_0 = arith.constant 0 : i32
    return %arg0, %c0_i32 : i32, i32
  }
}

module attributes {stable_mosaic.version = 14 : i64} {
  func.func @_tc2_body(%arg0: i32, %arg1: memref<1024x128xf32, #tpu.memory_space<vmem>>, %arg2: memref<2x1024x128xf32, #tpu.memory_space<vmem>>, %arg3: memref<1024x128xf32, #tpu.memory_space<vmem>>, %arg4: memref<128x128xf32, #tpu.memory_space<vmem>>, %arg5: memref<128x32xf32, #tpu.memory_space<vmem>>, %arg6: memref<128x32xf32, #tpu.memory_space<vmem>>, %arg7: memref<32xf32, #tpu.memory_space<vmem>>, %arg8: memref<32x1024xf32, #tpu.memory_space<vmem>>, %arg9: memref<32x1024xf32, #tpu.memory_space<vmem>>) attributes {dimension_semantics = [#tpu.dimension_semantics<arbitrary>], iteration_bounds = array<i64: 10>, scalar_prefetch = 0 : i64, scratch_operands = 0 : i64, tpu.core_type = #tpu.core_type<tc>, window_params = [{transform_indices = @transform_0, window_bounds = array<i64: 1024, 128>}, {transform_indices = @transform_1, window_bounds = array<i64: 2, 1024, 128>}, {transform_indices = @transform_2, window_bounds = array<i64: 1024, 128>}, {pipeline_mode = #tpu.pipeline_mode<synchronous>, transform_indices = @transform_3, window_bounds = array<i64: 128, 128>}, {pipeline_mode = #tpu.pipeline_mode<synchronous>, transform_indices = @transform_4, window_bounds = array<i64: 128, 32>}, {pipeline_mode = #tpu.pipeline_mode<synchronous>, transform_indices = @transform_5, window_bounds = array<i64: 128, 32>}, {pipeline_mode = #tpu.pipeline_mode<synchronous>, transform_indices = @transform_6, window_bounds = array<i64: 32>}, {transform_indices = @transform_7, window_bounds = array<i64: 32, 1024>}, {transform_indices = @transform_8, window_bounds = array<i64: 32, 1024>}]} {
    %get3A = arith.constant 0 : index
    %get3A_0 = arith.constant 0 : index
    %get3A_1 = arith.constant 0 : index
    %get3A_2 = vector.load %arg2[%get3A, %get3A_0, %get3A_1] : memref<2x1024x128xf32, #tpu.memory_space<vmem>>, vector<1x1024x128xf32>
    %get3A_3 = vector.shape_cast %get3A_2 : vector<1x1024x128xf32> to vector<1024x128xf32>
    %get3A_4 = arith.constant 1 : index
    %get3A_5 = arith.constant 0 : index
    %get3A_6 = arith.constant 0 : index
    %get3A_7 = vector.load %arg2[%get3A_4, %get3A_5, %get3A_6] : memref<2x1024x128xf32, #tpu.memory_space<vmem>>, vector<1x1024x128xf32>
    %get3A_8 = vector.shape_cast %get3A_7 : vector<1x1024x128xf32> to vector<1024x128xf32>
    %add3A = arith.addf %get3A_3, %get3A_8 : vector<1024x128xf32>
    %get3A_9 = arith.constant 0 : index
    %get3A_10 = arith.constant 0 : index
    %get3A_11 = vector.load %arg3[%get3A_9, %get3A_10] : memref<1024x128xf32, #tpu.memory_space<vmem>>, vector<1024x128xf32>
    %mul3A = arith.mulf %add3A, %get3A_11 : vector<1024x128xf32>
    %get3A_12 = arith.constant 0 : index
    %get3A_13 = arith.constant 0 : index
    %get3A_14 = vector.load %arg1[%get3A_12, %get3A_13] : memref<1024x128xf32, #tpu.memory_space<vmem>>, vector<1024x128xf32>
    %get3A_15 = arith.constant 0 : index
    %get3A_16 = arith.constant 0 : index
    %get3A_17 = vector.load %arg4[%get3A_15, %get3A_16] : memref<128x128xf32, #tpu.memory_space<vmem>>, vector<128x128xf32>
    %dot_general3A = arith.constant dense<0.000000e+00> : vector<1024x128xf32>
    %dot_general3A_18 = tpu.matmul %mul3A, %get3A_17, %dot_general3A {dimension_numbers = #tpu.dot_dimension_numbers<[1], [0], [0], [1], [0, 0, 1, 1], [], []>, transpose_lhs_hint = false} : vector<1024x128xf32>, vector<128x128xf32>, vector<1024x128xf32> -> vector<1024x128xf32>
    %add3A_19 = arith.addf %get3A_14, %dot_general3A_18 : vector<1024x128xf32>
    %get3A_20 = arith.constant 0 : index
    %get3A_21 = arith.constant 0 : index
    %get3A_22 = vector.load %arg5[%get3A_20, %get3A_21] : memref<128x32xf32, #tpu.memory_space<vmem>>, vector<128x32xf32>
    %dot_general3A_23 = arith.constant dense<0.000000e+00> : vector<1024x32xf32>
    %dot_general3A_24 = tpu.matmul %add3A_19, %get3A_22, %dot_general3A_23 {dimension_numbers = #tpu.dot_dimension_numbers<[1], [0], [0], [1], [0, 0, 1, 1], [], []>, transpose_lhs_hint = false} : vector<1024x128xf32>, vector<128x32xf32>, vector<1024x32xf32> -> vector<1024x32xf32>
    %get3A_25 = arith.constant 0 : index
    %get3A_26 = arith.constant 0 : index
    %get3A_27 = vector.load %arg6[%get3A_25, %get3A_26] : memref<128x32xf32, #tpu.memory_space<vmem>>, vector<128x32xf32>
    %dot_general3A_28 = arith.constant dense<0.000000e+00> : vector<1024x32xf32>
    %dot_general3A_29 = tpu.matmul %add3A_19, %get3A_27, %dot_general3A_28 {dimension_numbers = #tpu.dot_dimension_numbers<[1], [0], [0], [1], [0, 0, 1, 1], [], []>, transpose_lhs_hint = false} : vector<1024x128xf32>, vector<128x32xf32>, vector<1024x32xf32> -> vector<1024x32xf32>
    %transpose3A = tpu.transpose %dot_general3A_24, [1, 0] : vector<1024x32xf32> -> vector<32x1024xf32>
    %swap3A = arith.constant 0 : index
    %swap3A_30 = arith.constant 0 : index
    %swap3A_31 = vector.load %arg8[%swap3A, %swap3A_30] : memref<32x1024xf32, #tpu.memory_space<vmem>>, vector<32x1024xf32>
    tpu.vector_store %arg8[%swap3A, %swap3A_30], %transpose3A {strides = array<i32>} : memref<32x1024xf32, #tpu.memory_space<vmem>>, vector<32x1024xf32>,
    %get3A_32 = arith.constant 0 : index
    %get3A_33 = vector.load %arg7[%get3A_32] : memref<32xf32, #tpu.memory_space<vmem>>, vector<32xf32>
    %broadcast_in_dim3A = vector.shape_cast %get3A_33 : vector<32xf32> to vector<1x32xf32>
    %add3A_34 = vector.broadcast %broadcast_in_dim3A : vector<1x32xf32> to vector<1024x32xf32>
    %add3A_35 = arith.addf %dot_general3A_29, %add3A_34 : vector<1024x32xf32>
    %transpose3A_36 = tpu.transpose %add3A_35, [1, 0] : vector<1024x32xf32> -> vector<32x1024xf32>
    %swap3A_37 = arith.constant 0 : index
    %swap3A_38 = arith.constant 0 : index
    %swap3A_39 = vector.load %arg9[%swap3A_37, %swap3A_38] : memref<32x1024xf32, #tpu.memory_space<vmem>>, vector<32x1024xf32>
    tpu.vector_store %arg9[%swap3A_37, %swap3A_38], %transpose3A_36 {strides = array<i32>} : memref<32x1024xf32, #tpu.memory_space<vmem>>, vector<32x1024xf32>,
    return
  }
  func.func @transform_0(%arg0: i32) -> (i32, i32) {
    %c0_i32 = arith.constant 0 : i32
    %c0_i32_0 = arith.constant 0 : i32
    return %arg0, %c0_i32 : i32, i32
  }
  func.func @transform_1(%arg0: i32) -> (i32, i32, i32) {
    %c0_i32 = arith.constant 0 : i32
    %c0_i32_0 = arith.constant 0 : i32
    %c0_i32_1 = arith.constant 0 : i32
    return %c0_i32, %arg0, %c0_i32_0 : i32, i32, i32
  }
  func.func @transform_2(%arg0: i32) -> (i32, i32) {
    %c0_i32 = arith.constant 0 : i32
    %c0_i32_0 = arith.constant 0 : i32
    return %arg0, %c0_i32 : i32, i32
  }
  func.func @transform_3(%arg0: i32) -> (i32, i32) {
    %c0_i32 = arith.constant 0 : i32
    %c0_i32_0 = arith.constant 0 : i32
    %c0_i32_1 = arith.constant 0 : i32
    return %c0_i32, %c0_i32_0 : i32, i32
  }
  func.func @transform_4(%arg0: i32) -> (i32, i32) {
    %c0_i32 = arith.constant 0 : i32
    %c0_i32_0 = arith.constant 0 : i32
    %c0_i32_1 = arith.constant 0 : i32
    return %c0_i32, %c0_i32_0 : i32, i32
  }
  func.func @transform_5(%arg0: i32) -> (i32, i32) {
    %c0_i32 = arith.constant 0 : i32
    %c0_i32_0 = arith.constant 0 : i32
    %c0_i32_1 = arith.constant 0 : i32
    return %c0_i32, %c0_i32_0 : i32, i32
  }
  func.func @transform_6(%arg0: i32) -> i32 {
    %c0_i32 = arith.constant 0 : i32
    %c0_i32_0 = arith.constant 0 : i32
    return %c0_i32 : i32
  }
  func.func @transform_7(%arg0: i32) -> (i32, i32) {
    %c0_i32 = arith.constant 0 : i32
    %c0_i32_0 = arith.constant 0 : i32
    return %c0_i32, %arg0 : i32, i32
  }
  func.func @transform_8(%arg0: i32) -> (i32, i32) {
    %c0_i32 = arith.constant 0 : i32
    %c0_i32_0 = arith.constant 0 : i32
    return %c0_i32, %arg0 : i32, i32
  }
}

</mosaic_0001>

<sc_bundles>
// kernel: kernel.12.cloned.1.call-start
scs
__scs_entry_jumppad:
0x0: {  	(pc) =	sbr.rel $0x88, $3  }
0x1: {  	(tag) =	ssettag $0x0;
	lr =	simm.s32 $0x1  }
0x2: {  	[smem:$0x3F97] =	sst lr;
	_ =	strace $0xD0000000  }
0x3: {  	_ = 	snop  }
0x4: {  	_ = 	snop  }
0x5: {  	_ = 	snop  }
0x6: {  	_ = 	snop  }
0x7: {  	_ = 	snop  }
__scs_overlays_trampoline_lowered:
0x8: {  	[smem:$0x3FA6] =	sst s0  }
0x9: {  	[smem:$0x3FA7] =	sst s1  }
0xa: {  	[smem:$0x3FA8] =	sst s2  }
0xb: {  	[smem:$0x3FA9] =	sst s3  }
0xc: {  	[smem:$0x3FAA] =	sst s4  }
0xd: {  	[smem:$0x3FAB] =	sst s5  }
0xe: {  	[smem:$0x3FAC] =	sst s6  }
0xf: {  	[smem:$0x3FAD] =	sst s7  }
0x10: {  	[smem:$0x3FAE] =	sst s8  }
0x11: {  	[smem:$0x3FAF] =	sst s9;
	s0 =	simm.s32 @!p0 $0x0  }
0x12: {  	s1 =	sld [smem:$0x3F95];
	s0 =	simm.s32 @p0 $0x1  }
0x13: {  	[smem:$0x3FB0] =	sst s0;
	s0 =	simm.s32 @!p1 $0x0  }
0x14: {  	s2 =	sld [smem:$0x3F94];
	s0 =	simm.s32 @p1 $0x1  }
0x15: {  	[smem:$0x3FB1] =	sst s0;
	s0 =	simm.s32 @!p2 $0x0  }
0x16: {  	s3 =	sld [smem:$0x3FDB];
	s0 =	simm.s32 @p2 $0x1  }
0x17: {  	s4 =	simm.s32 $0x1BF5;
	[smem:$0x3FB3] =	sst s0  }
0x18: {  	s0 =	sld [smem:$0x3F96];
	_ =	swait.ge [sflag:s4], $0x0  }
0x19: {  	s7 =	sld [smem:$0x3F97]  }
0x1a: {  	s8 =	sadd.s32 $0xFFFFE003, lr  }
0x1b: {  	s9 =	sadd.s32 $0xFFFFFEF7, lr;
	s5 =	simm.s32 $0xFFFFFFFF;
	p2 =	slt.u32 s8, $0xFFFFF086  }
0x1c: {  	p1 =	slt.u32 s9, $0xF7A;
	s5 =	simm.s32 @!p2 $0x0  }
0x1d: {  	s5 =	simm.s32 @p1 $0x1;
	p0 =	seq.s32 s7, s2  }
0x1e: {  	s7 =	smul.u32 @!p0 $0xF7A, s2;
	p2 =	seq.s32 @!p0 s5, $0x0  }
0x1f: {  	s9 =	smul.u32 $0xF7A, s1;
	s8 =	simm.s32 @!p0 $0x1BF5;
	p2 =	por !p2, p0  }
0x20: {  	[sflag:s8] =	ssyncset.s32 @!p0 $0xFFFFF086;
	s6 =	sadd.s32 @!p0 s3, s7;
	s7 =	simm.s32 @!p0 $0x108  }
0x21: {  	s3 =	sadd.s32 s3, s9;
	s6 =	sadd.s32 @!p0 $0x88, s6;
	s7 =	simm.s32 @p2 $0x1082  }
0x22: {  	[simem:s7], [sflag:s8] =	dma.local @!p0 [hbm:s6], $0xF7A  }
0x23: {  	s9 =	sor.u32 $0xD0000000, s2;
	s6 =	simm.s32 $0x108;
	_ =	swait.ge @!p0 [sflag:s8], $0x0  }
0x24: {  	s3 =	sadd.s32 $0x88, s3;
	s6 =	simm.s32 @!p1 $0x1082;
	[sflag:s4] =	ssyncset.s32 $0xFFFFF086  }
0x25: {  	[simem:s6], [sflag:s4] =	dma.local [hbm:s3], $0xF7A  }
0x26: {  	[smem:$0x3F97] =	sst s1;
	(tag) =	ssettag s2;
	_ =	strace s9  }
0x27: {  	s1 =	sld [smem:$0x3FA7]  }
0x28: {  	s2 =	sld [smem:$0x3FA8]  }
0x29: {  	s4 =	sld [smem:$0x3FAA]  }
0x2a: {  	p0 =	seq.s32 s5, $0x0;
	s5 =	sld [smem:$0x3FAB]  }
0x2b: {  	s6 =	sld [smem:$0x3FAC]  }
0x2c: {  	s7 =	sld [smem:$0x3FAD]  }
0x2d: {  	s3 =	simm.s32 $0x108;
	s8 =	sld [smem:$0x3FAE]  }
0x2e: {  	s3 =	simm.s32 @!p0 $0x1082;
	s9 =	sld [smem:$0x3FAF]  }
0x2f: {  	lr =	sadd.s32 s0, s3;
	s0 =	sld [smem:$0x3FA6]  }
0x30: {  	s3 =	sld [smem:$0x3FA9]  }
0x31: {  	[smem:$0x3FB2] =	sst s10  }
0x32: {  	s10 =	sld [smem:$0x3FB0];
	_ =	sdelay $0x3  }
0x33: {  	p0 =	seq.s32 s10, $0x1;
	s10 =	sld [smem:$0x3FB2];
	_ =	sdelay $0x3  }
0x34: {  	[smem:$0x3FB2] =	sst s10  }
0x35: {  	s10 =	sld [smem:$0x3FB1];
	_ =	sdelay $0x3  }
0x36: {  	p1 =	seq.s32 s10, $0x1;
	s10 =	sld [smem:$0x3FB2];
	_ =	sdelay $0x3  }
0x37: {  	[smem:$0x3FB2] =	sst s10  }
0x38: {  	s10 =	sld [smem:$0x3FB3]  }
0x39: {  	_ = 	snop;
	(pc) =	sbr.ind lr, $3  }
0x3a: {  	_ = 	snop  }
0x3b: {  	_ = 	snop  }
0x3c: {  	p2 =	seq.s32 s10, $0x1;
	s10 =	sld [smem:$0x3FB2]  }
0x3d: {  	_ =	shalt  }
0x3e: {  	_ =	shalt  }
0x3f: {  	_ =	shalt  }
0x40: {  	_ =	shalt  }
0x41: {  	_ =	shalt  }
0x42: {  	_ =	shalt  }
0x43: {  	_ =	shalt  }
0x44: {  	_ =	shalt  }
0x45: {  	_ =	shalt  }
0x46: {  	_ =	shalt  }
0x47: {  	_ =	shalt  }
0x48: {  	_ =	shalt  }
0x49: {  	_ =	shalt  }
0x4a: {  	_ =	shalt  }
0x4b: {  	_ =	shalt  }
0x4c: {  	_ =	shalt  }
0x4d: {  	_ =	shalt  }
0x4e: {  	_ =	shalt  }
0x4f: {  	_ =	shalt  }
0x50: {  	_ =	shalt  }
0x51: {  	_ =	shalt  }
0x52: {  	_ =	shalt  }
0x53: {  	_ =	shalt  }
0x54: {  	_ =	shalt  }
0x55: {  	_ =	shalt  }
0x56: {  	_ =	shalt  }
0x57: {  	_ =	shalt  }
0x58: {  	_ =	shalt  }
0x59: {  	_ =	shalt  }
0x5a: {  	_ =	shalt  }
0x5b: {  	_ =	shalt  }
0x5c: {  	_ =	shalt  }
0x5d: {  	_ =	shalt  }
0x5e: {  	_ =	shalt  }
0x5f: {  	_ =	shalt  }
0x60: {  	_ =	shalt  }
0x61: {  	_ =	shalt  }
0x62: {  	_ =	shalt  }
0x63: {  	_ =	shalt  }
0x64: {  	_ =	shalt  }
0x65: {  	_ =	shalt  }
0x66: {  	_ =	shalt  }
0x67: {  	_ =	shalt  }
0x68: {  	_ =	shalt  }
0x69: {  	_ =	shalt  }
0x6a: {  	_ =	shalt  }
0x6b: {  	_ =	shalt  }
0x6c: {  	_ =	shalt  }
0x6d: {  	_ =	shalt  }
0x6e: {  	_ =	shalt  }
0x6f: {  	_ =	shalt  }
0x70: {  	_ =	shalt  }
0x71: {  	_ =	shalt  }
0x72: {  	_ =	shalt  }
0x73: {  	_ =	shalt  }
0x74: {  	_ =	shalt  }
0x75: {  	_ =	shalt  }
0x76: {  	_ =	shalt  }
0x77: {  	_ =	shalt  }
0x78: {  	_ =	shalt  }
0x79: {  	_ =	shalt  }
0x7a: {  	_ =	shalt  }
0x7b: {  	_ =	shalt  }
0x7c: {  	_ =	shalt  }
0x7d: {  	_ =	shalt  }
0x7e: {  	_ =	shalt  }
0x7f: {  	_ =	shalt  }
0x80: {  	_ =	shalt  }
0x81: {  	_ =	shalt  }
0x82: {  	_ =	shalt  }
0x83: {  	_ =	shalt  }
0x84: {  	_ =	shalt  }
0x85: {  	_ =	shalt  }
0x86: {  	_ =	shalt  }
0x87: {  	_ =	shalt  }
.Lfunc_end0:
.L_simem_size_0:
called_computation.1_lowered:
.L_overlay_start_0:
0x88: {  	s2 =	sld [smem:$0x3FD9]  }
0x89: {  	s3 =	sld [smem:$0x3FFE];
	_ =	sdelay $0x1  }
0x8a: {  	s1 =	srdreg.scid  }
0x8b: {  	s0 =	sand.u32 $0x1, s1  }
0x8c: {  	s17 =	sshll.u32 s0, $0xA;
	s2 =	sadd.s32 s3, s2  }
0x8d: {  	s2 =	sadd.s32 s2, s17  }
0x8e: {  	[smem:$0x3FBE] =	sst s2  }
0x8f: {  	_ = 	snop  }
0x90: {  	s2 =	sld [smem:$0x3FD0];
	(tm) =	ssettm $0x1  }
0x91: {  	s18 =	sld [smem:$0x3FFB];
	_ =	sdelay $0x3  }
0x92: {  	_ =	strace s18  }
0x93: {  	s3 =	sld [smem:$0x3FFC];
	_ =	sdelay $0x3  }
0x94: {  	_ =	strace s3  }
0x95: {  	s3 =	sld [smem:$0x3FFD];
	_ =	sdelay $0x3  }
0x96: {  	_ =	strace s3  }
0x97: {  	_ =	strace $0x8FFFFFFF  }
0x98: {  	s19 =	sld [smem:$0x3FDB];
	_ =	sdelay $0x1  }
0x99: {  	s4 =	simm.s32 $_scs_section_size  }
0x9a: {  	s5 =	simm.s32 $_size__tile_overlayer_lowered;
	s6 =	simm.s32 $_tile_overlayer_lowered  }
0x9b: {  	s22 =	simm.s32 $0x1BFF;
	s21 =	sshll.u32 s6, $0x1;
	s3 =	sadd.s32 s4, s19  }
0x9c: {  	s7 =	simm.s32 $0x0;
	s20 =	sshll.u32 s5, $0x1;
	s5 =	sadd.s32 s21, s3  }
0x9d: {  	[timem:s7], [sflag:s22] =	dma.local [hbm:s5], s20  }
0x9e: {  	_ =	swait.ge [sflag:s22], s20  }
0x9f: {  	s4 =	ssub.s32 $0x0, s20;
	[sflag:s22] =	ssyncset.done $0x0  }
0xa0: {  	[sflag:s22] =	ssyncadd.s32 s4;
	_ =	sdelay $0x1  }
0xa1: {  	s23 =	simm.s32 $0x1B8B  }
0xa2: {  	_ =	swait.ge [sflag:s23], $0x1  }
0xa3: {  	[sflag:s23] =	ssyncset.done $0x0  }
0xa4: {  	s25 =	simm.s32 $0x1B8E;
	s24 =	sld [smem:$0x3FFE];
	[sflag:s23] =	ssyncadd.s32 $0xFFFFFFFF  }
0xa5: {  	s26 =	simm.s32 $execute0_lowered;
	[smem:$0x3FD2] =	sst s25  }
0xa6: {  	s5 =	sshll.u32 s26, $0x1;
	_ =	strace $0x80000049;
	[dreg:$0x1] =	wrdreg $0xFFFFFFFF  }
0xa7: {  	s28 =	simm.s32 $_size_execute0_lowered;
	s3 =	sadd.s32 s3, s5;
	[dreg:$0x0] =	wrdreg $0x0  }
0xa8: {  	s5 =	sshll.u32 s28, $0x1;
	[dreg:$0x2] =	wrdreg s3  }
0xa9: {  	[dreg:$0x3] =	wrdreg s5  }
0xaa: {  	[dreg:$0x4] =	wrdreg $0xC0  }
0xab: {  	_ =	task [dreg:s7], $0x5FFFF  }
0xac: {  	[dreg:$0x1] =	wrdreg $0xFFFFFFFF  }
0xad: {  	[dreg:$0x0] =	wrdreg $0x60  }
0xae: {  	[dreg:$0x2] =	wrdreg s24  }
0xaf: {  	[dreg:$0x3] =	wrdreg s2  }
0xb0: {  	[dreg:$0x4] =	wrdreg $0xB2200  }
0xb1: {  	[dreg:$0x5] =	wrdreg $0x9  }
0xb2: {  	_ =	task.clear_ibuf [dreg:s7], $0x6FFFF;
	_ =	strace $0x90000049  }
0xb3: {  	s29 =	simm.s32 $0x9;
	_ =	strace $0x8000004B  }
0xb4: {  	_ =	swait.ge [sflag:s29], $0x1  }
0xb5: {  	[sflag:s29] =	ssyncadd.s32 $0xFFFFFFFF  }
0xb6: {  	_ =	strace $0x9000004B  }
0xb7: {  	_ =	sfence  }
0xb8: {  	s30 =	sld [smem:$0x0];
	_ =	sdelay $0x2  }
0xb9: {  	s31 =	sshll.u32 s1, $0xD;
	s1 =	sshrl.u32 s1, $0x2  }
0xba: {  	s3 =	sand.u32 $0x4000, s31;
	s1 =	sadd.s32 s1, s30  }
0xbb: {  	s0 =	sor.u32 s3, s0;
	s1 =	sshll.u32 s1, $0x11  }
0xbc: {  	s0 =	sor.u32 s1, s0  }
0xbd: {  	s0 =	sadd.s32 $0x8F2B, s0  }
0xbe: {  	[sflag:s0] =	ssyncadd.remote.s32 $0x1  }
0xbf: {  	_ =	sfence.sel $0xFFFF  }
0xc0: {  	[dreg:$0x0] =	wrdreg $0xFFFFFFFF;
	(pc) =	sbr.abs _section_cstart, $3  }
0xc1: {  	[dreg:$0x1] =	wrdreg $0xFFFFFFFF  }
0xc2: {  	_ =	task.clear_ibuf [dreg:s7], $0x2FFFF;
	_ =	strace $0x9FFFFFFF  }
0xc3: {  	(tm) =	ssettm $0x7FFFFFFF  }
tec
execute0_lowered:
.L_overlay_start_1:
0x0: {  	(tag) =	ssettag $0x1  }
0x1: {  	s0 =	rddreg [dreg:$0x0]  }
0x2: {  	s1 =	srdreg.scid;
	s9 =	rddreg [dreg:$0x1]  }
0x3: {  	s2 =	rddreg [dreg:$0x2];
	s13 =	stileid.u32  }
0x4: {  	s3 =	simm.s32 $0x0;
	s14 =	simm.s32 $0x28;
	s15 =	simm.s32 $0x4E20  }
0x5: {  	s16 =	simm.s32 $0x6220;
	s18 =	simm.s32 $0x7620;
	s20 =	simm.s32 $0x8A20  }
0x6: {  	s21 =	simm.s32 $0x1;
	s23 =	simm.s32 $0x9E20;
	s24 =	simm.s32 $0x2  }
0x7: {  	s29 =	simm.s32 $0x3;
	s31 =	simm.s32 $0x7;
	s19 =	simm.s32 $0x8  }
0x8: {  	s30 =	simm.s32 $0x9;
	s28 =	simm.s32 $0x0;
	s1 =	sand.u32 $0x1, s1  }
0x9: {  	[smem:$0x7FF] =	sst s3;
	s6 =	smul.u32 $0x14000, s13;
	s25 =	sshll.u32 s13, $0x6  }
0xa: {  	s4 =	sshll.u32 s1, $0x4;
	_ =	strace $0x8000004A;
	s7 =	ssub.s32 $0x2, s1  }
0xb: {  	s1 =	smul.u32 $0x140000, s1;
	s4 =	sor.u32 s13, s4;
	s8 =	sshrl.u32 s6, $0x3  }
0xc: {  	s10 =	sshrl.u32 s7, $0x1;
	s12 =	sadd.s32 s6, s2;
	s13 =	simm.s32 $0x2710  }
0xd: {  	s5 =	smul.u32 $0x2710, s4;
	s4 =	sadd.s32 $0x3F200, s0;
	s10 =	ssub.s32 s7, s10  }
0xe: {  	s1 =	sadd.s32 s6, s1;
	s6 =	sor.u32 $0x1C0B, s25;
	s25 =	simm.s32 $0x5  }
0xf: {  	s26 =	sshrl.u32 s1, $0x3;
	s10 =	smax.u32 s10, $0x1;
	s5 =	sshrl.u32 s5, $0x3  }
0x10: {  	s1 =	simm.s32 $0x4;
	s11 =	sadd.s32 s5, s0;
	s0 =	sadd.s32 s8, s0  }
0x11: {  	s9 =	sadd.s32 s9, s26;
	s26 =	simm.s32 $0x6;
	s0 =	sadd.s32 $0x17200, s0  }
0x12: {  	s7 =	sadd.s32 $0x3200, s11;
	s8 =	sadd.s32 $0xCE40, s11;
	s11 =	sshrl.u32 s12, $0x3  }
0x13: {  	s12 =	simm.s32 $0xB;
	[dreg:$0x4] =	wrdreg s0;
	s0 =	simm.s32 $0xA  }
.LBB2_1:
0x14: {  	s5 =	rddreg [dreg:$0x4]  }
0x15: {  	[spmem:s11], [sflag:s6] =	dma.local [hbm:s5], $0x2800  }
0x16: {  	_ =	swait.ge [sflag:s12], $0x2800  }
0x17: {  	[sflag:s12] =	ssyncset.done $0x0  }
0x18: {  	[sflag:s12] =	ssyncadd.s32 $0xFFFFD800  }
0x19: {  	[tilespmem:s3], [sflag:$0xB] =	stream.linear.gather [hbm4b:s7+s3], $0x2710, $0x38;
	[tilespmem:$0x1F220] =	vst v63  }
0x1a: {  	_ =	swait.ge [sflag:s12], $0x2710  }
0x1b: {  	[sflag:s12] =	ssyncset.done $0x0  }
0x1c: {  	[sflag:s12] =	ssyncadd.s32 $0xFFFFD8F0  }
0x1d: {  	[tilespmem:s13], [sflag:$0xB] =	stream.linear.gather [hbm4b:s8+s3], $0x2710, $0x38;
	[tilespmem:$0x1F220] =	vst v63  }
0x1e: {  	_ =	swait.ge [sflag:s12], $0x2710  }
0x1f: {  	[sflag:s12] =	ssyncset.done $0x0  }
0x20: {  	[sflag:s12] =	ssyncadd.s32 $0xFFFFD8F0  }
0x21: {  	[bflag:$0x0] =	sbarrier.arrive $0xFFFF  }
0x22: {  	[tilespmem:s15], [sflag:$0x1] =	stream.indirect.gather [hbm4b:s4+s14], $0x80, s3, s14, $0xb8;
	[tilespmem:$0x1F220] =	vst v63  }
0x23: {  	_ = 	snop  }
0x24: {  	[tilespmem:s16], [sflag:$0x2] =	stream.indirect.gather [hbm4b:s4+s14], $0x80, s14, s14, $0xb8;
	[tilespmem:$0x1F220] =	vst v63  }
0x25: {  	s17 =	simm.s32 $0x50  }
0x26: {  	[tilespmem:s18], [sflag:$0x3] =	stream.indirect.gather [hbm4b:s4+s14], $0x80, s17, s14, $0xb8;
	[tilespmem:$0x1F220] =	vst v63  }
0x27: {  	s22 =	simm.s32 $0x78  }
0x28: {  	[tilespmem:s20], [sflag:$0x4] =	stream.indirect.gather [hbm4b:s4+s14], $0x80, s22, s14, $0xb8;
	[tilespmem:$0x1F220] =	vst v63  }
0x29: {  	_ =	swait.ge [sflag:s21], $0x1400  }
0x2a: {  	[sflag:s21] =	ssyncset.done $0x0  }
0x2b: {  	[sflag:s21] =	ssyncadd.s32 $0xFFFFEC00  }
0x2c: {  	[spmem:s2] =	stream.indirect.scatter.add.f32 [tilespmem:s15], [sflag:$0x6], $0x80, s13, s14, $0xb8;
	[tilespmem:$0x1F220] =	vst v63  }
0x2d: {  	s17 =	simm.s32 $0xA0  }
0x2e: {  	[tilespmem:s23], [sflag:$0x5] =	stream.indirect.gather [hbm4b:s4+s14], $0x80, s17, s14, $0xb8;
	[tilespmem:$0x1F220] =	vst v63  }
0x2f: {  	_ =	swait.ge [sflag:s24], $0x1400  }
0x30: {  	[sflag:s24] =	ssyncset.done $0x0  }
0x31: {  	s22 =	simm.s32 $0x2738;
	[sflag:s24] =	ssyncadd.s32 $0xFFFFEC00  }
0x32: {  	[spmem:s2] =	stream.indirect.scatter.add.f32 [tilespmem:s16], [sflag:$0x7], $0x80, s22, s14, $0xb8;
	[tilespmem:$0x1F220] =	vst v63  }
0x33: {  	_ =	swait.ge [sflag:s26], $0x1400  }
0x34: {  	[sflag:s26] =	ssyncset.done $0x0  }
0x35: {  	s17 =	simm.s32 $0xC8;
	[sflag:s26] =	ssyncadd.s32 $0xFFFFEC00  }
0x36: {  	[tilespmem:s15], [sflag:$0x1] =	stream.indirect.gather [hbm4b:s4+s14], $0x80, s17, s14, $0xb8;
	[tilespmem:$0x1F220] =	vst v63  }
0x37: {  	_ =	swait.ge [sflag:s29], $0x1400  }
0x38: {  	[sflag:s29] =	ssyncset.done $0x0  }
0x39: {  	s22 =	simm.s32 $0x2760;
	[sflag:s29] =	ssyncadd.s32 $0xFFFFEC00  }
0x3a: {  	[spmem:s2] =	stream.indirect.scatter.add.f32 [tilespmem:s18], [sflag:$0x8], $0x80, s22, s14, $0xb8;
	[tilespmem:$0x1F220] =	vst v63  }
0x3b: {  	_ =	swait.ge [sflag:s31], $0x1400  }
0x3c: {  	[sflag:s31] =	ssyncset.done $0x0  }
0x3d: {  	s17 =	simm.s32 $0xF0;
	[sflag:s31] =	ssyncadd.s32 $0xFFFFEC00  }
0x3e: {  	[tilespmem:s16], [sflag:$0x2] =	stream.indirect.gather [hbm4b:s4+s14], $0x80, s17, s14, $0xb8;
	[tilespmem:$0x1F220] =	vst v63  }
0x3f: {  	_ =	swait.ge [sflag:s1], $0x1400  }
0x40: {  	[sflag:s1] =	ssyncset.done $0x0  }
0x41: {  	s22 =	simm.s32 $0x2788;
	[sflag:s1] =	ssyncadd.s32 $0xFFFFEC00  }
0x42: {  	[spmem:s2] =	stream.indirect.scatter.add.f32 [tilespmem:s20], [sflag:$0x9], $0x80, s22, s14, $0xb8;
	[tilespmem:$0x1F220] =	vst v63  }
0x43: {  	_ =	swait.ge [sflag:s19], $0x1400  }
0x44: {  	[sflag:s19] =	ssyncset.done $0x0  }
0x45: {  	s17 =	simm.s32 $0x118;
	[sflag:s19] =	ssyncadd.s32 $0xFFFFEC00  }
0x46: {  	[tilespmem:s18], [sflag:$0x3] =	stream.indirect.gather [hbm4b:s4+s14], $0x80, s17, s14, $0xb8;
	[tilespmem:$0x1F220] =	vst v63  }
0x47: {  	_ =	swait.ge [sflag:s25], $0x1400  }
0x48: {  	[sflag:s25] =	ssyncset.done $0x0  }
0x49: {  	s22 =	simm.s32 $0x27B0;
	[sflag:s25] =	ssyncadd.s32 $0xFFFFEC00  }
0x4a: {  	[spmem:s2] =	stream.indirect.scatter.add.f32 [tilespmem:s23], [sflag:$0xA], $0x80, s22, s14, $0xb8;
	[tilespmem:$0x1F220] =	vst v63  }
0x4b: {  	_ =	swait.ge [sflag:s30], $0x1400  }
0x4c: {  	[sflag:s30] =	ssyncset.done $0x0  }
0x4d: {  	s17 =	simm.s32 $0x140;
	[sflag:s30] =	ssyncadd.s32 $0xFFFFEC00  }
0x4e: {  	[tilespmem:s20], [sflag:$0x4] =	stream.indirect.gather [hbm4b:s4+s14], $0x80, s17, s14, $0xb8;
	[tilespmem:$0x1F220] =	vst v63  }
0x4f: {  	_ =	swait.ge [sflag:s21], $0x1400  }
0x50: {  	[sflag:s21] =	ssyncset.done $0x0  }
0x51: {  	s5 =	simm.s32 $0x27D8;
	[sflag:s21] =	ssyncadd.s32 $0xFFFFEC00  }
0x52: {  	[spmem:s2] =	stream.indirect.scatter.add.f32 [tilespmem:s15], [sflag:$0x6], $0x80, s5, s14, $0xb8;
	[tilespmem:$0x1F220] =	vst v63  }
0x53: {  	_ =	swait.ge [sflag:s0], $0x1400  }
0x54: {  	[sflag:s0] =	ssyncset.done $0x0  }
0x55: {  	s22 =	simm.s32 $0x168;
	[sflag:s0] =	ssyncadd.s32 $0xFFFFEC00  }
0x56: {  	[tilespmem:s23], [sflag:$0x5] =	stream.indirect.gather [hbm4b:s4+s14], $0x80, s22, s14, $0xb8;
	[tilespmem:$0x1F220] =	vst v63  }
0x57: {  	_ =	swait.ge [sflag:s24], $0x1400  }
0x58: {  	[sflag:s24] =	ssyncset.done $0x0  }
0x59: {  	s5 =	simm.s32 $0x2800;
	[sflag:s24] =	ssyncadd.s32 $0xFFFFEC00  }
0x5a: {  	[spmem:s2] =	stream.indirect.scatter.add.f32 [tilespmem:s16], [sflag:$0x7], $0x80, s5, s14, $0xb8;
	[tilespmem:$0x1F220] =	vst v63  }
0x5b: {  	_ =	swait.ge [sflag:s26], $0x1400  }
0x5c: {  	[sflag:s26] =	ssyncset.done $0x0  }
0x5d: {  	s22 =	simm.s32 $0x190;
	[sflag:s26] =	ssyncadd.s32 $0xFFFFEC00  }
0x5e: {  	[tilespmem:s15], [sflag:$0x1] =	stream.indirect.gather [hbm4b:s4+s14], $0x80, s22, s14, $0xb8;
	[tilespmem:$0x1F220] =	vst v63  }
0x5f: {  	_ =	swait.ge [sflag:s29], $0x1400  }
0x60: {  	[sflag:s29] =	ssyncset.done $0x0  }
0x61: {  	s5 =	simm.s32 $0x2828;
	[sflag:s29] =	ssyncadd.s32 $0xFFFFEC00  }
0x62: {  	[spmem:s2] =	stream.indirect.scatter.add.f32 [tilespmem:s18], [sflag:$0x8], $0x80, s5, s14, $0xb8;
	[tilespmem:$0x1F220] =	vst v63  }
0x63: {  	_ =	swait.ge [sflag:s31], $0x1400  }
0x64: {  	[sflag:s31] =	ssyncset.done $0x0  }
0x65: {  	s22 =	simm.s32 $0x1B8;
	[sflag:s31] =	ssyncadd.s32 $0xFFFFEC00  }
0x66: {  	[tilespmem:s16], [sflag:$0x2] =	stream.indirect.gather [hbm4b:s4+s14], $0x80, s22, s14, $0xb8;
	[tilespmem:$0x1F220] =	vst v63  }
0x67: {  	_ =	swait.ge [sflag:s1], $0x1400  }
0x68: {  	[sflag:s1] =	ssyncset.done $0x0  }
0x69: {  	s5 =	simm.s32 $0x2850;
	[sflag:s1] =	ssyncadd.s32 $0xFFFFEC00  }
0x6a: {  	[spmem:s2] =	stream.indirect.scatter.add.f32 [tilespmem:s20], [sflag:$0x9], $0x80, s5, s14, $0xb8;
	[tilespmem:$0x1F220] =	vst v63  }
0x6b: {  	_ =	swait.ge [sflag:s19], $0x1400  }
0x6c: {  	[sflag:s19] =	ssyncset.done $0x0  }
0x6d: {  	s22 =	simm.s32 $0x1E0;
	[sflag:s19] =	ssyncadd.s32 $0xFFFFEC00  }
0x6e: {  	[tilespmem:s18], [sflag:$0x3] =	stream.indirect.gather [hbm4b:s4+s14], $0x80, s22, s14, $0xb8;
	[tilespmem:$0x1F220] =	vst v63  }
0x6f: {  	_ =	swait.ge [sflag:s25], $0x1400  }
0x70: {  	[sflag:s25] =	ssyncset.done $0x0  }
0x71: {  	s17 =	simm.s32 $0x320;
	s22 =	simm.s32 $0x2878;
	[sflag:s25] =	ssyncadd.s32 $0xFFFFEC00  }
.LBB2_2:
0x72: {  	[spmem:s2] =	stream.indirect.scatter.add.f32 [tilespmem:s23], [sflag:$0xA], $0x80, s22, s14, $0xb8;
	[tilespmem:$0x1F220] =	vst v63  }
0x73: {  	s22 =	smov.u32 s17;
	s17 =	sadd.s32 $0x320, s17;
	_ =	swait.ge [sflag:s30], $0x1400  }
0x74: {  	s22 =	sshra.s32 s22, $0x2;
	p0 =	sne.s32 s17, $0x9600;
	[sflag:s30] =	ssyncset.done $0x0  }
0x75: {  	s5 =	sadd.s32 $0x140, s22;
	[sflag:s30] =	ssyncadd.s32 $0xFFFFEC00  }
0x76: {  	[tilespmem:s20], [sflag:$0x4] =	stream.indirect.gather [hbm4b:s4+s14], $0x80, s5, s14, $0xb8;
	[tilespmem:$0x1F220] =	vst v63  }
0x77: {  	_ =	swait.ge [sflag:s21], $0x1400  }
0x78: {  	[sflag:s21] =	ssyncset.done $0x0  }
0x79: {  	s5 =	sadd.s32 $0x27D8, s22;
	[sflag:s21] =	ssyncadd.s32 $0xFFFFEC00  }
0x7a: {  	[spmem:s2] =	stream.indirect.scatter.add.f32 [tilespmem:s15], [sflag:$0x6], $0x80, s5, s14, $0xb8;
	[tilespmem:$0x1F220] =	vst v63  }
0x7b: {  	_ =	swait.ge [sflag:s0], $0x1400  }
0x7c: {  	[sflag:s0] =	ssyncset.done $0x0  }
0x7d: {  	s5 =	sadd.s32 $0x168, s22;
	[sflag:s0] =	ssyncadd.s32 $0xFFFFEC00  }
0x7e: {  	[tilespmem:s23], [sflag:$0x5] =	stream.indirect.gather [hbm4b:s4+s14], $0x80, s5, s14, $0xb8;
	[tilespmem:$0x1F220] =	vst v63  }
0x7f: {  	_ =	swait.ge [sflag:s24], $0x1400  }
0x80: {  	[sflag:s24] =	ssyncset.done $0x0  }
0x81: {  	s5 =	sadd.s32 $0x2800, s22;
	[sflag:s24] =	ssyncadd.s32 $0xFFFFEC00  }
0x82: {  	[spmem:s2] =	stream.indirect.scatter.add.f32 [tilespmem:s16], [sflag:$0x7], $0x80, s5, s14, $0xb8;
	[tilespmem:$0x1F220] =	vst v63  }
0x83: {  	_ =	swait.ge [sflag:s26], $0x1400  }
0x84: {  	[sflag:s26] =	ssyncset.done $0x0  }
0x85: {  	s5 =	sadd.s32 $0x190, s22;
	[sflag:s26] =	ssyncadd.s32 $0xFFFFEC00  }
0x86: {  	[tilespmem:s15], [sflag:$0x1] =	stream.indirect.gather [hbm4b:s4+s14], $0x80, s5, s14, $0xb8;
	[tilespmem:$0x1F220] =	vst v63  }
0x87: {  	_ =	swait.ge [sflag:s29], $0x1400  }
0x88: {  	[sflag:s29] =	ssyncset.done $0x0  }
0x89: {  	s5 =	sadd.s32 $0x2828, s22;
	[sflag:s29] =	ssyncadd.s32 $0xFFFFEC00  }
0x8a: {  	[spmem:s2] =	stream.indirect.scatter.add.f32 [tilespmem:s18], [sflag:$0x8], $0x80, s5, s14, $0xb8;
	[tilespmem:$0x1F220] =	vst v63  }
0x8b: {  	_ =	swait.ge [sflag:s31], $0x1400  }
0x8c: {  	[sflag:s31] =	ssyncset.done $0x0  }
0x8d: {  	s5 =	sadd.s32 $0x1B8, s22;
	[sflag:s31] =	ssyncadd.s32 $0xFFFFEC00  }
0x8e: {  	[tilespmem:s16], [sflag:$0x2] =	stream.indirect.gather [hbm4b:s4+s14], $0x80, s5, s14, $0xb8;
	[tilespmem:$0x1F220] =	vst v63  }
0x8f: {  	_ =	swait.ge [sflag:s1], $0x1400  }
0x90: {  	[sflag:s1] =	ssyncset.done $0x0  }
0x91: {  	s5 =	sadd.s32 $0x2850, s22;
	[sflag:s1] =	ssyncadd.s32 $0xFFFFEC00  }
0x92: {  	[spmem:s2] =	stream.indirect.scatter.add.f32 [tilespmem:s20], [sflag:$0x9], $0x80, s5, s14, $0xb8;
	[tilespmem:$0x1F220] =	vst v63  }
0x93: {  	_ =	swait.ge [sflag:s19], $0x1400  }
0x94: {  	[sflag:s19] =	ssyncset.done $0x0  }
.Ltmp0:
0x95: {  	s5 =	sadd.s32 $0x1E0, s22;
	[sflag:s19] =	ssyncadd.s32 $0xFFFFEC00;
	(pc) =	sbr.rel @p0 .LBB2_2-.Ltmp0, $4  }
0x96: {  	[tilespmem:s18], [sflag:$0x3] =	stream.indirect.gather [hbm4b:s4+s14], $0x80, s5, s14, $0xb8;
	[tilespmem:$0x1F220] =	vst v63  }
0x97: {  	_ =	swait.ge [sflag:s25], $0x1400  }
0x98: {  	[sflag:s25] =	ssyncset.done $0x0  }
0x99: {  	s22 =	sadd.s32 $0x2878, s22;
	[sflag:s25] =	ssyncadd.s32 $0xFFFFEC00  }
0x9a: {  	[spmem:s2] =	stream.indirect.scatter.add.f32 [tilespmem:s23], [sflag:$0xA], $0x80, s22, s14, $0xb8;
	[tilespmem:$0x1F220] =	vst v63  }
0x9b: {  	_ =	swait.ge [sflag:s30], $0x1400  }
0x9c: {  	s5 =	sshra.s32 s17, $0x2;
	[sflag:s30] =	ssyncset.done $0x0  }
0x9d: {  	s17 =	sadd.s32 $0x140, s5;
	[sflag:s30] =	ssyncadd.s32 $0xFFFFEC00  }
0x9e: {  	[tilespmem:s20], [sflag:$0x4] =	stream.indirect.gather [hbm4b:s4+s14], $0x80, s17, s14, $0xb8;
	[tilespmem:$0x1F220] =	vst v63  }
0x9f: {  	_ =	swait.ge [sflag:s21], $0x1400  }
0xa0: {  	[sflag:s21] =	ssyncset.done $0x0  }
0xa1: {  	s22 =	sadd.s32 $0x27D8, s5;
	[sflag:s21] =	ssyncadd.s32 $0xFFFFEC00  }
0xa2: {  	[spmem:s2] =	stream.indirect.scatter.add.f32 [tilespmem:s15], [sflag:$0x6], $0x80, s22, s14, $0xb8;
	[tilespmem:$0x1F220] =	vst v63  }
0xa3: {  	_ =	swait.ge [sflag:s0], $0x1400  }
0xa4: {  	[sflag:s0] =	ssyncset.done $0x0  }
0xa5: {  	s22 =	simm.s32 $0x26E8;
	[sflag:s0] =	ssyncadd.s32 $0xFFFFEC00  }
0xa6: {  	[tilespmem:s23], [sflag:$0x5] =	stream.indirect.gather [hbm4b:s4+s14], $0x80, s22, s14, $0xb8;
	[tilespmem:$0x1F220] =	vst v63  }
0xa7: {  	_ =	swait.ge [sflag:s24], $0x1400  }
0xa8: {  	[sflag:s24] =	ssyncset.done $0x0  }
0xa9: {  	s22 =	sadd.s32 $0x2800, s5;
	[sflag:s24] =	ssyncadd.s32 $0xFFFFEC00  }
0xaa: {  	[spmem:s2] =	stream.indirect.scatter.add.f32 [tilespmem:s16], [sflag:$0x7], $0x80, s22, s14, $0xb8;
	[tilespmem:$0x1F220] =	vst v63  }
0xab: {  	_ =	swait.ge [sflag:s26], $0x1400  }
0xac: {  	[sflag:s26] =	ssyncset.done $0x0  }
0xad: {  	[sflag:s26] =	ssyncadd.s32 $0xFFFFEC00  }
0xae: {  	_ =	swait.ge [sflag:s29], $0x1400  }
0xaf: {  	[sflag:s29] =	ssyncset.done $0x0  }
0xb0: {  	s22 =	sadd.s32 $0x2828, s5;
	[sflag:s29] =	ssyncadd.s32 $0xFFFFEC00  }
0xb1: {  	[spmem:s2] =	stream.indirect.scatter.add.f32 [tilespmem:s18], [sflag:$0x8], $0x80, s22, s14, $0xb8;
	[tilespmem:$0x1F220] =	vst v63  }
0xb2: {  	_ =	swait.ge [sflag:s31], $0x1400  }
0xb3: {  	[sflag:s31] =	ssyncset.done $0x0  }
0xb4: {  	[sflag:s31] =	ssyncadd.s32 $0xFFFFEC00  }
0xb5: {  	_ =	swait.ge [sflag:s1], $0x1400  }
0xb6: {  	[sflag:s1] =	ssyncset.done $0x0  }
0xb7: {  	s5 =	sadd.s32 $0x2850, s5;
	[sflag:s1] =	ssyncadd.s32 $0xFFFFEC00  }
0xb8: {  	[spmem:s2] =	stream.indirect.scatter.add.f32 [tilespmem:s20], [sflag:$0x9], $0x80, s5, s14, $0xb8;
	[tilespmem:$0x1F220] =	vst v63  }
0xb9: {  	_ =	swait.ge [sflag:s19], $0x1400  }
0xba: {  	[sflag:s19] =	ssyncset.done $0x0  }
0xbb: {  	[sflag:s19] =	ssyncadd.s32 $0xFFFFEC00  }
0xbc: {  	_ =	swait.ge [sflag:s25], $0x1400  }
0xbd: {  	[sflag:s25] =	ssyncset.done $0x0  }
0xbe: {  	s22 =	simm.s32 $0x4DF8;
	[sflag:s25] =	ssyncadd.s32 $0xFFFFEC00  }
0xbf: {  	[spmem:s2] =	stream.indirect.scatter.add.f32 [tilespmem:s23], [sflag:$0xA], $0x80, s22, s14, $0xb8;
	[tilespmem:$0x1F220] =	vst v63  }
0xc0: {  	_ =	swait.ge [sflag:s30], $0x1400  }
0xc1: {  	[sflag:s30] =	ssyncset.done $0x0  }
0xc2: {  	[sflag:s30] =	ssyncadd.s32 $0xFFFFEC00  }
0xc3: {  	_ =	swait.ge [sflag:s0], $0x1400  }
0xc4: {  	s28 =	sadd.s32 $0x1, s28;
	[sflag:s0] =	ssyncset.done $0x0  }
0xc5: {  	p0 =	sne.s32 s28, s10;
	[sflag:s0] =	ssyncadd.s32 $0xFFFFEC00  }
.Ltmp1:
0xc6: {  	[bflag:$0x0] =	sbarrier.arrive $0xFFFF;
	(pc) =	sbr.rel @p0 .LBB2_1-.Ltmp1, $4  }
0xc7: {  	[hbm:s9], [sflag:s6] =	dma.local [spmem:s11], $0x2800  }
0xc8: {  	_ =	swait.ge [sflag:s12], $0x2800  }
0xc9: {  	[sflag:s12] =	ssyncset.done $0x0  }
0xca: {  	[sflag:s12] =	ssyncadd.s32 $0xFFFFD800  }
0xcb: {  	_ =	sfence.sel $0x180000  }
0xcc: {  	[bflag:$0x0] =	sbarrier.arrive $0xFFFF  }
0xcd: {  	_ =	strace $0x9000004A  }
0xce: {  	s0 =	stileid.u32;
	[bflag:$0x2] =	sbarrier.arrive $0xFFFF  }
0xcf: {  	p0 =	sne.s32 s0, $0x0;
	s0 =	rddreg [dreg:$0x3]  }
0xd0: {  	s0 =	sadd.s32 @!p0 $0x100000, s0  }
0xd1: {  	[sflag:s0] =	ssyncadd.tile.s32 @!p0 $0x1;
	_ =	shalt  }
.Lfunc_end2:
_tile_overlayer_lowered:
.L_overlay_start_2:
0xd2: {  	(tag) =	ssettag $0x2  }
0xd3: {  	s0 =	rddreg [dreg:$0x0];
	s2 =	stileid.u32  }
0xd4: {  	s1 =	rddreg [dreg:$0x1];
	p0 =	sne.s32 s2, $0x0  }
0xd5: {  	s3 =	rddreg [dreg:$0x2];
	[bflag:$0x3] =	sbarrier.arrive $0xFFFF;
	s2 =	simm.s32 @!p0 $0x1C0B  }
0xd6: {  	[timem:s3], [sflag:s2] =	dma.local @!p0 [hbm:s0], s1  }
0xd7: {  	s0 =	simm.s32 @!p0 $0xB  }
0xd8: {  	_ =	swait.ge @!p0 [sflag:s0], s1  }
0xd9: {  	s1 =	ssub.s32 @!p0 $0x0, s1;
	[sflag:s0] =	ssyncset.done @!p0 $0x0  }
0xda: {  	[sflag:s0] =	ssyncadd.s32 @!p0 s1  }
0xdb: {  	[bflag:$0x3] =	sbarrier.arrive $0xFFFF  }
0xdc: {  	_ =	shalt  }

// kernel: kernel.15.cloned.1.call-start
scs
__scs_entry_jumppad:
0x0: {  	(pc) =	sbr.rel $0x88, $3  }
0x1: {  	(tag) =	ssettag $0x0;
	lr =	simm.s32 $0x1  }
0x2: {  	[smem:$0x3F97] =	sst lr;
	_ =	strace $0xD0000000  }
0x3: {  	_ = 	snop  }
0x4: {  	_ = 	snop  }
0x5: {  	_ = 	snop  }
0x6: {  	_ = 	snop  }
0x7: {  	_ = 	snop  }
__scs_overlays_trampoline_lowered:
0x8: {  	[smem:$0x3FA6] =	sst s0  }
0x9: {  	[smem:$0x3FA7] =	sst s1  }
0xa: {  	[smem:$0x3FA8] =	sst s2  }
0xb: {  	[smem:$0x3FA9] =	sst s3  }
0xc: {  	[smem:$0x3FAA] =	sst s4  }
0xd: {  	[smem:$0x3FAB] =	sst s5  }
0xe: {  	[smem:$0x3FAC] =	sst s6  }
0xf: {  	[smem:$0x3FAD] =	sst s7  }
0x10: {  	[smem:$0x3FAE] =	sst s8  }
0x11: {  	[smem:$0x3FAF] =	sst s9;
	s0 =	simm.s32 @!p0 $0x0  }
0x12: {  	s1 =	sld [smem:$0x3F95];
	s0 =	simm.s32 @p0 $0x1  }
0x13: {  	[smem:$0x3FB0] =	sst s0;
	s0 =	simm.s32 @!p1 $0x0  }
0x14: {  	s2 =	sld [smem:$0x3F94];
	s0 =	simm.s32 @p1 $0x1  }
0x15: {  	[smem:$0x3FB1] =	sst s0;
	s0 =	simm.s32 @!p2 $0x0  }
0x16: {  	s3 =	sld [smem:$0x3FDB];
	s0 =	simm.s32 @p2 $0x1  }
0x17: {  	s4 =	simm.s32 $0x1BF5;
	[smem:$0x3FB3] =	sst s0  }
0x18: {  	s0 =	sld [smem:$0x3F96];
	_ =	swait.ge [sflag:s4], $0x0  }
0x19: {  	s7 =	sld [smem:$0x3F97]  }
0x1a: {  	s8 =	sadd.s32 $0xFFFFE003, lr  }
0x1b: {  	s9 =	sadd.s32 $0xFFFFFEF7, lr;
	s5 =	simm.s32 $0xFFFFFFFF;
	p2 =	slt.u32 s8, $0xFFFFF086  }
0x1c: {  	p1 =	slt.u32 s9, $0xF7A;
	s5 =	simm.s32 @!p2 $0x0  }
0x1d: {  	s5 =	simm.s32 @p1 $0x1;
	p0 =	seq.s32 s7, s2  }
0x1e: {  	s7 =	smul.u32 @!p0 $0xF7A, s2;
	p2 =	seq.s32 @!p0 s5, $0x0  }
0x1f: {  	s9 =	smul.u32 $0xF7A, s1;
	s8 =	simm.s32 @!p0 $0x1BF5;
	p2 =	por !p2, p0  }
0x20: {  	[sflag:s8] =	ssyncset.s32 @!p0 $0xFFFFF086;
	s6 =	sadd.s32 @!p0 s3, s7;
	s7 =	simm.s32 @!p0 $0x108  }
0x21: {  	s3 =	sadd.s32 s3, s9;
	s6 =	sadd.s32 @!p0 $0x88, s6;
	s7 =	simm.s32 @p2 $0x1082  }
0x22: {  	[simem:s7], [sflag:s8] =	dma.local @!p0 [hbm:s6], $0xF7A  }
0x23: {  	s9 =	sor.u32 $0xD0000000, s2;
	s6 =	simm.s32 $0x108;
	_ =	swait.ge @!p0 [sflag:s8], $0x0  }
0x24: {  	s3 =	sadd.s32 $0x88, s3;
	s6 =	simm.s32 @!p1 $0x1082;
	[sflag:s4] =	ssyncset.s32 $0xFFFFF086  }
0x25: {  	[simem:s6], [sflag:s4] =	dma.local [hbm:s3], $0xF7A  }
0x26: {  	[smem:$0x3F97] =	sst s1;
	(tag) =	ssettag s2;
	_ =	strace s9  }
0x27: {  	s1 =	sld [smem:$0x3FA7]  }
0x28: {  	s2 =	sld [smem:$0x3FA8]  }
0x29: {  	s4 =	sld [smem:$0x3FAA]  }
0x2a: {  	p0 =	seq.s32 s5, $0x0;
	s5 =	sld [smem:$0x3FAB]  }
0x2b: {  	s6 =	sld [smem:$0x3FAC]  }
0x2c: {  	s7 =	sld [smem:$0x3FAD]  }
0x2d: {  	s3 =	simm.s32 $0x108;
	s8 =	sld [smem:$0x3FAE]  }
0x2e: {  	s3 =	simm.s32 @!p0 $0x1082;
	s9 =	sld [smem:$0x3FAF]  }
0x2f: {  	lr =	sadd.s32 s0, s3;
	s0 =	sld [smem:$0x3FA6]  }
0x30: {  	s3 =	sld [smem:$0x3FA9]  }
0x31: {  	[smem:$0x3FB2] =	sst s10  }
0x32: {  	s10 =	sld [smem:$0x3FB0];
	_ =	sdelay $0x3  }
0x33: {  	p0 =	seq.s32 s10, $0x1;
	s10 =	sld [smem:$0x3FB2];
	_ =	sdelay $0x3  }
0x34: {  	[smem:$0x3FB2] =	sst s10  }
0x35: {  	s10 =	sld [smem:$0x3FB1];
	_ =	sdelay $0x3  }
0x36: {  	p1 =	seq.s32 s10, $0x1;
	s10 =	sld [smem:$0x3FB2];
	_ =	sdelay $0x3  }
0x37: {  	[smem:$0x3FB2] =	sst s10  }
0x38: {  	s10 =	sld [smem:$0x3FB3]  }
0x39: {  	_ = 	snop;
	(pc) =	sbr.ind lr, $3  }
0x3a: {  	_ = 	snop  }
0x3b: {  	_ = 	snop  }
0x3c: {  	p2 =	seq.s32 s10, $0x1;
	s10 =	sld [smem:$0x3FB2]  }
0x3d: {  	_ =	shalt  }
0x3e: {  	_ =	shalt  }
0x3f: {  	_ =	shalt  }
0x40: {  	_ =	shalt  }
0x41: {  	_ =	shalt  }
0x42: {  	_ =	shalt  }
0x43: {  	_ =	shalt  }
0x44: {  	_ =	shalt  }
0x45: {  	_ =	shalt  }
0x46: {  	_ =	shalt  }
0x47: {  	_ =	shalt  }
0x48: {  	_ =	shalt  }
0x49: {  	_ =	shalt  }
0x4a: {  	_ =	shalt  }
0x4b: {  	_ =	shalt  }
0x4c: {  	_ =	shalt  }
0x4d: {  	_ =	shalt  }
0x4e: {  	_ =	shalt  }
0x4f: {  	_ =	shalt  }
0x50: {  	_ =	shalt  }
0x51: {  	_ =	shalt  }
0x52: {  	_ =	shalt  }
0x53: {  	_ =	shalt  }
0x54: {  	_ =	shalt  }
0x55: {  	_ =	shalt  }
0x56: {  	_ =	shalt  }
0x57: {  	_ =	shalt  }
0x58: {  	_ =	shalt  }
0x59: {  	_ =	shalt  }
0x5a: {  	_ =	shalt  }
0x5b: {  	_ =	shalt  }
0x5c: {  	_ =	shalt  }
0x5d: {  	_ =	shalt  }
0x5e: {  	_ =	shalt  }
0x5f: {  	_ =	shalt  }
0x60: {  	_ =	shalt  }
0x61: {  	_ =	shalt  }
0x62: {  	_ =	shalt  }
0x63: {  	_ =	shalt  }
0x64: {  	_ =	shalt  }
0x65: {  	_ =	shalt  }
0x66: {  	_ =	shalt  }
0x67: {  	_ =	shalt  }
0x68: {  	_ =	shalt  }
0x69: {  	_ =	shalt  }
0x6a: {  	_ =	shalt  }
0x6b: {  	_ =	shalt  }
0x6c: {  	_ =	shalt  }
0x6d: {  	_ =	shalt  }
0x6e: {  	_ =	shalt  }
0x6f: {  	_ =	shalt  }
0x70: {  	_ =	shalt  }
0x71: {  	_ =	shalt  }
0x72: {  	_ =	shalt  }
0x73: {  	_ =	shalt  }
0x74: {  	_ =	shalt  }
0x75: {  	_ =	shalt  }
0x76: {  	_ =	shalt  }
0x77: {  	_ =	shalt  }
0x78: {  	_ =	shalt  }
0x79: {  	_ =	shalt  }
0x7a: {  	_ =	shalt  }
0x7b: {  	_ =	shalt  }
0x7c: {  	_ =	shalt  }
0x7d: {  	_ =	shalt  }
0x7e: {  	_ =	shalt  }
0x7f: {  	_ =	shalt  }
0x80: {  	_ =	shalt  }
0x81: {  	_ =	shalt  }
0x82: {  	_ =	shalt  }
0x83: {  	_ =	shalt  }
0x84: {  	_ =	shalt  }
0x85: {  	_ =	shalt  }
0x86: {  	_ =	shalt  }
0x87: {  	_ =	shalt  }
.Lfunc_end0:
.L_simem_size_0:
called_computation.2_lowered:
.L_overlay_start_0:
0x88: {  	s2 =	sld [smem:$0x3FD9]  }
0x89: {  	s3 =	sld [smem:$0x3FFE];
	_ =	sdelay $0x1  }
0x8a: {  	s1 =	srdreg.scid  }
0x8b: {  	s0 =	sand.u32 $0x1, s1  }
0x8c: {  	s17 =	sshll.u32 s0, $0xA;
	s2 =	sadd.s32 s3, s2  }
0x8d: {  	s2 =	sadd.s32 s2, s17  }
0x8e: {  	[smem:$0x3FBE] =	sst s2  }
0x8f: {  	_ = 	snop  }
0x90: {  	s2 =	sld [smem:$0x3FD0];
	(tm) =	ssettm $0x1  }
0x91: {  	s18 =	sld [smem:$0x3FFB];
	_ =	sdelay $0x3  }
0x92: {  	_ =	strace s18  }
0x93: {  	s3 =	sld [smem:$0x3FFC];
	_ =	sdelay $0x3  }
0x94: {  	_ =	strace s3  }
0x95: {  	s3 =	sld [smem:$0x3FFD];
	_ =	sdelay $0x3  }
0x96: {  	_ =	strace s3  }
0x97: {  	_ =	strace $0x8FFFFFFF  }
0x98: {  	s19 =	sld [smem:$0x3FDB];
	_ =	sdelay $0x1  }
0x99: {  	s4 =	simm.s32 $_scs_section_size  }
0x9a: {  	s5 =	simm.s32 $_size__tile_overlayer_lowered;
	s6 =	simm.s32 $_tile_overlayer_lowered  }
0x9b: {  	s22 =	simm.s32 $0x1BFF;
	s21 =	sshll.u32 s6, $0x1;
	s3 =	sadd.s32 s4, s19  }
0x9c: {  	s7 =	simm.s32 $0x0;
	s20 =	sshll.u32 s5, $0x1;
	s5 =	sadd.s32 s21, s3  }
0x9d: {  	[timem:s7], [sflag:s22] =	dma.local [hbm:s5], s20  }
0x9e: {  	_ =	swait.ge [sflag:s22], s20  }
0x9f: {  	s4 =	ssub.s32 $0x0, s20;
	[sflag:s22] =	ssyncset.done $0x0  }
0xa0: {  	[sflag:s22] =	ssyncadd.s32 s4;
	_ =	sdelay $0x1  }
0xa1: {  	s23 =	simm.s32 $0x1B8B  }
0xa2: {  	_ =	swait.ge [sflag:s23], $0x1  }
0xa3: {  	[sflag:s23] =	ssyncset.done $0x0  }
0xa4: {  	s25 =	simm.s32 $0x1B8E;
	s24 =	sld [smem:$0x3FFE];
	[sflag:s23] =	ssyncadd.s32 $0xFFFFFFFF  }
0xa5: {  	s26 =	simm.s32 $execute0_lowered;
	[smem:$0x3FD2] =	sst s25  }
0xa6: {  	s5 =	sshll.u32 s26, $0x1;
	_ =	strace $0x8000004C;
	[dreg:$0x1] =	wrdreg $0xFFFFFFFF  }
0xa7: {  	s28 =	simm.s32 $_size_execute0_lowered;
	s3 =	sadd.s32 s3, s5;
	[dreg:$0x0] =	wrdreg $0x0  }
0xa8: {  	s5 =	sshll.u32 s28, $0x1;
	[dreg:$0x2] =	wrdreg s3  }
0xa9: {  	[dreg:$0x3] =	wrdreg s5  }
0xaa: {  	[dreg:$0x4] =	wrdreg $0xC0  }
0xab: {  	_ =	task [dreg:s7], $0x5FFFF  }
0xac: {  	[dreg:$0x1] =	wrdreg $0xFFFFFFFF  }
0xad: {  	[dreg:$0x0] =	wrdreg $0x60  }
0xae: {  	[dreg:$0x2] =	wrdreg s2  }
0xaf: {  	[dreg:$0x3] =	wrdreg s24  }
0xb0: {  	[dreg:$0x4] =	wrdreg $0x9  }
0xb1: {  	_ =	task.clear_ibuf [dreg:s7], $0x5FFFF;
	_ =	strace $0x9000004C  }
0xb2: {  	s29 =	simm.s32 $0x9;
	_ =	strace $0x8000004E  }
0xb3: {  	_ =	swait.ge [sflag:s29], $0x1  }
0xb4: {  	[sflag:s29] =	ssyncadd.s32 $0xFFFFFFFF  }
0xb5: {  	_ =	strace $0x9000004E  }
0xb6: {  	_ =	sfence  }
0xb7: {  	s30 =	sld [smem:$0x0];
	_ =	sdelay $0x2  }
0xb8: {  	s31 =	sshll.u32 s1, $0xD;
	s1 =	sshrl.u32 s1, $0x2  }
0xb9: {  	s3 =	sand.u32 $0x4000, s31;
	s1 =	sadd.s32 s1, s30  }
0xba: {  	s0 =	sor.u32 s3, s0;
	s1 =	sshll.u32 s1, $0x11  }
0xbb: {  	s0 =	sor.u32 s1, s0  }
0xbc: {  	s0 =	sadd.s32 $0x8F2B, s0  }
0xbd: {  	[sflag:s0] =	ssyncadd.remote.s32 $0x1  }
0xbe: {  	_ =	sfence.sel $0xFFFF  }
0xbf: {  	[dreg:$0x0] =	wrdreg $0xFFFFFFFF;
	(pc) =	sbr.abs _section_cstart, $3  }
0xc0: {  	[dreg:$0x1] =	wrdreg $0xFFFFFFFF  }
0xc1: {  	_ =	task.clear_ibuf [dreg:s7], $0x2FFFF;
	_ =	strace $0x9FFFFFFF  }
0xc2: {  	(tm) =	ssettm $0x7FFFFFFF  }
0xc3: {  	_ =	shalt  }
tec
execute0_lowered:
.L_overlay_start_1:
0x0: {  	(tag) =	ssettag $0x1  }
0x1: {  	s2 =	rddreg [dreg:$0x0]  }
0x2: {  	s0 =	srdreg.scid;
	s6 =	rddreg [dreg:$0x1];
	s10 =	simm.s32 $0x4  }
0x3: {  	s11 =	simm.s32 $0x2710;
	s12 =	simm.s32 $0x4E20;
	s13 =	simm.s32 $0xEE20  }
0x4: {  	s14 =	simm.s32 $0x9E20;
	s15 =	simm.s32 $0x13E20;
	s16 =	simm.s32 $0x1  }
0x5: {  	s17 =	simm.s32 $0x7620;
	s18 =	simm.s32 $0x11620;
	s19 =	simm.s32 $0x4E200  }
0x6: {  	s20 =	simm.s32 $0x18E20;
	s21 =	simm.s32 $0x2;
	s1 =	sand.u32 $0x1, s0  }
0x7: {  	s22 =	simm.s32 $0x3;
	s0 =	stileid.u32;
	s3 =	sshll.u32 s1, $0x4  }
0x8: {  	s23 =	simm.s32 $0xC620;
	s24 =	simm.s32 $0x16620;
	s4 =	sor.u32 s0, s3  }
0x9: {  	s25 =	simm.s32 $0x0;
	s1 =	ssub.s32 $0x2, s1;
	s4 =	smul.u32 $0x2710, s4  }
0xa: {  	s5 =	sadd.s32 $0x16C00, s6;
	s3 =	simm.s32 $0x0;
	s31 =	sshrl.u32 s1, $0x1  }
0xb: {  	[smem:$0x7FF] =	sst s3;
	s1 =	ssub.s32 s1, s31;
	s7 =	sshrl.u32 s4, $0x3  }
0xc: {  	_ =	strace $0x8000004D;
	s9 =	smax.u32 s1, $0x1;
	s8 =	sadd.s32 s7, s6  }
0xd: {  	s6 =	sadd.s32 $0x20C00, s6;
	s7 =	sadd.s32 $0x3200, s8;
	s8 =	sadd.s32 $0xCE40, s8  }
.LBB2_1:
0xe: {  	[tilespmem:s3], [sflag:$0x4] =	stream.linear.gather [hbm4b:s7+s3], $0x2710, $0x38;
	[tilespmem:$0x1DC40] =	vst v63  }
0xf: {  	_ =	swait.ge [sflag:s10], $0x2710  }
0x10: {  	[sflag:s10] =	ssyncset.done $0x0  }
0x11: {  	[sflag:s10] =	ssyncadd.s32 $0xFFFFD8F0  }
0x12: {  	[tilespmem:s11], [sflag:$0x4] =	stream.linear.gather [hbm4b:s8+s3], $0x2710, $0x38;
	[tilespmem:$0x1DC40] =	vst v63  }
0x13: {  	_ =	swait.ge [sflag:s10], $0x2710  }
0x14: {  	[sflag:s10] =	ssyncset.done $0x0  }
0x15: {  	[sflag:s10] =	ssyncadd.s32 $0xFFFFD8F0  }
0x16: {  	[tilespmem:s12], [sflag:$0x1] =	stream.linear.gather [hbm4b:s2+s3], $0x5000, $0x38;
	[tilespmem:$0x1DC40] =	vst v63  }
0x17: {  	s26 =	simm.s32 $0x0  }
0x18: {  	[tilespmem:s13], [sflag:$0x1] =	stream.linear.gather [hbm4b:s5+s3], $0x5000, $0x38;
	[tilespmem:$0x1DC40] =	vst v63  }
.LBB2_2:
0x19: {  	s28 =	sshllo.u32 s26, $0x1  }
0x1a: {  	s1 =	smul.u32 $0xA00, s28;
	_ =	sdelay $0x1  }
0x1b: {  	s29 =	sadd.s32 s2, s1  }
0x1c: {  	[tilespmem:s14], [sflag:$0x2] =	stream.linear.gather [hbm4b:s29+s3], $0x5000, $0x38;
	[tilespmem:$0x1DC40] =	vst v63  }
0x1d: {  	s1 =	sadd.s32 s5, s1  }
0x1e: {  	[tilespmem:s15], [sflag:$0x2] =	stream.linear.gather [hbm4b:s1+s3], $0x5000, $0x38;
	[tilespmem:$0x1DC40] =	vst v63  }
0x1f: {  	_ =	swait.ge [sflag:s16], $0x5000  }
0x20: {  	[sflag:s16] =	ssyncset.done $0x0  }
0x21: {  	[sflag:s16] =	ssyncadd.s32 $0xFFFFB000  }
0x22: {  	_ =	swait.ge [sflag:s16], $0x5000  }
0x23: {  	p0 =	seq.s32 s26, $0x0;
	[sflag:s16] =	ssyncset.done $0x0  }
0x24: {  	s1 =	simm.s32 @!p0 $0x3;
	[sflag:s16] =	ssyncadd.s32 $0xFFFFB000  }
0x25: {  	_ =	swait.ge @!p0 [sflag:s1], $0x4E20  }
0x26: {  	[sflag:s1] =	ssyncset.done @!p0 $0x0  }
0x27: {  	[sflag:s1] =	ssyncadd.s32 @!p0 $0xFFFFB1E0;
	s1 =	simm.s32 $0xC0  }
0x28: {  	s29 =	simm.s32 $0x27D0;
	v0 =	vld [tilespmem:s1+$0xC0]  }
0x29: {  	v1 =	vld [tilespmem:s29+$0xC0];
	_ =	sdelay $0x4  }
0x2a: {  	v30 =	vld [tilespmem:s29+$0xFFFFFF40]  }
0x2b: {  	v31 =	vld [tilespmem:s1+$0xFFFFFF50]  }
0x2c: {  	v2 =	vld.idx.msk [tilespmem:v0+s12+$0x0], $0xffff  }
0x2d: {  	v3 =	vld.idx.msk [tilespmem:v1+s13+$0x0], $0xffff  }
0x2e: {  	v32 =	vld [tilespmem:s29+$0xFFFFFF50]  }
0x2f: {  	v33 =	vld [tilespmem:s1+$0xFFFFFF60]  }
0x30: {  	v34 =	vld [tilespmem:s29+$0xFFFFFF60]  }
0x31: {  	v35 =	vld [tilespmem:s1+$0xFFFFFF70]  }
0x32: {  	v36 =	vld [tilespmem:s29+$0xFFFFFF70];
	v2 =	vadd.f32 v3, v2  }
0x33: {  	s30 =	simm.s32 $0x1B6B0;
	v37 =	vld [tilespmem:s1+$0xFFFFFF80]  }
0x34: {  	v38 =	vld [tilespmem:s29+$0xFFFFFF80];
	[tilespmem:s30+$0xFFFFD8F0] =	vst v2  }
0x35: {  	v0 =	vld.idx.msk [tilespmem:v0+s17+$0x0], $0xffff  }
0x36: {  	v39 =	vld [tilespmem:s1+$0xFFFFFF90]  }
0x37: {  	v40 =	vld [tilespmem:s29+$0xFFFFFF90]  }
0x38: {  	v41 =	vld [tilespmem:s1+$0xFFFFFFA0]  }
0x39: {  	v42 =	vld [tilespmem:s29+$0xFFFFFFA0]  }
0x3a: {  	v43 =	vld [tilespmem:s1+$0xFFFFFFB0];
	[tilespmem:$0x1FF60] =	vst v0  }
0x3b: {  	v0 =	vld.idx.msk [tilespmem:v1+s18+$0x0], $0xffff;
	_ =	sdelay $0x4  }
0x3c: {  	[tilespmem:$0x1FF70] =	vst v0  }
0x3d: {  	v46 =	vld [tilespmem:s29+$0xFFFFFFB0]  }
0x3e: {  	v47 =	vld [tilespmem:s1+$0xFFFFFFC0]  }
0x3f: {  	v48 =	vld [tilespmem:s29+$0xFFFFFFC0]  }
0x40: {  	v29 =	vld [tilespmem:s1+$0xFFFFFFD0]  }
0x41: {  	v28 =	vld [tilespmem:s29+$0xFFFFFFD0]  }
0x42: {  	v44 =	vld [tilespmem:s1+$0xFFFFFFE0]  }
0x43: {  	v45 =	vld [tilespmem:s29+$0xFFFFFFE0]  }
0x44: {  	v24 =	vld [tilespmem:s1+$0xFFFFFFF0]  }
0x45: {  	v22 =	vld [tilespmem:s29+$0xFFFFFFF0]  }
0x46: {  	v20 =	vld [tilespmem:s1+$0x0]  }
0x47: {  	v19 =	vld [tilespmem:s29+$0x0]  }
0x48: {  	v21 =	vld [tilespmem:s1+$0x10]  }
0x49: {  	v17 =	vld [tilespmem:s29+$0x10]  }
0x4a: {  	v16 =	vld [tilespmem:s1+$0x20]  }
0x4b: {  	v15 =	vld [tilespmem:s29+$0x20]  }
0x4c: {  	v13 =	vld [tilespmem:s1+$0x30]  }
0x4d: {  	v9 =	vld [tilespmem:s29+$0x30]  }
0x4e: {  	v1 =	vld [tilespmem:s1+$0x40]  }
0x4f: {  	v4 =	vld [tilespmem:s29+$0x40]  }
0x50: {  	v25 =	vld [tilespmem:s1+$0x50]  }
0x51: {  	v26 =	vld [tilespmem:s29+$0x50]  }
0x52: {  	v3 =	vld [tilespmem:s1+$0x60]  }
0x53: {  	v7 =	vld [tilespmem:s29+$0x60]  }
0x54: {  	v5 =	vld [tilespmem:s1+$0x70]  }
0x55: {  	v0 =	vld [tilespmem:s1+$0xA0]  }
0x56: {  	v8 =	vld [tilespmem:s29+$0x70]  }
0x57: {  	v10 =	vld [tilespmem:s1+$0x80]  }
0x58: {  	v11 =	vld [tilespmem:s29+$0x80]  }
0x59: {  	v14 =	vld [tilespmem:s1+$0x90]  }
0x5a: {  	v12 =	vld [tilespmem:s29+$0x90];
	[tilespmem:$0x1FF80] =	vst v0  }
0x5b: {  	v0 =	vld [tilespmem:s29+$0xA0];
	_ =	sdelay $0x4  }
0x5c: {  	[tilespmem:$0x1FF90] =	vst v0  }
0x5d: {  	v0 =	vld [tilespmem:s1+$0xB0];
	_ =	sdelay $0x4  }
0x5e: {  	[tilespmem:$0x1FFA0] =	vst v0  }
0x5f: {  	v0 =	vld [tilespmem:s29+$0xB0];
	_ =	sdelay $0x4  }
0x60: {  	[tilespmem:$0x1FFB0] =	vst v0  }
0x61: {  	v49 =	vld [tilespmem:s1+$0xFFFFFF40];
	_ =	sdelay $0x4  }
0x62: {  	v50 =	vld.idx.msk [tilespmem:v30+s13+$0x0], $0xffff  }
0x63: {  	v51 =	vld.idx.msk [tilespmem:v31+s12+$0x0], $0xffff  }
0x64: {  	v52 =	vld.idx.msk [tilespmem:v32+s13+$0x0], $0xffff  }
0x65: {  	v57 =	vld.idx.msk [tilespmem:v49+s12+$0x0], $0xffff  }
0x66: {  	v53 =	vld.idx.msk [tilespmem:v33+s12+$0x0], $0xffff  }
0x67: {  	v54 =	vld.idx.msk [tilespmem:v34+s13+$0x0], $0xffff  }
0x68: {  	v55 =	vld.idx.msk [tilespmem:v35+s12+$0x0], $0xffff  }
0x69: {  	v56 =	vld.idx.msk [tilespmem:v36+s13+$0x0], $0xffff  }
0x6a: {  	v58 =	vld.idx.msk [tilespmem:v37+s12+$0x0], $0xffff;
	v50 =	vadd.f32 v50, v57  }
0x6b: {  	v59 =	vld.idx.msk [tilespmem:v38+s13+$0x0], $0xffff  }
0x6c: {  	v60 =	vld.idx.msk [tilespmem:v39+s12+$0x0], $0xffff;
	[tilespmem:s30+$0xFFFFD770] =	vst v50  }
0x6d: {  	v0 =	vld.idx.msk [tilespmem:v49+s17+$0x0], $0xffff  }
0x6e: {  	v61 =	vld.idx.msk [tilespmem:v40+s13+$0x0], $0xffff  }
0x6f: {  	v62 =	vld.idx.msk [tilespmem:v41+s12+$0x0], $0xffff  }
0x70: {  	v18 =	vld.idx.msk [tilespmem:v42+s13+$0x0], $0xffff  }
0x71: {  	v63 =	vld.idx.msk [tilespmem:v43+s12+$0x0], $0xffff  }
0x72: {  	v27 =	vld.idx.msk [tilespmem:v46+s13+$0x0], $0xffff;
	[tilespmem:$0x1FFC0] =	vst v0  }
0x73: {  	v23 =	vld.idx.msk [tilespmem:v30+s18+$0x0], $0xffff;
	_ =	sdelay $0x3  }
0x74: {  	v51 =	vadd.f32 v52, v51  }
0x75: {  	v0 =	vld.idx.msk [tilespmem:v47+s12+$0x0], $0xffff;
	[tilespmem:$0x1FFD0] =	vst v23  }
0x76: {  	[tilespmem:s30+$0xFFFFD780] =	vst v51  }
0x77: {  	v23 =	vld.idx.msk [tilespmem:v31+s17+$0x0], $0xffff;
	_ =	sdelay $0x3  }
0x78: {  	v53 =	vadd.f32 v54, v53;
	v30 =	vld.idx.msk [tilespmem:v48+s13+$0x0], $0xffff  }
0x79: {  	v51 =	vld.idx.msk [tilespmem:v29+s12+$0x0], $0xffff;
	[tilespmem:$0x1FFE0] =	vst v23  }
0x7a: {  	[tilespmem:s30+$0xFFFFD790] =	vst v53  }
0x7b: {  	v23 =	vld.idx.msk [tilespmem:v33+s17+$0x0], $0xffff;
	_ =	sdelay $0x3  }
0x7c: {  	v54 =	vld.idx.msk [tilespmem:v28+s13+$0x0], $0xffff  }
0x7d: {  	v49 =	vld.idx.msk [tilespmem:v32+s18+$0x0], $0xffff;
	[tilespmem:$0x1FFF0] =	vst v23  }
0x7e: {  	v53 =	vld.idx.msk [tilespmem:v44+s12+$0x0], $0xffff  }
0x7f: {  	v55 =	vadd.f32 v56, v55;
	v34 =	vld.idx.msk [tilespmem:v34+s18+$0x0], $0xffff  }
0x80: {  	v56 =	vld.idx.msk [tilespmem:v45+s13+$0x0], $0xffff  }
0x81: {  	v58 =	vadd.f32 v59, v58;
	[tilespmem:s30+$0xFFFFD7A0] =	vst v55;
	v55 =	vld.idx.msk [tilespmem:v24+s12+$0x0], $0xffff  }
0x82: {  	v59 =	vld.idx.msk [tilespmem:v22+s13+$0x0], $0xffff  }
0x83: {  	v60 =	vadd.f32 v61, v60;
	[tilespmem:s30+$0xFFFFD7B0] =	vst v58;
	v58 =	vld.idx.msk [tilespmem:v20+s12+$0x0], $0xffff  }
0x84: {  	v61 =	vld.idx.msk [tilespmem:v19+s13+$0x0], $0xffff  }
0x85: {  	v57 =	vadd.f32 v18, v62;
	[tilespmem:s30+$0xFFFFD7C0] =	vst v60;
	v60 =	vld.idx.msk [tilespmem:v21+s12+$0x0], $0xffff  }
0x86: {  	v62 =	vld.idx.msk [tilespmem:v17+s13+$0x0], $0xffff  }
0x87: {  	v50 =	vadd.f32 v27, v63;
	[tilespmem:s30+$0xFFFFD7D0] =	vst v57;
	v57 =	vld.idx.msk [tilespmem:v16+s12+$0x0], $0xffff  }
0x88: {  	v63 =	vld.idx.msk [tilespmem:v15+s13+$0x0], $0xffff  }
0x89: {  	[tilespmem:s30+$0xFFFFD7E0] =	vst v50;
	v50 =	vld.idx.msk [tilespmem:v13+s12+$0x0], $0xffff  }
0x8a: {  	v52 =	vld.idx.msk [tilespmem:v9+s13+$0x0], $0xffff  }
0x8b: {  	v2 =	vld.idx.msk [tilespmem:v26+s13+$0x0], $0xffff  }
0x8c: {  	v6 =	vld.idx.msk [tilespmem:v3+s12+$0x0], $0xffff  }
0x8d: {  	v0 =	vadd.f32 v30, v0;
	v30 =	vmov v3;
	v3 =	vld.idx.msk [tilespmem:v7+s13+$0x0], $0xffff  }
0x8e: {  	v31 =	vmov v7;
	v7 =	vld.idx.msk [tilespmem:v5+s12+$0x0], $0xffff  }
0x8f: {  	v32 =	vmov v5;
	v5 =	vld.idx.msk [tilespmem:v8+s13+$0x0], $0xffff  }
0x90: {  	v51 =	vadd.f32 v54, v51;
	v54 =	vld.idx.msk [tilespmem:v11+s13+$0x0], $0xffff  }
0x91: {  	[tilespmem:s30+$0xFFFFD7F0] =	vst v0;
	v35 =	vld.idx.msk [tilespmem:v35+s17+$0x0], $0xffff  }
0x92: {  	v0 =	vld [tilespmem:$0x1FF60]  }
0x93: {  	v33 =	vmov v8;
	v8 =	vld [tilespmem:$0x1FF70]  }
0x94: {  	v36 =	vld.idx.msk [tilespmem:v36+s18+$0x0], $0xffff  }
0x95: {  	v37 =	vld.idx.msk [tilespmem:v37+s17+$0x0], $0xffff  }
0x96: {  	v38 =	vld.idx.msk [tilespmem:v38+s18+$0x0], $0xffff  }
0x97: {  	v39 =	vld.idx.msk [tilespmem:v39+s17+$0x0], $0xffff  }
0x98: {  	v27 =	vld.idx.msk [tilespmem:v46+s18+$0x0], $0xffff;
	v0 =	vadd.f32 v8, v0  }
0x99: {  	v46 =	vld.idx.msk [tilespmem:v47+s17+$0x0], $0xffff  }
0x9a: {  	v47 =	vld.idx.msk [tilespmem:v48+s18+$0x0], $0xffff;
	[tilespmem:s30+$0x0] =	vst v0;
	v0 =	vadd.f32 v56, v53  }
0x9b: {  	v48 =	vld.idx.msk [tilespmem:v1+s12+$0x0], $0xffff;
	[tilespmem:s30+$0xFFFFD800] =	vst v51;
	v51 =	vadd.f32 v59, v55  }
0x9c: {  	v23 =	vmov v9;
	v9 =	vmov v1;
	v1 =	vld.idx.msk [tilespmem:v4+s13+$0x0], $0xffff;
	[tilespmem:s30+$0xFFFFD810] =	vst v0  }
0x9d: {  	v0 =	vadd.f32 v61, v58;
	v61 =	vld [tilespmem:$0x1FF80];
	[tilespmem:s30+$0xFFFFD820] =	vst v51  }
0x9e: {  	v51 =	vadd.f32 v62, v60;
	v60 =	vld [tilespmem:$0x1FF90]  }
0x9f: {  	v18 =	vmov v17;
	v17 =	vmov v13;
	v13 =	vmov v4;
	v4 =	vld.idx.msk [tilespmem:v25+s12+$0x0], $0xffff  }
0xa0: {  	v55 =	vld.idx.msk [tilespmem:v12+s13+$0x0], $0xffff  }
0xa1: {  	v8 =	vld.idx.msk [tilespmem:v10+s12+$0x0], $0xffff  }
0xa2: {  	v53 =	vld.idx.msk [tilespmem:v14+s12+$0x0], $0xffff;
	[tilespmem:s30+$0xFFFFD830] =	vst v0  }
0xa3: {  	v0 =	vadd.f32 v63, v57;
	v59 =	vld [tilespmem:$0x1FFA0];
	[tilespmem:s30+$0xFFFFD840] =	vst v51  }
0xa4: {  	v50 =	vadd.f32 v52, v50;
	v52 =	vld [tilespmem:$0x1FFB0]  }
0xa5: {  	[tilespmem:s30+$0xFFFFD850] =	vst v0;
	v0 =	vadd.f32 v1, v48;
	v56 =	vld.idx.msk [tilespmem:v61+s12+$0x0], $0xffff  }
0xa6: {  	v2 =	vadd.f32 v2, v4;
	[tilespmem:s30+$0xFFFFD860] =	vst v50;
	v58 =	vld.idx.msk [tilespmem:v60+s13+$0x0], $0xffff  }
0xa7: {  	v40 =	vld.idx.msk [tilespmem:v40+s18+$0x0], $0xffff;
	[tilespmem:s30+$0xFFFFD870] =	vst v0;
	v0 =	vadd.f32 v3, v6  }
0xa8: {  	v41 =	vld.idx.msk [tilespmem:v41+s17+$0x0], $0xffff;
	[tilespmem:s30+$0xFFFFD880] =	vst v2;
	v2 =	vadd.f32 v5, v7  }
0xa9: {  	v42 =	vld.idx.msk [tilespmem:v42+s18+$0x0], $0xffff;
	[tilespmem:s30+$0xFFFFD890] =	vst v0;
	v0 =	vadd.f32 v54, v8  }
0xaa: {  	v43 =	vld.idx.msk [tilespmem:v43+s17+$0x0], $0xffff;
	[tilespmem:s30+$0xFFFFD8A0] =	vst v2;
	v2 =	vadd.f32 v55, v53  }
0xab: {  	v4 =	vld.idx.msk [tilespmem:v28+s18+$0x0], $0xffff;
	[tilespmem:s30+$0xFFFFD8B0] =	vst v0;
	v0 =	vadd.f32 v58, v56  }
0xac: {  	[tilespmem:s30+$0xFFFFD8C0] =	vst v2;
	v62 =	vld.idx.msk [tilespmem:v59+s12+$0x0], $0xffff  }
0xad: {  	v63 =	vld.idx.msk [tilespmem:v52+s13+$0x0], $0xffff;
	[tilespmem:s30+$0xFFFFD8D0] =	vst v0  }
0xae: {  	v0 =	vld [tilespmem:$0x1FFC0]  }
0xaf: {  	v53 =	vld [tilespmem:$0x1FFD0]  }
0xb0: {  	v51 =	vld.idx.msk [tilespmem:v19+s18+$0x0], $0xffff  }
0xb1: {  	v1 =	vld.idx.msk [tilespmem:v29+s17+$0x0], $0xffff  }
0xb2: {  	v5 =	vld.idx.msk [tilespmem:v45+s18+$0x0], $0xffff  }
0xb3: {  	v7 =	vld.idx.msk [tilespmem:v22+s18+$0x0], $0xffff;
	v2 =	vadd.f32 v63, v62  }
0xb4: {  	v21 =	vld.idx.msk [tilespmem:v21+s17+$0x0], $0xffff;
	v0 =	vadd.f32 v53, v0  }
0xb5: {  	v17 =	vld.idx.msk [tilespmem:v17+s17+$0x0], $0xffff;
	[tilespmem:s30+$0xFFFFD8E0] =	vst v2  }
0xb6: {  	v2 =	vld [tilespmem:$0x1FFE0];
	[tilespmem:s30+$0xFFFFFE80] =	vst v0  }
0xb7: {  	v0 =	vld [tilespmem:$0x1FFF0]  }
0xb8: {  	v57 =	vld.idx.msk [tilespmem:v23+s18+$0x0], $0xffff  }
0xb9: {  	v3 =	vld.idx.msk [tilespmem:v44+s17+$0x0], $0xffff  }
0xba: {  	v6 =	vld.idx.msk [tilespmem:v24+s17+$0x0], $0xffff;
	v1 =	vadd.f32 v4, v1  }
0xbb: {  	v55 =	vld.idx.msk [tilespmem:v16+s17+$0x0], $0xffff;
	v2 =	vadd.f32 v49, v2  }
0xbc: {  	v8 =	vld.idx.msk [tilespmem:v20+s17+$0x0], $0xffff;
	[tilespmem:s30+$0xFFFFFF10] =	vst v1;
	v0 =	vadd.f32 v34, v0  }
0xbd: {  	v54 =	vld.idx.msk [tilespmem:v18+s18+$0x0], $0xffff;
	[tilespmem:s30+$0xFFFFFE90] =	vst v2;
	v2 =	vadd.f32 v36, v35  }
0xbe: {  	v4 =	vld.idx.msk [tilespmem:v31+s18+$0x0], $0xffff;
	[tilespmem:s30+$0xFFFFFEA0] =	vst v0;
	v0 =	vadd.f32 v38, v37  }
0xbf: {  	v10 =	vld.idx.msk [tilespmem:v10+s17+$0x0], $0xffff;
	[tilespmem:s30+$0xFFFFFEB0] =	vst v2;
	v2 =	vadd.f32 v40, v39  }
0xc0: {  	v56 =	vld.idx.msk [tilespmem:v15+s18+$0x0], $0xffff;
	[tilespmem:s30+$0xFFFFFEC0] =	vst v0;
	v0 =	vadd.f32 v42, v41  }
0xc1: {  	v58 =	vld.idx.msk [tilespmem:v9+s17+$0x0], $0xffff;
	[tilespmem:s30+$0xFFFFFED0] =	vst v2;
	v2 =	vadd.f32 v27, v43  }
0xc2: {  	v62 =	vld.idx.msk [tilespmem:v13+s18+$0x0], $0xffff;
	[tilespmem:s30+$0xFFFFFEE0] =	vst v0;
	v0 =	vadd.f32 v47, v46  }
0xc3: {  	v63 =	vld.idx.msk [tilespmem:v25+s17+$0x0], $0xffff;
	v1 =	vadd.f32 v7, v6;
	[tilespmem:s30+$0xFFFFFEF0] =	vst v2  }
0xc4: {  	v2 =	vld.idx.msk [tilespmem:v26+s18+$0x0], $0xffff;
	[tilespmem:s30+$0xFFFFFF00] =	vst v0;
	v0 =	vadd.f32 v5, v3  }
0xc5: {  	v7 =	vld.idx.msk [tilespmem:v32+s17+$0x0], $0xffff;
	[tilespmem:s30+$0xFFFFFF30] =	vst v1;
	v1 =	vadd.f32 v54, v21  }
0xc6: {  	[tilespmem:s30+$0xFFFFFF20] =	vst v0;
	v0 =	vadd.f32 v51, v8;
	v8 =	vld.idx.msk [tilespmem:v33+s18+$0x0], $0xffff  }
0xc7: {  	[tilespmem:s30+$0xFFFFFF50] =	vst v1;
	v1 =	vadd.f32 v57, v17;
	v3 =	vld.idx.msk [tilespmem:v30+s17+$0x0], $0xffff  }
0xc8: {  	v11 =	vld.idx.msk [tilespmem:v11+s18+$0x0], $0xffff;
	[tilespmem:s30+$0xFFFFFF40] =	vst v0;
	v0 =	vadd.f32 v56, v55  }
0xc9: {  	v6 =	vld.idx.msk [tilespmem:v12+s18+$0x0], $0xffff;
	[tilespmem:s30+$0xFFFFFF70] =	vst v1;
	v1 =	vadd.f32 v2, v63  }
0xca: {  	v5 =	vld.idx.msk [tilespmem:v14+s17+$0x0], $0xffff;
	[tilespmem:s30+$0xFFFFFF60] =	vst v0;
	v0 =	vadd.f32 v62, v58  }
0xcb: {  	[tilespmem:s30+$0xFFFFFF90] =	vst v1;
	v1 =	vld.idx.msk [tilespmem:v59+s17+$0x0], $0xffff;
	v2 =	vadd.f32 v8, v7  }
0xcc: {  	[tilespmem:s30+$0xFFFFFF80] =	vst v0;
	v0 =	vadd.f32 v4, v3;
	v3 =	vld.idx.msk [tilespmem:v61+s17+$0x0], $0xffff  }
0xcd: {  	v4 =	vld.idx.msk [tilespmem:v60+s18+$0x0], $0xffff;
	[tilespmem:s30+$0xFFFFFFB0] =	vst v2  }
0xce: {  	s31 =	simm.s32 $0x0;
	s1 =	simm.s32 $0x250;
	v2 =	vadd.f32 v11, v10;
	[tilespmem:s30+$0xFFFFFFA0] =	vst v0;
	v0 =	vld.idx.msk [tilespmem:v52+s18+$0x0], $0xffff  }
.LBB2_3:
0xcf: {  	v7 =	vld [tilespmem:s1+$0xC0];
	s29 =	sadd.s32 $0x190, s29  }
0xd0: {  	v8 =	vld [tilespmem:s29+$0xC0];
	[tilespmem:s30+$0xFFFFFFC0] =	vst v2;
	v2 =	vadd.f32 v6, v5  }
0xd1: {  	s31 =	sadd.s32 $0x19, s31;
	v34 =	vld [tilespmem:s29+$0xFFFFFF40]  }
0xd2: {  	p0 =	slt.u32 s31, $0x258;
	v30 =	vld [tilespmem:s1+$0xFFFFFF50];
	[tilespmem:s30+$0xFFFFFFD0] =	vst v2;
	v2 =	vadd.f32 v4, v3  }
0xd3: {  	v41 =	vld [tilespmem:s29+$0xFFFFFF50]  }
0xd4: {  	v0 =	vadd.f32 v0, v1;
	v35 =	vld [tilespmem:s1+$0xFFFFFF60];
	[tilespmem:s30+$0xFFFFFFE0] =	vst v2  }
0xd5: {  	v42 =	vld [tilespmem:s29+$0xFFFFFF60]  }
0xd6: {  	v36 =	vld [tilespmem:s1+$0xFFFFFF70];
	[tilespmem:s30+$0xFFFFFFF0] =	vst v0  }
0xd7: {  	v0 =	vld.idx.msk [tilespmem:v7+s12+$0x0], $0xffff  }
0xd8: {  	v1 =	vld.idx.msk [tilespmem:v8+s13+$0x0], $0xffff  }
0xd9: {  	v46 =	vld [tilespmem:s29+$0xFFFFFF70]  }
0xda: {  	v45 =	vld [tilespmem:s1+$0xFFFFFF80]  }
0xdb: {  	v39 =	vld [tilespmem:s29+$0xFFFFFF80]  }
0xdc: {  	v40 =	vld [tilespmem:s1+$0xFFFFFF90]  }
0xdd: {  	v31 =	vld [tilespmem:s29+$0xFFFFFF90]  }
0xde: {  	v0 =	vadd.f32 v1, v0;
	v32 =	vld [tilespmem:s1+$0xFFFFFFA0]  }
0xdf: {  	s30 =	sadd.s32 $0x190, s30;
	v27 =	vld [tilespmem:s29+$0xFFFFFFA0]  }
0xe0: {  	v33 =	vld [tilespmem:s1+$0xFFFFFFB0];
	[tilespmem:s30+$0xFFFFD8F0] =	vst v0  }
0xe1: {  	v0 =	vld.idx.msk [tilespmem:v7+s17+$0x0], $0xffff  }
0xe2: {  	v1 =	vld.idx.msk [tilespmem:v8+s18+$0x0], $0xffff  }
0xe3: {  	v43 =	vld [tilespmem:s29+$0xFFFFFFB0]  }
0xe4: {  	v44 =	vld [tilespmem:s1+$0xFFFFFFC0]  }
0xe5: {  	v37 =	vld [tilespmem:s29+$0xFFFFFFC0]  }
0xe6: {  	v38 =	vld [tilespmem:s1+$0xFFFFFFD0]  }
0xe7: {  	v28 =	vld [tilespmem:s29+$0xFFFFFFD0]  }
0xe8: {  	v0 =	vadd.f32 v1, v0;
	v29 =	vld [tilespmem:s1+$0xFFFFFFE0]  }
0xe9: {  	v25 =	vld [tilespmem:s29+$0xFFFFFFE0]  }
0xea: {  	v26 =	vld [tilespmem:s1+$0xFFFFFFF0];
	[tilespmem:s30+$0x0] =	vst v0  }
0xeb: {  	v23 =	vld [tilespmem:s29+$0xFFFFFFF0]  }
0xec: {  	v24 =	vld [tilespmem:s1+$0x0]  }
0xed: {  	v21 =	vld [tilespmem:s29+$0x0]  }
0xee: {  	v22 =	vld [tilespmem:s1+$0x10]  }
0xef: {  	v19 =	vld [tilespmem:s29+$0x10]  }
0xf0: {  	v20 =	vld [tilespmem:s1+$0x20]  }
0xf1: {  	v17 =	vld [tilespmem:s29+$0x20]  }
0xf2: {  	v18 =	vld [tilespmem:s1+$0x30]  }
0xf3: {  	v15 =	vld [tilespmem:s29+$0x30]  }
0xf4: {  	v16 =	vld [tilespmem:s1+$0x40]  }
0xf5: {  	v13 =	vld [tilespmem:s29+$0x40]  }
0xf6: {  	v14 =	vld [tilespmem:s1+$0x50]  }
0xf7: {  	v11 =	vld [tilespmem:s29+$0x50]  }
0xf8: {  	v12 =	vld [tilespmem:s1+$0x60]  }
0xf9: {  	v9 =	vld [tilespmem:s29+$0x60]  }
0xfa: {  	v10 =	vld [tilespmem:s1+$0x70]  }
0xfb: {  	v7 =	vld [tilespmem:s29+$0x70]  }
0xfc: {  	v8 =	vld [tilespmem:s1+$0x80]  }
0xfd: {  	v5 =	vld [tilespmem:s29+$0x80]  }
0xfe: {  	v6 =	vld [tilespmem:s1+$0x90]  }
0xff: {  	v3 =	vld [tilespmem:s29+$0x90]  }
0x100: {  	v4 =	vld [tilespmem:s1+$0xA0]  }
0x101: {  	v1 =	vld [tilespmem:s29+$0xA0]  }
0x102: {  	v2 =	vld [tilespmem:s1+$0xB0]  }
0x103: {  	v0 =	vld [tilespmem:s29+$0xB0]  }
0x104: {  	v47 =	vld [tilespmem:s1+$0xFFFFFF40]  }
0x105: {  	v48 =	vld.idx.msk [tilespmem:v34+s13+$0x0], $0xffff  }
0x106: {  	v49 =	vld.idx.msk [tilespmem:v30+s12+$0x0], $0xffff  }
0x107: {  	v50 =	vld.idx.msk [tilespmem:v41+s13+$0x0], $0xffff  }
0x108: {  	v51 =	vld.idx.msk [tilespmem:v35+s12+$0x0], $0xffff  }
0x109: {  	v52 =	vld.idx.msk [tilespmem:v42+s13+$0x0], $0xffff  }
0x10a: {  	v53 =	vld.idx.msk [tilespmem:v36+s12+$0x0], $0xffff  }
0x10b: {  	v54 =	vld.idx.msk [tilespmem:v46+s13+$0x0], $0xffff  }
0x10c: {  	v55 =	vld.idx.msk [tilespmem:v47+s12+$0x0], $0xffff  }
0x10d: {  	v49 =	vadd.f32 v50, v49;
	v50 =	vld.idx.msk [tilespmem:v45+s12+$0x0], $0xffff  }
0x10e: {  	v56 =	vld.idx.msk [tilespmem:v39+s13+$0x0], $0xffff  }
0x10f: {  	[tilespmem:s30+$0xFFFFD780] =	vst v49;
	v49 =	vadd.f32 v52, v51;
	v51 =	vld.idx.msk [tilespmem:v40+s12+$0x0], $0xffff  }
0x110: {  	v52 =	vld.idx.msk [tilespmem:v31+s13+$0x0], $0xffff  }
0x111: {  	[tilespmem:s30+$0xFFFFD790] =	vst v49;
	v49 =	vadd.f32 v54, v53;
	v53 =	vld.idx.msk [tilespmem:v32+s12+$0x0], $0xffff  }
0x112: {  	v48 =	vadd.f32 v48, v55;
	v54 =	vld.idx.msk [tilespmem:v27+s13+$0x0], $0xffff  }
0x113: {  	[tilespmem:s30+$0xFFFFD7A0] =	vst v49;
	v49 =	vld.idx.msk [tilespmem:v33+s12+$0x0], $0xffff  }
0x114: {  	[tilespmem:s30+$0xFFFFD770] =	vst v48;
	v48 =	vadd.f32 v56, v50;
	v50 =	vld.idx.msk [tilespmem:v43+s13+$0x0], $0xffff  }
0x115: {  	v55 =	vld.idx.msk [tilespmem:v44+s12+$0x0], $0xffff  }
0x116: {  	[tilespmem:s30+$0xFFFFD7B0] =	vst v48;
	v48 =	vadd.f32 v52, v51;
	v51 =	vld.idx.msk [tilespmem:v37+s13+$0x0], $0xffff  }
0x117: {  	v52 =	vld.idx.msk [tilespmem:v38+s12+$0x0], $0xffff  }
0x118: {  	[tilespmem:s30+$0xFFFFD7C0] =	vst v48;
	v48 =	vadd.f32 v54, v53;
	v53 =	vld.idx.msk [tilespmem:v28+s13+$0x0], $0xffff  }
0x119: {  	v54 =	vld.idx.msk [tilespmem:v29+s12+$0x0], $0xffff  }
0x11a: {  	[tilespmem:s30+$0xFFFFD7D0] =	vst v48;
	v48 =	vadd.f32 v50, v49;
	v49 =	vld.idx.msk [tilespmem:v25+s13+$0x0], $0xffff  }
0x11b: {  	v50 =	vld.idx.msk [tilespmem:v26+s12+$0x0], $0xffff  }
0x11c: {  	[tilespmem:s30+$0xFFFFD7E0] =	vst v48;
	v48 =	vadd.f32 v51, v55;
	v51 =	vld.idx.msk [tilespmem:v23+s13+$0x0], $0xffff  }
0x11d: {  	v55 =	vld.idx.msk [tilespmem:v24+s12+$0x0], $0xffff  }
0x11e: {  	[tilespmem:s30+$0xFFFFD7F0] =	vst v48;
	v48 =	vadd.f32 v53, v52;
	v52 =	vld.idx.msk [tilespmem:v21+s13+$0x0], $0xffff  }
0x11f: {  	v53 =	vld.idx.msk [tilespmem:v22+s12+$0x0], $0xffff  }
0x120: {  	[tilespmem:s30+$0xFFFFD800] =	vst v48;
	v48 =	vadd.f32 v49, v54;
	v49 =	vld.idx.msk [tilespmem:v19+s13+$0x0], $0xffff  }
0x121: {  	v54 =	vld.idx.msk [tilespmem:v20+s12+$0x0], $0xffff  }
0x122: {  	[tilespmem:s30+$0xFFFFD810] =	vst v48;
	v48 =	vadd.f32 v51, v50;
	v50 =	vld.idx.msk [tilespmem:v17+s13+$0x0], $0xffff  }
0x123: {  	v51 =	vld.idx.msk [tilespmem:v18+s12+$0x0], $0xffff  }
0x124: {  	[tilespmem:s30+$0xFFFFD820] =	vst v48;
	v48 =	vadd.f32 v52, v55;
	v52 =	vld.idx.msk [tilespmem:v15+s13+$0x0], $0xffff  }
0x125: {  	v55 =	vld.idx.msk [tilespmem:v16+s12+$0x0], $0xffff  }
0x126: {  	[tilespmem:s30+$0xFFFFD830] =	vst v48;
	v48 =	vadd.f32 v49, v53;
	v49 =	vld.idx.msk [tilespmem:v13+s13+$0x0], $0xffff  }
0x127: {  	v53 =	vld.idx.msk [tilespmem:v14+s12+$0x0], $0xffff  }
0x128: {  	[tilespmem:s30+$0xFFFFD840] =	vst v48;
	v48 =	vadd.f32 v50, v54;
	v50 =	vld.idx.msk [tilespmem:v11+s13+$0x0], $0xffff  }
0x129: {  	v54 =	vld.idx.msk [tilespmem:v12+s12+$0x0], $0xffff  }
0x12a: {  	[tilespmem:s30+$0xFFFFD850] =	vst v48;
	v48 =	vadd.f32 v52, v51;
	v51 =	vld.idx.msk [tilespmem:v9+s13+$0x0], $0xffff  }
0x12b: {  	v52 =	vld.idx.msk [tilespmem:v10+s12+$0x0], $0xffff  }
0x12c: {  	[tilespmem:s30+$0xFFFFD860] =	vst v48;
	v48 =	vadd.f32 v49, v55;
	v49 =	vld.idx.msk [tilespmem:v7+s13+$0x0], $0xffff  }
0x12d: {  	v55 =	vld.idx.msk [tilespmem:v8+s12+$0x0], $0xffff  }
0x12e: {  	[tilespmem:s30+$0xFFFFD870] =	vst v48;
	v48 =	vadd.f32 v50, v53;
	v50 =	vld.idx.msk [tilespmem:v5+s13+$0x0], $0xffff  }
0x12f: {  	v53 =	vld.idx.msk [tilespmem:v6+s12+$0x0], $0xffff  }
0x130: {  	[tilespmem:s30+$0xFFFFD880] =	vst v48;
	v48 =	vadd.f32 v51, v54;
	v51 =	vld.idx.msk [tilespmem:v3+s13+$0x0], $0xffff  }
0x131: {  	v54 =	vld.idx.msk [tilespmem:v4+s12+$0x0], $0xffff  }
0x132: {  	[tilespmem:s30+$0xFFFFD890] =	vst v48;
	v48 =	vadd.f32 v49, v52;
	v49 =	vld.idx.msk [tilespmem:v1+s13+$0x0], $0xffff  }
0x133: {  	v52 =	vld.idx.msk [tilespmem:v2+s12+$0x0], $0xffff  }
0x134: {  	[tilespmem:s30+$0xFFFFD8A0] =	vst v48;
	v48 =	vadd.f32 v50, v55;
	v50 =	vld.idx.msk [tilespmem:v0+s13+$0x0], $0xffff  }
0x135: {  	v47 =	vld.idx.msk [tilespmem:v47+s17+$0x0], $0xffff  }
0x136: {  	v34 =	vld.idx.msk [tilespmem:v34+s18+$0x0], $0xffff;
	[tilespmem:s30+$0xFFFFD8B0] =	vst v48;
	v48 =	vadd.f32 v51, v53  }
0x137: {  	v30 =	vld.idx.msk [tilespmem:v30+s17+$0x0], $0xffff  }
0x138: {  	v41 =	vld.idx.msk [tilespmem:v41+s18+$0x0], $0xffff;
	[tilespmem:s30+$0xFFFFD8C0] =	vst v48;
	v48 =	vadd.f32 v49, v54  }
0x139: {  	v35 =	vld.idx.msk [tilespmem:v35+s17+$0x0], $0xffff  }
0x13a: {  	v42 =	vld.idx.msk [tilespmem:v42+s18+$0x0], $0xffff;
	[tilespmem:s30+$0xFFFFD8D0] =	vst v48;
	v48 =	vadd.f32 v50, v52  }
0x13b: {  	v36 =	vld.idx.msk [tilespmem:v36+s17+$0x0], $0xffff  }
0x13c: {  	v34 =	vadd.f32 v34, v47;
	v46 =	vld.idx.msk [tilespmem:v46+s18+$0x0], $0xffff;
	[tilespmem:s30+$0xFFFFD8E0] =	vst v48  }
0x13d: {  	v45 =	vld.idx.msk [tilespmem:v45+s17+$0x0], $0xffff  }
0x13e: {  	v30 =	vadd.f32 v41, v30;
	[tilespmem:s30+$0xFFFFFE80] =	vst v34;
	v34 =	vld.idx.msk [tilespmem:v39+s18+$0x0], $0xffff  }
0x13f: {  	v39 =	vld.idx.msk [tilespmem:v40+s17+$0x0], $0xffff  }
0x140: {  	[tilespmem:s30+$0xFFFFFE90] =	vst v30;
	v30 =	vadd.f32 v42, v35;
	v31 =	vld.idx.msk [tilespmem:v31+s18+$0x0], $0xffff  }
0x141: {  	v32 =	vld.idx.msk [tilespmem:v32+s17+$0x0], $0xffff  }
0x142: {  	[tilespmem:s30+$0xFFFFFEA0] =	vst v30;
	v30 =	vadd.f32 v46, v36;
	v27 =	vld.idx.msk [tilespmem:v27+s18+$0x0], $0xffff  }
0x143: {  	v33 =	vld.idx.msk [tilespmem:v33+s17+$0x0], $0xffff  }
0x144: {  	[tilespmem:s30+$0xFFFFFEB0] =	vst v30;
	v30 =	vadd.f32 v34, v45;
	v34 =	vld.idx.msk [tilespmem:v43+s18+$0x0], $0xffff  }
0x145: {  	v35 =	vld.idx.msk [tilespmem:v44+s17+$0x0], $0xffff  }
0x146: {  	[tilespmem:s30+$0xFFFFFEC0] =	vst v30;
	v30 =	vadd.f32 v31, v39;
	v31 =	vld.idx.msk [tilespmem:v37+s18+$0x0], $0xffff  }
0x147: {  	v36 =	vld.idx.msk [tilespmem:v38+s17+$0x0], $0xffff  }
0x148: {  	v27 =	vadd.f32 v27, v32;
	[tilespmem:s30+$0xFFFFFED0] =	vst v30;
	v28 =	vld.idx.msk [tilespmem:v28+s18+$0x0], $0xffff  }
0x149: {  	v29 =	vld.idx.msk [tilespmem:v29+s17+$0x0], $0xffff  }
0x14a: {  	[tilespmem:s30+$0xFFFFFEE0] =	vst v27;
	v27 =	vadd.f32 v34, v33;
	v25 =	vld.idx.msk [tilespmem:v25+s18+$0x0], $0xffff  }
0x14b: {  	v26 =	vld.idx.msk [tilespmem:v26+s17+$0x0], $0xffff  }
0x14c: {  	[tilespmem:s30+$0xFFFFFEF0] =	vst v27;
	v27 =	vadd.f32 v31, v35;
	v23 =	vld.idx.msk [tilespmem:v23+s18+$0x0], $0xffff  }
0x14d: {  	v24 =	vld.idx.msk [tilespmem:v24+s17+$0x0], $0xffff  }
0x14e: {  	[tilespmem:s30+$0xFFFFFF00] =	vst v27;
	v27 =	vadd.f32 v28, v36;
	v21 =	vld.idx.msk [tilespmem:v21+s18+$0x0], $0xffff  }
0x14f: {  	v22 =	vld.idx.msk [tilespmem:v22+s17+$0x0], $0xffff  }
0x150: {  	v25 =	vadd.f32 v25, v29;
	[tilespmem:s30+$0xFFFFFF10] =	vst v27;
	v19 =	vld.idx.msk [tilespmem:v19+s18+$0x0], $0xffff  }
0x151: {  	v20 =	vld.idx.msk [tilespmem:v20+s17+$0x0], $0xffff  }
0x152: {  	v23 =	vadd.f32 v23, v26;
	[tilespmem:s30+$0xFFFFFF20] =	vst v25;
	v17 =	vld.idx.msk [tilespmem:v17+s18+$0x0], $0xffff  }
0x153: {  	v18 =	vld.idx.msk [tilespmem:v18+s17+$0x0], $0xffff  }
0x154: {  	v21 =	vadd.f32 v21, v24;
	[tilespmem:s30+$0xFFFFFF30] =	vst v23;
	v15 =	vld.idx.msk [tilespmem:v15+s18+$0x0], $0xffff  }
0x155: {  	v16 =	vld.idx.msk [tilespmem:v16+s17+$0x0], $0xffff  }
0x156: {  	v19 =	vadd.f32 v19, v22;
	[tilespmem:s30+$0xFFFFFF40] =	vst v21;
	v13 =	vld.idx.msk [tilespmem:v13+s18+$0x0], $0xffff  }
0x157: {  	v14 =	vld.idx.msk [tilespmem:v14+s17+$0x0], $0xffff  }
0x158: {  	v17 =	vadd.f32 v17, v20;
	[tilespmem:s30+$0xFFFFFF50] =	vst v19;
	v11 =	vld.idx.msk [tilespmem:v11+s18+$0x0], $0xffff  }
0x159: {  	v12 =	vld.idx.msk [tilespmem:v12+s17+$0x0], $0xffff  }
0x15a: {  	v15 =	vadd.f32 v15, v18;
	[tilespmem:s30+$0xFFFFFF60] =	vst v17;
	v9 =	vld.idx.msk [tilespmem:v9+s18+$0x0], $0xffff  }
0x15b: {  	v10 =	vld.idx.msk [tilespmem:v10+s17+$0x0], $0xffff  }
0x15c: {  	v13 =	vadd.f32 v13, v16;
	[tilespmem:s30+$0xFFFFFF70] =	vst v15;
	v7 =	vld.idx.msk [tilespmem:v7+s18+$0x0], $0xffff  }
0x15d: {  	v8 =	vld.idx.msk [tilespmem:v8+s17+$0x0], $0xffff  }
0x15e: {  	v11 =	vadd.f32 v11, v14;
	[tilespmem:s30+$0xFFFFFF80] =	vst v13;
	v13 =	vld.idx.msk [tilespmem:v5+s18+$0x0], $0xffff  }
0x15f: {  	v5 =	vld.idx.msk [tilespmem:v6+s17+$0x0], $0xffff  }
.Ltmp0:
0x160: {  	v9 =	vadd.f32 v9, v12;
	[tilespmem:s30+$0xFFFFFF90] =	vst v11;
	v6 =	vld.idx.msk [tilespmem:v3+s18+$0x0], $0xffff;
	(pc) =	sbr.rel @p0 .LBB2_3-.Ltmp0, $4  }
0x161: {  	v3 =	vld.idx.msk [tilespmem:v4+s17+$0x0], $0xffff  }
0x162: {  	v7 =	vadd.f32 v7, v10;
	[tilespmem:s30+$0xFFFFFFA0] =	vst v9;
	v4 =	vld.idx.msk [tilespmem:v1+s18+$0x0], $0xffff  }
0x163: {  	v1 =	vld.idx.msk [tilespmem:v2+s17+$0x0], $0xffff  }
0x164: {  	s1 =	sadd.s32 $0x190, s1;
	v2 =	vadd.f32 v13, v8;
	[tilespmem:s30+$0xFFFFFFB0] =	vst v7;
	v0 =	vld.idx.msk [tilespmem:v0+s18+$0x0], $0xffff  }
0x165: {  	_ =	sdelay $0x1  }
0x166: {  	v5 =	vadd.f32 v6, v5;
	s1 =	smul.u32 $0x138800, s26  }
0x167: {  	[tilespmem:s30+$0xFFFFFFC0] =	vst v2;
	v2 =	vadd.f32 v4, v3  }
0x168: {  	[tilespmem:s30+$0xFFFFFFD0] =	vst v5;
	s1 =	sadd.s32 s4, s1;
	v0 =	vadd.f32 v0, v1  }
0x169: {  	p0 =	seq.s32 s26, $0x7;
	s1 =	sshrl.u32 s1, $0x3;
	[tilespmem:s30+$0xFFFFFFE0] =	vst v2  }
0x16a: {  	s29 =	smul.u32 @!p0 $0xA000, s26;
	s1 =	sadd.s32 s6, s1;
	[tilespmem:s30+$0xFFFFFFF0] =	vst v0  }
0x16b: {  	[hbm4b:s1+s11] =	stream.strided.scatter [tilespmem:s20], [sflag:$0x3], $0x4E20, s19, s11, $0x38;
	[tilespmem:$0x1DC40] =	vst v63  }
0x16c: {  	s1 =	sshrl.u32 @!p0 s29, $0x3  }
0x16d: {  	s1 =	sadd.s32 @!p0 $0x1400, s1  }
0x16e: {  	s31 =	simm.s32 @!p0 $0x4E20;
	s30 =	simm.s32 @!p0 $0x0;
	s29 =	sadd.s32 @!p0 s2, s1  }
0x16f: {  	[tilespmem:s31], [sflag:$0x1] =	stream.linear.gather @!p0 [hbm4b:s29+s30], $0x5000, $0x38;
	[tilespmem:$0x1DC40] =	vst v63  }
0x170: {  	s1 =	sadd.s32 @!p0 s5, s1;
	s29 =	simm.s32 @!p0 $0xEE20  }
0x171: {  	[tilespmem:s29], [sflag:$0x1] =	stream.linear.gather @!p0 [hbm4b:s1+s30], $0x5000, $0x38;
	[tilespmem:$0x1DC40] =	vst v63  }
0x172: {  	_ =	swait.ge [sflag:s21], $0x5000  }
0x173: {  	[sflag:s21] =	ssyncset.done $0x0  }
0x174: {  	[sflag:s21] =	ssyncadd.s32 $0xFFFFB000  }
0x175: {  	_ =	swait.ge [sflag:s21], $0x5000  }
0x176: {  	[sflag:s21] =	ssyncset.done $0x0  }
0x177: {  	[sflag:s21] =	ssyncadd.s32 $0xFFFFB000  }
0x178: {  	_ =	swait.ge [sflag:s22], $0x4E20  }
0x179: {  	[sflag:s22] =	ssyncset.done $0x0  }
0x17a: {  	s1 =	simm.s32 $0xC0;
	[sflag:s22] =	ssyncadd.s32 $0xFFFFB1E0  }
0x17b: {  	s29 =	simm.s32 $0x27D0;
	v0 =	vld [tilespmem:s1+$0xC0]  }
0x17c: {  	v1 =	vld [tilespmem:s29+$0xC0];
	_ =	sdelay $0x4  }
0x17d: {  	v30 =	vld [tilespmem:s29+$0xFFFFFF40]  }
0x17e: {  	v31 =	vld [tilespmem:s1+$0xFFFFFF50]  }
0x17f: {  	v2 =	vld.idx.msk [tilespmem:v0+s14+$0x0], $0xffff  }
0x180: {  	v3 =	vld.idx.msk [tilespmem:v1+s15+$0x0], $0xffff  }
0x181: {  	v32 =	vld [tilespmem:s29+$0xFFFFFF50]  }
0x182: {  	v33 =	vld [tilespmem:s1+$0xFFFFFF60]  }
0x183: {  	v34 =	vld [tilespmem:s29+$0xFFFFFF60]  }
0x184: {  	v35 =	vld [tilespmem:s1+$0xFFFFFF70]  }
0x185: {  	v36 =	vld [tilespmem:s29+$0xFFFFFF70];
	v2 =	vadd.f32 v3, v2  }
0x186: {  	s30 =	simm.s32 $0x1B6B0;
	v37 =	vld [tilespmem:s1+$0xFFFFFF80]  }
0x187: {  	v38 =	vld [tilespmem:s29+$0xFFFFFF80];
	[tilespmem:s30+$0xFFFFD8F0] =	vst v2  }
0x188: {  	v0 =	vld.idx.msk [tilespmem:v0+s23+$0x0], $0xffff  }
0x189: {  	v39 =	vld [tilespmem:s1+$0xFFFFFF90]  }
0x18a: {  	v40 =	vld [tilespmem:s29+$0xFFFFFF90]  }
0x18b: {  	v41 =	vld [tilespmem:s1+$0xFFFFFFA0]  }
0x18c: {  	v42 =	vld [tilespmem:s29+$0xFFFFFFA0]  }
0x18d: {  	v43 =	vld [tilespmem:s1+$0xFFFFFFB0];
	[tilespmem:$0x1FEC0] =	vst v0  }
0x18e: {  	v0 =	vld.idx.msk [tilespmem:v1+s24+$0x0], $0xffff;
	_ =	sdelay $0x4  }
0x18f: {  	[tilespmem:$0x1FED0] =	vst v0  }
0x190: {  	v46 =	vld [tilespmem:s29+$0xFFFFFFB0]  }
0x191: {  	v47 =	vld [tilespmem:s1+$0xFFFFFFC0]  }
0x192: {  	v48 =	vld [tilespmem:s29+$0xFFFFFFC0]  }
0x193: {  	v29 =	vld [tilespmem:s1+$0xFFFFFFD0]  }
0x194: {  	v28 =	vld [tilespmem:s29+$0xFFFFFFD0]  }
0x195: {  	v44 =	vld [tilespmem:s1+$0xFFFFFFE0]  }
0x196: {  	v45 =	vld [tilespmem:s29+$0xFFFFFFE0]  }
0x197: {  	v24 =	vld [tilespmem:s1+$0xFFFFFFF0]  }
0x198: {  	v22 =	vld [tilespmem:s29+$0xFFFFFFF0]  }
0x199: {  	v20 =	vld [tilespmem:s1+$0x0]  }
0x19a: {  	v19 =	vld [tilespmem:s29+$0x0]  }
0x19b: {  	v21 =	vld [tilespmem:s1+$0x10]  }
0x19c: {  	v17 =	vld [tilespmem:s29+$0x10]  }
0x19d: {  	v16 =	vld [tilespmem:s1+$0x20]  }
0x19e: {  	v15 =	vld [tilespmem:s29+$0x20]  }
0x19f: {  	v13 =	vld [tilespmem:s1+$0x30]  }
0x1a0: {  	v9 =	vld [tilespmem:s29+$0x30]  }
0x1a1: {  	v1 =	vld [tilespmem:s1+$0x40]  }
0x1a2: {  	v4 =	vld [tilespmem:s29+$0x40]  }
0x1a3: {  	v25 =	vld [tilespmem:s1+$0x50]  }
0x1a4: {  	v26 =	vld [tilespmem:s29+$0x50]  }
0x1a5: {  	v3 =	vld [tilespmem:s1+$0x60]  }
0x1a6: {  	v7 =	vld [tilespmem:s29+$0x60]  }
0x1a7: {  	v5 =	vld [tilespmem:s1+$0x70]  }
0x1a8: {  	v0 =	vld [tilespmem:s1+$0xA0]  }
0x1a9: {  	v8 =	vld [tilespmem:s29+$0x70]  }
0x1aa: {  	v10 =	vld [tilespmem:s1+$0x80]  }
0x1ab: {  	v11 =	vld [tilespmem:s29+$0x80]  }
0x1ac: {  	v14 =	vld [tilespmem:s1+$0x90]  }
0x1ad: {  	v12 =	vld [tilespmem:s29+$0x90];
	[tilespmem:$0x1FEE0] =	vst v0  }
0x1ae: {  	v0 =	vld [tilespmem:s29+$0xA0];
	_ =	sdelay $0x4  }
0x1af: {  	[tilespmem:$0x1FEF0] =	vst v0  }
0x1b0: {  	v0 =	vld [tilespmem:s1+$0xB0];
	_ =	sdelay $0x4  }
0x1b1: {  	[tilespmem:$0x1FF00] =	vst v0  }
0x1b2: {  	v0 =	vld [tilespmem:s29+$0xB0];
	_ =	sdelay $0x4  }
0x1b3: {  	[tilespmem:$0x1FF10] =	vst v0  }
0x1b4: {  	v49 =	vld [tilespmem:s1+$0xFFFFFF40];
	_ =	sdelay $0x4  }
0x1b5: {  	v50 =	vld.idx.msk [tilespmem:v30+s15+$0x0], $0xffff  }
0x1b6: {  	v51 =	vld.idx.msk [tilespmem:v31+s14+$0x0], $0xffff  }
0x1b7: {  	v52 =	vld.idx.msk [tilespmem:v32+s15+$0x0], $0xffff  }
0x1b8: {  	v57 =	vld.idx.msk [tilespmem:v49+s14+$0x0], $0xffff  }
0x1b9: {  	v53 =	vld.idx.msk [tilespmem:v33+s14+$0x0], $0xffff  }
0x1ba: {  	v54 =	vld.idx.msk [tilespmem:v34+s15+$0x0], $0xffff  }
0x1bb: {  	v55 =	vld.idx.msk [tilespmem:v35+s14+$0x0], $0xffff  }
0x1bc: {  	v56 =	vld.idx.msk [tilespmem:v36+s15+$0x0], $0xffff  }
0x1bd: {  	v58 =	vld.idx.msk [tilespmem:v37+s14+$0x0], $0xffff;
	v50 =	vadd.f32 v50, v57  }
0x1be: {  	v59 =	vld.idx.msk [tilespmem:v38+s15+$0x0], $0xffff  }
0x1bf: {  	v60 =	vld.idx.msk [tilespmem:v39+s14+$0x0], $0xffff;
	[tilespmem:s30+$0xFFFFD770] =	vst v50  }
0x1c0: {  	v0 =	vld.idx.msk [tilespmem:v49+s23+$0x0], $0xffff  }
0x1c1: {  	v61 =	vld.idx.msk [tilespmem:v40+s15+$0x0], $0xffff  }
0x1c2: {  	v62 =	vld.idx.msk [tilespmem:v41+s14+$0x0], $0xffff  }
0x1c3: {  	v18 =	vld.idx.msk [tilespmem:v42+s15+$0x0], $0xffff  }
0x1c4: {  	v63 =	vld.idx.msk [tilespmem:v43+s14+$0x0], $0xffff  }
0x1c5: {  	v27 =	vld.idx.msk [tilespmem:v46+s15+$0x0], $0xffff;
	[tilespmem:$0x1FF20] =	vst v0  }
0x1c6: {  	v23 =	vld.idx.msk [tilespmem:v30+s24+$0x0], $0xffff;
	_ =	sdelay $0x3  }
0x1c7: {  	v51 =	vadd.f32 v52, v51  }
0x1c8: {  	v0 =	vld.idx.msk [tilespmem:v47+s14+$0x0], $0xffff;
	[tilespmem:$0x1FF30] =	vst v23  }
0x1c9: {  	[tilespmem:s30+$0xFFFFD780] =	vst v51  }
0x1ca: {  	v23 =	vld.idx.msk [tilespmem:v31+s23+$0x0], $0xffff;
	_ =	sdelay $0x3  }
0x1cb: {  	v53 =	vadd.f32 v54, v53;
	v30 =	vld.idx.msk [tilespmem:v48+s15+$0x0], $0xffff  }
0x1cc: {  	v51 =	vld.idx.msk [tilespmem:v29+s14+$0x0], $0xffff;
	[tilespmem:$0x1FF40] =	vst v23  }
0x1cd: {  	[tilespmem:s30+$0xFFFFD790] =	vst v53  }
0x1ce: {  	v23 =	vld.idx.msk [tilespmem:v33+s23+$0x0], $0xffff;
	_ =	sdelay $0x3  }
0x1cf: {  	v54 =	vld.idx.msk [tilespmem:v28+s15+$0x0], $0xffff  }
0x1d0: {  	v49 =	vld.idx.msk [tilespmem:v32+s24+$0x0], $0xffff;
	[tilespmem:$0x1FF50] =	vst v23  }
0x1d1: {  	v53 =	vld.idx.msk [tilespmem:v44+s14+$0x0], $0xffff  }
0x1d2: {  	v55 =	vadd.f32 v56, v55;
	v34 =	vld.idx.msk [tilespmem:v34+s24+$0x0], $0xffff  }
0x1d3: {  	v56 =	vld.idx.msk [tilespmem:v45+s15+$0x0], $0xffff  }
0x1d4: {  	v58 =	vadd.f32 v59, v58;
	[tilespmem:s30+$0xFFFFD7A0] =	vst v55;
	v55 =	vld.idx.msk [tilespmem:v24+s14+$0x0], $0xffff  }
0x1d5: {  	v59 =	vld.idx.msk [tilespmem:v22+s15+$0x0], $0xffff  }
0x1d6: {  	v60 =	vadd.f32 v61, v60;
	[tilespmem:s30+$0xFFFFD7B0] =	vst v58;
	v58 =	vld.idx.msk [tilespmem:v20+s14+$0x0], $0xffff  }
0x1d7: {  	v61 =	vld.idx.msk [tilespmem:v19+s15+$0x0], $0xffff  }
0x1d8: {  	v57 =	vadd.f32 v18, v62;
	[tilespmem:s30+$0xFFFFD7C0] =	vst v60;
	v60 =	vld.idx.msk [tilespmem:v21+s14+$0x0], $0xffff  }
0x1d9: {  	v62 =	vld.idx.msk [tilespmem:v17+s15+$0x0], $0xffff  }
0x1da: {  	v50 =	vadd.f32 v27, v63;
	[tilespmem:s30+$0xFFFFD7D0] =	vst v57;
	v57 =	vld.idx.msk [tilespmem:v16+s14+$0x0], $0xffff  }
0x1db: {  	v63 =	vld.idx.msk [tilespmem:v15+s15+$0x0], $0xffff  }
0x1dc: {  	[tilespmem:s30+$0xFFFFD7E0] =	vst v50;
	v50 =	vld.idx.msk [tilespmem:v13+s14+$0x0], $0xffff  }
0x1dd: {  	v52 =	vld.idx.msk [tilespmem:v9+s15+$0x0], $0xffff  }
0x1de: {  	v2 =	vld.idx.msk [tilespmem:v26+s15+$0x0], $0xffff  }
0x1df: {  	v6 =	vld.idx.msk [tilespmem:v3+s14+$0x0], $0xffff  }
0x1e0: {  	v0 =	vadd.f32 v30, v0;
	v30 =	vmov v3;
	v3 =	vld.idx.msk [tilespmem:v7+s15+$0x0], $0xffff  }
0x1e1: {  	v31 =	vmov v7;
	v7 =	vld.idx.msk [tilespmem:v5+s14+$0x0], $0xffff  }
0x1e2: {  	v32 =	vmov v5;
	v5 =	vld.idx.msk [tilespmem:v8+s15+$0x0], $0xffff  }
0x1e3: {  	v51 =	vadd.f32 v54, v51;
	v54 =	vld.idx.msk [tilespmem:v11+s15+$0x0], $0xffff  }
0x1e4: {  	[tilespmem:s30+$0xFFFFD7F0] =	vst v0;
	v35 =	vld.idx.msk [tilespmem:v35+s23+$0x0], $0xffff  }
0x1e5: {  	v0 =	vld [tilespmem:$0x1FEC0]  }
0x1e6: {  	v33 =	vmov v8;
	v8 =	vld [tilespmem:$0x1FED0]  }
0x1e7: {  	v36 =	vld.idx.msk [tilespmem:v36+s24+$0x0], $0xffff  }
0x1e8: {  	v37 =	vld.idx.msk [tilespmem:v37+s23+$0x0], $0xffff  }
0x1e9: {  	v38 =	vld.idx.msk [tilespmem:v38+s24+$0x0], $0xffff  }
0x1ea: {  	v39 =	vld.idx.msk [tilespmem:v39+s23+$0x0], $0xffff  }
0x1eb: {  	v27 =	vld.idx.msk [tilespmem:v46+s24+$0x0], $0xffff;
	v0 =	vadd.f32 v8, v0  }
0x1ec: {  	v46 =	vld.idx.msk [tilespmem:v47+s23+$0x0], $0xffff  }
0x1ed: {  	v47 =	vld.idx.msk [tilespmem:v48+s24+$0x0], $0xffff;
	[tilespmem:s30+$0x0] =	vst v0;
	v0 =	vadd.f32 v56, v53  }
0x1ee: {  	v48 =	vld.idx.msk [tilespmem:v1+s14+$0x0], $0xffff;
	[tilespmem:s30+$0xFFFFD800] =	vst v51;
	v51 =	vadd.f32 v59, v55  }
0x1ef: {  	v23 =	vmov v9;
	v9 =	vmov v1;
	v1 =	vld.idx.msk [tilespmem:v4+s15+$0x0], $0xffff;
	[tilespmem:s30+$0xFFFFD810] =	vst v0  }
0x1f0: {  	v0 =	vadd.f32 v61, v58;
	v61 =	vld [tilespmem:$0x1FEE0];
	[tilespmem:s30+$0xFFFFD820] =	vst v51  }
0x1f1: {  	v51 =	vadd.f32 v62, v60;
	v60 =	vld [tilespmem:$0x1FEF0]  }
0x1f2: {  	v18 =	vmov v17;
	v17 =	vmov v13;
	v13 =	vmov v4;
	v4 =	vld.idx.msk [tilespmem:v25+s14+$0x0], $0xffff  }
0x1f3: {  	v55 =	vld.idx.msk [tilespmem:v12+s15+$0x0], $0xffff  }
0x1f4: {  	v8 =	vld.idx.msk [tilespmem:v10+s14+$0x0], $0xffff  }
0x1f5: {  	v53 =	vld.idx.msk [tilespmem:v14+s14+$0x0], $0xffff;
	[tilespmem:s30+$0xFFFFD830] =	vst v0  }
0x1f6: {  	v0 =	vadd.f32 v63, v57;
	v59 =	vld [tilespmem:$0x1FF00];
	[tilespmem:s30+$0xFFFFD840] =	vst v51  }
0x1f7: {  	v50 =	vadd.f32 v52, v50;
	v52 =	vld [tilespmem:$0x1FF10]  }
0x1f8: {  	[tilespmem:s30+$0xFFFFD850] =	vst v0;
	v0 =	vadd.f32 v1, v48;
	v56 =	vld.idx.msk [tilespmem:v61+s14+$0x0], $0xffff  }
0x1f9: {  	v2 =	vadd.f32 v2, v4;
	[tilespmem:s30+$0xFFFFD860] =	vst v50;
	v58 =	vld.idx.msk [tilespmem:v60+s15+$0x0], $0xffff  }
0x1fa: {  	v40 =	vld.idx.msk [tilespmem:v40+s24+$0x0], $0xffff;
	[tilespmem:s30+$0xFFFFD870] =	vst v0;
	v0 =	vadd.f32 v3, v6  }
0x1fb: {  	v41 =	vld.idx.msk [tilespmem:v41+s23+$0x0], $0xffff;
	[tilespmem:s30+$0xFFFFD880] =	vst v2;
	v2 =	vadd.f32 v5, v7  }
0x1fc: {  	v42 =	vld.idx.msk [tilespmem:v42+s24+$0x0], $0xffff;
	[tilespmem:s30+$0xFFFFD890] =	vst v0;
	v0 =	vadd.f32 v54, v8  }
0x1fd: {  	v43 =	vld.idx.msk [tilespmem:v43+s23+$0x0], $0xffff;
	[tilespmem:s30+$0xFFFFD8A0] =	vst v2;
	v2 =	vadd.f32 v55, v53  }
0x1fe: {  	v4 =	vld.idx.msk [tilespmem:v28+s24+$0x0], $0xffff;
	[tilespmem:s30+$0xFFFFD8B0] =	vst v0;
	v0 =	vadd.f32 v58, v56  }
0x1ff: {  	[tilespmem:s30+$0xFFFFD8C0] =	vst v2;
	v62 =	vld.idx.msk [tilespmem:v59+s14+$0x0], $0xffff  }
0x200: {  	v63 =	vld.idx.msk [tilespmem:v52+s15+$0x0], $0xffff;
	[tilespmem:s30+$0xFFFFD8D0] =	vst v0  }
0x201: {  	v0 =	vld [tilespmem:$0x1FF20]  }
0x202: {  	v53 =	vld [tilespmem:$0x1FF30]  }
0x203: {  	v51 =	vld.idx.msk [tilespmem:v19+s24+$0x0], $0xffff  }
0x204: {  	v1 =	vld.idx.msk [tilespmem:v29+s23+$0x0], $0xffff  }
0x205: {  	v5 =	vld.idx.msk [tilespmem:v45+s24+$0x0], $0xffff  }
0x206: {  	v7 =	vld.idx.msk [tilespmem:v22+s24+$0x0], $0xffff;
	v2 =	vadd.f32 v63, v62  }
0x207: {  	v21 =	vld.idx.msk [tilespmem:v21+s23+$0x0], $0xffff;
	v0 =	vadd.f32 v53, v0  }
0x208: {  	v17 =	vld.idx.msk [tilespmem:v17+s23+$0x0], $0xffff;
	[tilespmem:s30+$0xFFFFD8E0] =	vst v2  }
0x209: {  	v2 =	vld [tilespmem:$0x1FF40];
	[tilespmem:s30+$0xFFFFFE80] =	vst v0  }
0x20a: {  	v0 =	vld [tilespmem:$0x1FF50]  }
0x20b: {  	v57 =	vld.idx.msk [tilespmem:v23+s24+$0x0], $0xffff  }
0x20c: {  	v3 =	vld.idx.msk [tilespmem:v44+s23+$0x0], $0xffff  }
0x20d: {  	v6 =	vld.idx.msk [tilespmem:v24+s23+$0x0], $0xffff;
	v1 =	vadd.f32 v4, v1  }
0x20e: {  	v55 =	vld.idx.msk [tilespmem:v16+s23+$0x0], $0xffff;
	v2 =	vadd.f32 v49, v2  }
0x20f: {  	v8 =	vld.idx.msk [tilespmem:v20+s23+$0x0], $0xffff;
	[tilespmem:s30+$0xFFFFFF10] =	vst v1;
	v0 =	vadd.f32 v34, v0  }
0x210: {  	v54 =	vld.idx.msk [tilespmem:v18+s24+$0x0], $0xffff;
	[tilespmem:s30+$0xFFFFFE90] =	vst v2;
	v2 =	vadd.f32 v36, v35  }
0x211: {  	v4 =	vld.idx.msk [tilespmem:v31+s24+$0x0], $0xffff;
	[tilespmem:s30+$0xFFFFFEA0] =	vst v0;
	v0 =	vadd.f32 v38, v37  }
0x212: {  	v10 =	vld.idx.msk [tilespmem:v10+s23+$0x0], $0xffff;
	[tilespmem:s30+$0xFFFFFEB0] =	vst v2;
	v2 =	vadd.f32 v40, v39  }
0x213: {  	v56 =	vld.idx.msk [tilespmem:v15+s24+$0x0], $0xffff;
	[tilespmem:s30+$0xFFFFFEC0] =	vst v0;
	v0 =	vadd.f32 v42, v41  }
0x214: {  	v58 =	vld.idx.msk [tilespmem:v9+s23+$0x0], $0xffff;
	[tilespmem:s30+$0xFFFFFED0] =	vst v2;
	v2 =	vadd.f32 v27, v43  }
0x215: {  	v62 =	vld.idx.msk [tilespmem:v13+s24+$0x0], $0xffff;
	[tilespmem:s30+$0xFFFFFEE0] =	vst v0;
	v0 =	vadd.f32 v47, v46  }
0x216: {  	v63 =	vld.idx.msk [tilespmem:v25+s23+$0x0], $0xffff;
	v1 =	vadd.f32 v7, v6;
	[tilespmem:s30+$0xFFFFFEF0] =	vst v2  }
0x217: {  	v2 =	vld.idx.msk [tilespmem:v26+s24+$0x0], $0xffff;
	[tilespmem:s30+$0xFFFFFF00] =	vst v0;
	v0 =	vadd.f32 v5, v3  }
0x218: {  	v7 =	vld.idx.msk [tilespmem:v32+s23+$0x0], $0xffff;
	[tilespmem:s30+$0xFFFFFF30] =	vst v1;
	v1 =	vadd.f32 v54, v21  }
0x219: {  	[tilespmem:s30+$0xFFFFFF20] =	vst v0;
	v0 =	vadd.f32 v51, v8;
	v8 =	vld.idx.msk [tilespmem:v33+s24+$0x0], $0xffff  }
0x21a: {  	[tilespmem:s30+$0xFFFFFF50] =	vst v1;
	v1 =	vadd.f32 v57, v17;
	v3 =	vld.idx.msk [tilespmem:v30+s23+$0x0], $0xffff  }
0x21b: {  	v11 =	vld.idx.msk [tilespmem:v11+s24+$0x0], $0xffff;
	[tilespmem:s30+$0xFFFFFF40] =	vst v0;
	v0 =	vadd.f32 v56, v55  }
0x21c: {  	v6 =	vld.idx.msk [tilespmem:v12+s24+$0x0], $0xffff;
	[tilespmem:s30+$0xFFFFFF70] =	vst v1;
	v1 =	vadd.f32 v2, v63  }
0x21d: {  	v5 =	vld.idx.msk [tilespmem:v14+s23+$0x0], $0xffff;
	[tilespmem:s30+$0xFFFFFF60] =	vst v0;
	v0 =	vadd.f32 v62, v58  }
0x21e: {  	[tilespmem:s30+$0xFFFFFF90] =	vst v1;
	v1 =	vld.idx.msk [tilespmem:v59+s23+$0x0], $0xffff;
	v2 =	vadd.f32 v8, v7  }
0x21f: {  	[tilespmem:s30+$0xFFFFFF80] =	vst v0;
	v0 =	vadd.f32 v4, v3;
	v3 =	vld.idx.msk [tilespmem:v61+s23+$0x0], $0xffff  }
0x220: {  	v4 =	vld.idx.msk [tilespmem:v60+s24+$0x0], $0xffff;
	[tilespmem:s30+$0xFFFFFFB0] =	vst v2  }
0x221: {  	s31 =	simm.s32 $0x0;
	s1 =	simm.s32 $0x250;
	v2 =	vadd.f32 v11, v10;
	[tilespmem:s30+$0xFFFFFFA0] =	vst v0;
	v0 =	vld.idx.msk [tilespmem:v52+s24+$0x0], $0xffff  }
.LBB2_5:
0x222: {  	v7 =	vld [tilespmem:s1+$0xC0];
	s29 =	sadd.s32 $0x190, s29  }
0x223: {  	v8 =	vld [tilespmem:s29+$0xC0];
	[tilespmem:s30+$0xFFFFFFC0] =	vst v2;
	v2 =	vadd.f32 v6, v5  }
0x224: {  	s31 =	sadd.s32 $0x19, s31;
	v34 =	vld [tilespmem:s29+$0xFFFFFF40]  }
0x225: {  	p0 =	slt.u32 s31, $0x258;
	v30 =	vld [tilespmem:s1+$0xFFFFFF50];
	[tilespmem:s30+$0xFFFFFFD0] =	vst v2;
	v2 =	vadd.f32 v4, v3  }
0x226: {  	v41 =	vld [tilespmem:s29+$0xFFFFFF50]  }
0x227: {  	v0 =	vadd.f32 v0, v1;
	v35 =	vld [tilespmem:s1+$0xFFFFFF60];
	[tilespmem:s30+$0xFFFFFFE0] =	vst v2  }
0x228: {  	v42 =	vld [tilespmem:s29+$0xFFFFFF60]  }
0x229: {  	v36 =	vld [tilespmem:s1+$0xFFFFFF70];
	[tilespmem:s30+$0xFFFFFFF0] =	vst v0  }
0x22a: {  	v0 =	vld.idx.msk [tilespmem:v7+s14+$0x0], $0xffff  }
0x22b: {  	v1 =	vld.idx.msk [tilespmem:v8+s15+$0x0], $0xffff  }
0x22c: {  	v46 =	vld [tilespmem:s29+$0xFFFFFF70]  }
0x22d: {  	v45 =	vld [tilespmem:s1+$0xFFFFFF80]  }
0x22e: {  	v39 =	vld [tilespmem:s29+$0xFFFFFF80]  }
0x22f: {  	v40 =	vld [tilespmem:s1+$0xFFFFFF90]  }
0x230: {  	v31 =	vld [tilespmem:s29+$0xFFFFFF90]  }
0x231: {  	v0 =	vadd.f32 v1, v0;
	v32 =	vld [tilespmem:s1+$0xFFFFFFA0]  }
0x232: {  	s30 =	sadd.s32 $0x190, s30;
	v27 =	vld [tilespmem:s29+$0xFFFFFFA0]  }
0x233: {  	v33 =	vld [tilespmem:s1+$0xFFFFFFB0];
	[tilespmem:s30+$0xFFFFD8F0] =	vst v0  }
0x234: {  	v0 =	vld.idx.msk [tilespmem:v7+s23+$0x0], $0xffff  }
0x235: {  	v1 =	vld.idx.msk [tilespmem:v8+s24+$0x0], $0xffff  }
0x236: {  	v43 =	vld [tilespmem:s29+$0xFFFFFFB0]  }
0x237: {  	v44 =	vld [tilespmem:s1+$0xFFFFFFC0]  }
0x238: {  	v37 =	vld [tilespmem:s29+$0xFFFFFFC0]  }
0x239: {  	v38 =	vld [tilespmem:s1+$0xFFFFFFD0]  }
0x23a: {  	v28 =	vld [tilespmem:s29+$0xFFFFFFD0]  }
0x23b: {  	v0 =	vadd.f32 v1, v0;
	v29 =	vld [tilespmem:s1+$0xFFFFFFE0]  }
0x23c: {  	v25 =	vld [tilespmem:s29+$0xFFFFFFE0]  }
0x23d: {  	v26 =	vld [tilespmem:s1+$0xFFFFFFF0];
	[tilespmem:s30+$0x0] =	vst v0  }
0x23e: {  	v23 =	vld [tilespmem:s29+$0xFFFFFFF0]  }
0x23f: {  	v24 =	vld [tilespmem:s1+$0x0]  }
0x240: {  	v21 =	vld [tilespmem:s29+$0x0]  }
0x241: {  	v22 =	vld [tilespmem:s1+$0x10]  }
0x242: {  	v19 =	vld [tilespmem:s29+$0x10]  }
0x243: {  	v20 =	vld [tilespmem:s1+$0x20]  }
0x244: {  	v17 =	vld [tilespmem:s29+$0x20]  }
0x245: {  	v18 =	vld [tilespmem:s1+$0x30]  }
0x246: {  	v15 =	vld [tilespmem:s29+$0x30]  }
0x247: {  	v16 =	vld [tilespmem:s1+$0x40]  }
0x248: {  	v13 =	vld [tilespmem:s29+$0x40]  }
0x249: {  	v14 =	vld [tilespmem:s1+$0x50]  }
0x24a: {  	v11 =	vld [tilespmem:s29+$0x50]  }
0x24b: {  	v12 =	vld [tilespmem:s1+$0x60]  }
0x24c: {  	v9 =	vld [tilespmem:s29+$0x60]  }
0x24d: {  	v10 =	vld [tilespmem:s1+$0x70]  }
0x24e: {  	v7 =	vld [tilespmem:s29+$0x70]  }
0x24f: {  	v8 =	vld [tilespmem:s1+$0x80]  }
0x250: {  	v5 =	vld [tilespmem:s29+$0x80]  }
0x251: {  	v6 =	vld [tilespmem:s1+$0x90]  }
0x252: {  	v3 =	vld [tilespmem:s29+$0x90]  }
0x253: {  	v4 =	vld [tilespmem:s1+$0xA0]  }
0x254: {  	v1 =	vld [tilespmem:s29+$0xA0]  }
0x255: {  	v2 =	vld [tilespmem:s1+$0xB0]  }
0x256: {  	v0 =	vld [tilespmem:s29+$0xB0]  }
0x257: {  	v47 =	vld [tilespmem:s1+$0xFFFFFF40]  }
0x258: {  	v48 =	vld.idx.msk [tilespmem:v34+s15+$0x0], $0xffff  }
0x259: {  	v49 =	vld.idx.msk [tilespmem:v30+s14+$0x0], $0xffff  }
0x25a: {  	v50 =	vld.idx.msk [tilespmem:v41+s15+$0x0], $0xffff  }
0x25b: {  	v51 =	vld.idx.msk [tilespmem:v35+s14+$0x0], $0xffff  }
0x25c: {  	v52 =	vld.idx.msk [tilespmem:v42+s15+$0x0], $0xffff  }
0x25d: {  	v53 =	vld.idx.msk [tilespmem:v36+s14+$0x0], $0xffff  }
0x25e: {  	v54 =	vld.idx.msk [tilespmem:v46+s15+$0x0], $0xffff  }
0x25f: {  	v55 =	vld.idx.msk [tilespmem:v47+s14+$0x0], $0xffff  }
0x260: {  	v49 =	vadd.f32 v50, v49;
	v50 =	vld.idx.msk [tilespmem:v45+s14+$0x0], $0xffff  }
0x261: {  	v56 =	vld.idx.msk [tilespmem:v39+s15+$0x0], $0xffff  }
0x262: {  	[tilespmem:s30+$0xFFFFD780] =	vst v49;
	v49 =	vadd.f32 v52, v51;
	v51 =	vld.idx.msk [tilespmem:v40+s14+$0x0], $0xffff  }
0x263: {  	v52 =	vld.idx.msk [tilespmem:v31+s15+$0x0], $0xffff  }
0x264: {  	[tilespmem:s30+$0xFFFFD790] =	vst v49;
	v49 =	vadd.f32 v54, v53;
	v53 =	vld.idx.msk [tilespmem:v32+s14+$0x0], $0xffff  }
0x265: {  	v48 =	vadd.f32 v48, v55;
	v54 =	vld.idx.msk [tilespmem:v27+s15+$0x0], $0xffff  }
0x266: {  	[tilespmem:s30+$0xFFFFD7A0] =	vst v49;
	v49 =	vld.idx.msk [tilespmem:v33+s14+$0x0], $0xffff  }
0x267: {  	[tilespmem:s30+$0xFFFFD770] =	vst v48;
	v48 =	vadd.f32 v56, v50;
	v50 =	vld.idx.msk [tilespmem:v43+s15+$0x0], $0xffff  }
0x268: {  	v55 =	vld.idx.msk [tilespmem:v44+s14+$0x0], $0xffff  }
0x269: {  	[tilespmem:s30+$0xFFFFD7B0] =	vst v48;
	v48 =	vadd.f32 v52, v51;
	v51 =	vld.idx.msk [tilespmem:v37+s15+$0x0], $0xffff  }
0x26a: {  	v52 =	vld.idx.msk [tilespmem:v38+s14+$0x0], $0xffff  }
0x26b: {  	[tilespmem:s30+$0xFFFFD7C0] =	vst v48;
	v48 =	vadd.f32 v54, v53;
	v53 =	vld.idx.msk [tilespmem:v28+s15+$0x0], $0xffff  }
0x26c: {  	v54 =	vld.idx.msk [tilespmem:v29+s14+$0x0], $0xffff  }
0x26d: {  	[tilespmem:s30+$0xFFFFD7D0] =	vst v48;
	v48 =	vadd.f32 v50, v49;
	v49 =	vld.idx.msk [tilespmem:v25+s15+$0x0], $0xffff  }
0x26e: {  	v50 =	vld.idx.msk [tilespmem:v26+s14+$0x0], $0xffff  }
0x26f: {  	[tilespmem:s30+$0xFFFFD7E0] =	vst v48;
	v48 =	vadd.f32 v51, v55;
	v51 =	vld.idx.msk [tilespmem:v23+s15+$0x0], $0xffff  }
0x270: {  	v55 =	vld.idx.msk [tilespmem:v24+s14+$0x0], $0xffff  }
0x271: {  	[tilespmem:s30+$0xFFFFD7F0] =	vst v48;
	v48 =	vadd.f32 v53, v52;
	v52 =	vld.idx.msk [tilespmem:v21+s15+$0x0], $0xffff  }
0x272: {  	v53 =	vld.idx.msk [tilespmem:v22+s14+$0x0], $0xffff  }
0x273: {  	[tilespmem:s30+$0xFFFFD800] =	vst v48;
	v48 =	vadd.f32 v49, v54;
	v49 =	vld.idx.msk [tilespmem:v19+s15+$0x0], $0xffff  }
0x274: {  	v54 =	vld.idx.msk [tilespmem:v20+s14+$0x0], $0xffff  }
0x275: {  	[tilespmem:s30+$0xFFFFD810] =	vst v48;
	v48 =	vadd.f32 v51, v50;
	v50 =	vld.idx.msk [tilespmem:v17+s15+$0x0], $0xffff  }
0x276: {  	v51 =	vld.idx.msk [tilespmem:v18+s14+$0x0], $0xffff  }
0x277: {  	[tilespmem:s30+$0xFFFFD820] =	vst v48;
	v48 =	vadd.f32 v52, v55;
	v52 =	vld.idx.msk [tilespmem:v15+s15+$0x0], $0xffff  }
0x278: {  	v55 =	vld.idx.msk [tilespmem:v16+s14+$0x0], $0xffff  }
0x279: {  	[tilespmem:s30+$0xFFFFD830] =	vst v48;
	v48 =	vadd.f32 v49, v53;
	v49 =	vld.idx.msk [tilespmem:v13+s15+$0x0], $0xffff  }
0x27a: {  	v53 =	vld.idx.msk [tilespmem:v14+s14+$0x0], $0xffff  }
0x27b: {  	[tilespmem:s30+$0xFFFFD840] =	vst v48;
	v48 =	vadd.f32 v50, v54;
	v50 =	vld.idx.msk [tilespmem:v11+s15+$0x0], $0xffff  }
0x27c: {  	v54 =	vld.idx.msk [tilespmem:v12+s14+$0x0], $0xffff  }
0x27d: {  	[tilespmem:s30+$0xFFFFD850] =	vst v48;
	v48 =	vadd.f32 v52, v51;
	v51 =	vld.idx.msk [tilespmem:v9+s15+$0x0], $0xffff  }
0x27e: {  	v52 =	vld.idx.msk [tilespmem:v10+s14+$0x0], $0xffff  }
0x27f: {  	[tilespmem:s30+$0xFFFFD860] =	vst v48;
	v48 =	vadd.f32 v49, v55;
	v49 =	vld.idx.msk [tilespmem:v7+s15+$0x0], $0xffff  }
0x280: {  	v55 =	vld.idx.msk [tilespmem:v8+s14+$0x0], $0xffff  }
0x281: {  	[tilespmem:s30+$0xFFFFD870] =	vst v48;
	v48 =	vadd.f32 v50, v53;
	v50 =	vld.idx.msk [tilespmem:v5+s15+$0x0], $0xffff  }
0x282: {  	v53 =	vld.idx.msk [tilespmem:v6+s14+$0x0], $0xffff  }
0x283: {  	[tilespmem:s30+$0xFFFFD880] =	vst v48;
	v48 =	vadd.f32 v51, v54;
	v51 =	vld.idx.msk [tilespmem:v3+s15+$0x0], $0xffff  }
0x284: {  	v54 =	vld.idx.msk [tilespmem:v4+s14+$0x0], $0xffff  }
0x285: {  	[tilespmem:s30+$0xFFFFD890] =	vst v48;
	v48 =	vadd.f32 v49, v52;
	v49 =	vld.idx.msk [tilespmem:v1+s15+$0x0], $0xffff  }
0x286: {  	v52 =	vld.idx.msk [tilespmem:v2+s14+$0x0], $0xffff  }
0x287: {  	[tilespmem:s30+$0xFFFFD8A0] =	vst v48;
	v48 =	vadd.f32 v50, v55;
	v50 =	vld.idx.msk [tilespmem:v0+s15+$0x0], $0xffff  }
0x288: {  	v47 =	vld.idx.msk [tilespmem:v47+s23+$0x0], $0xffff  }
0x289: {  	v34 =	vld.idx.msk [tilespmem:v34+s24+$0x0], $0xffff;
	[tilespmem:s30+$0xFFFFD8B0] =	vst v48;
	v48 =	vadd.f32 v51, v53  }
0x28a: {  	v30 =	vld.idx.msk [tilespmem:v30+s23+$0x0], $0xffff  }
0x28b: {  	v41 =	vld.idx.msk [tilespmem:v41+s24+$0x0], $0xffff;
	[tilespmem:s30+$0xFFFFD8C0] =	vst v48;
	v48 =	vadd.f32 v49, v54  }
0x28c: {  	v35 =	vld.idx.msk [tilespmem:v35+s23+$0x0], $0xffff  }
0x28d: {  	v42 =	vld.idx.msk [tilespmem:v42+s24+$0x0], $0xffff;
	[tilespmem:s30+$0xFFFFD8D0] =	vst v48;
	v48 =	vadd.f32 v50, v52  }
0x28e: {  	v36 =	vld.idx.msk [tilespmem:v36+s23+$0x0], $0xffff  }
0x28f: {  	v34 =	vadd.f32 v34, v47;
	v46 =	vld.idx.msk [tilespmem:v46+s24+$0x0], $0xffff;
	[tilespmem:s30+$0xFFFFD8E0] =	vst v48  }
0x290: {  	v45 =	vld.idx.msk [tilespmem:v45+s23+$0x0], $0xffff  }
0x291: {  	v30 =	vadd.f32 v41, v30;
	[tilespmem:s30+$0xFFFFFE80] =	vst v34;
	v34 =	vld.idx.msk [tilespmem:v39+s24+$0x0], $0xffff  }
0x292: {  	v39 =	vld.idx.msk [tilespmem:v40+s23+$0x0], $0xffff  }
0x293: {  	[tilespmem:s30+$0xFFFFFE90] =	vst v30;
	v30 =	vadd.f32 v42, v35;
	v31 =	vld.idx.msk [tilespmem:v31+s24+$0x0], $0xffff  }
0x294: {  	v32 =	vld.idx.msk [tilespmem:v32+s23+$0x0], $0xffff  }
0x295: {  	[tilespmem:s30+$0xFFFFFEA0] =	vst v30;
	v30 =	vadd.f32 v46, v36;
	v27 =	vld.idx.msk [tilespmem:v27+s24+$0x0], $0xffff  }
0x296: {  	v33 =	vld.idx.msk [tilespmem:v33+s23+$0x0], $0xffff  }
0x297: {  	[tilespmem:s30+$0xFFFFFEB0] =	vst v30;
	v30 =	vadd.f32 v34, v45;
	v34 =	vld.idx.msk [tilespmem:v43+s24+$0x0], $0xffff  }
0x298: {  	v35 =	vld.idx.msk [tilespmem:v44+s23+$0x0], $0xffff  }
0x299: {  	[tilespmem:s30+$0xFFFFFEC0] =	vst v30;
	v30 =	vadd.f32 v31, v39;
	v31 =	vld.idx.msk [tilespmem:v37+s24+$0x0], $0xffff  }
0x29a: {  	v36 =	vld.idx.msk [tilespmem:v38+s23+$0x0], $0xffff  }
0x29b: {  	v27 =	vadd.f32 v27, v32;
	[tilespmem:s30+$0xFFFFFED0] =	vst v30;
	v28 =	vld.idx.msk [tilespmem:v28+s24+$0x0], $0xffff  }
0x29c: {  	v29 =	vld.idx.msk [tilespmem:v29+s23+$0x0], $0xffff  }
0x29d: {  	[tilespmem:s30+$0xFFFFFEE0] =	vst v27;
	v27 =	vadd.f32 v34, v33;
	v25 =	vld.idx.msk [tilespmem:v25+s24+$0x0], $0xffff  }
0x29e: {  	v26 =	vld.idx.msk [tilespmem:v26+s23+$0x0], $0xffff  }
0x29f: {  	[tilespmem:s30+$0xFFFFFEF0] =	vst v27;
	v27 =	vadd.f32 v31, v35;
	v23 =	vld.idx.msk [tilespmem:v23+s24+$0x0], $0xffff  }
0x2a0: {  	v24 =	vld.idx.msk [tilespmem:v24+s23+$0x0], $0xffff  }
0x2a1: {  	[tilespmem:s30+$0xFFFFFF00] =	vst v27;
	v27 =	vadd.f32 v28, v36;
	v21 =	vld.idx.msk [tilespmem:v21+s24+$0x0], $0xffff  }
0x2a2: {  	v22 =	vld.idx.msk [tilespmem:v22+s23+$0x0], $0xffff  }
0x2a3: {  	v25 =	vadd.f32 v25, v29;
	[tilespmem:s30+$0xFFFFFF10] =	vst v27;
	v19 =	vld.idx.msk [tilespmem:v19+s24+$0x0], $0xffff  }
0x2a4: {  	v20 =	vld.idx.msk [tilespmem:v20+s23+$0x0], $0xffff  }
0x2a5: {  	v23 =	vadd.f32 v23, v26;
	[tilespmem:s30+$0xFFFFFF20] =	vst v25;
	v17 =	vld.idx.msk [tilespmem:v17+s24+$0x0], $0xffff  }
0x2a6: {  	v18 =	vld.idx.msk [tilespmem:v18+s23+$0x0], $0xffff  }
0x2a7: {  	v21 =	vadd.f32 v21, v24;
	[tilespmem:s30+$0xFFFFFF30] =	vst v23;
	v15 =	vld.idx.msk [tilespmem:v15+s24+$0x0], $0xffff  }
0x2a8: {  	v16 =	vld.idx.msk [tilespmem:v16+s23+$0x0], $0xffff  }
0x2a9: {  	v19 =	vadd.f32 v19, v22;
	[tilespmem:s30+$0xFFFFFF40] =	vst v21;
	v13 =	vld.idx.msk [tilespmem:v13+s24+$0x0], $0xffff  }
0x2aa: {  	v14 =	vld.idx.msk [tilespmem:v14+s23+$0x0], $0xffff  }
0x2ab: {  	v17 =	vadd.f32 v17, v20;
	[tilespmem:s30+$0xFFFFFF50] =	vst v19;
	v11 =	vld.idx.msk [tilespmem:v11+s24+$0x0], $0xffff  }
0x2ac: {  	v12 =	vld.idx.msk [tilespmem:v12+s23+$0x0], $0xffff  }
0x2ad: {  	v15 =	vadd.f32 v15, v18;
	[tilespmem:s30+$0xFFFFFF60] =	vst v17;
	v9 =	vld.idx.msk [tilespmem:v9+s24+$0x0], $0xffff  }
0x2ae: {  	v10 =	vld.idx.msk [tilespmem:v10+s23+$0x0], $0xffff  }
0x2af: {  	v13 =	vadd.f32 v13, v16;
	[tilespmem:s30+$0xFFFFFF70] =	vst v15;
	v7 =	vld.idx.msk [tilespmem:v7+s24+$0x0], $0xffff  }
0x2b0: {  	v8 =	vld.idx.msk [tilespmem:v8+s23+$0x0], $0xffff  }
0x2b1: {  	v11 =	vadd.f32 v11, v14;
	[tilespmem:s30+$0xFFFFFF80] =	vst v13;
	v13 =	vld.idx.msk [tilespmem:v5+s24+$0x0], $0xffff  }
0x2b2: {  	v5 =	vld.idx.msk [tilespmem:v6+s23+$0x0], $0xffff  }
.Ltmp1:
0x2b3: {  	v9 =	vadd.f32 v9, v12;
	[tilespmem:s30+$0xFFFFFF90] =	vst v11;
	v6 =	vld.idx.msk [tilespmem:v3+s24+$0x0], $0xffff;
	(pc) =	sbr.rel @p0 .LBB2_5-.Ltmp1, $4  }
0x2b4: {  	v3 =	vld.idx.msk [tilespmem:v4+s23+$0x0], $0xffff  }
0x2b5: {  	v7 =	vadd.f32 v7, v10;
	[tilespmem:s30+$0xFFFFFFA0] =	vst v9;
	v4 =	vld.idx.msk [tilespmem:v1+s24+$0x0], $0xffff  }
0x2b6: {  	v1 =	vld.idx.msk [tilespmem:v2+s23+$0x0], $0xffff  }
0x2b7: {  	s1 =	sadd.s32 $0x190, s1;
	v2 =	vadd.f32 v13, v8;
	[tilespmem:s30+$0xFFFFFFB0] =	vst v7;
	v0 =	vld.idx.msk [tilespmem:v0+s24+$0x0], $0xffff  }
0x2b8: {  	_ = 	snop  }
0x2b9: {  	s26 =	sadd.s32 $0x1, s26  }
0x2ba: {  	v5 =	vadd.f32 v6, v5;
	s1 =	smul.u32 $0x9C400, s28;
	p0 =	sne.s32 s26, $0x8  }
.Ltmp2:
0x2bb: {  	[tilespmem:s30+$0xFFFFFFC0] =	vst v2;
	v63 =	vadd.f32 v4, v3;
	(pc) =	sbr.rel @p0 .LBB2_2-.Ltmp2, $4  }
0x2bc: {  	[tilespmem:s30+$0xFFFFFFD0] =	vst v5;
	s1 =	sadd.s32 s4, s1;
	v0 =	vadd.f32 v0, v1  }
0x2bd: {  	s1 =	sshrl.u32 s1, $0x3;
	[tilespmem:s30+$0xFFFFFFE0] =	vst v63  }
0x2be: {  	s1 =	sadd.s32 s6, s1;
	[tilespmem:s30+$0xFFFFFFF0] =	vst v0  }
0x2bf: {  	[hbm4b:s1+s11] =	stream.strided.scatter [tilespmem:s20], [sflag:$0x3], $0x4E20, s19, s11, $0x38;
	[tilespmem:$0x1DC40] =	vst v63  }
0x2c0: {  	s25 =	sadd.s32 $0x1, s25  }
0x2c1: {  	p0 =	sne.s32 s25, s9  }
.Ltmp3:
0x2c2: {  	_ = 	snop;
	(pc) =	sbr.rel @p0 .LBB2_1-.Ltmp3, $4  }
0x2c3: {  	_ = 	snop  }
0x2c4: {  	_ =	swait.ge [sflag:s22], $0x4E20  }
0x2c5: {  	[sflag:s22] =	ssyncset.done $0x0  }
0x2c6: {  	[sflag:s22] =	ssyncadd.s32 $0xFFFFB1E0  }
0x2c7: {  	_ =	sfence.sel $0x180000  }
0x2c8: {  	[bflag:$0x0] =	sbarrier.arrive $0xFFFF  }
0x2c9: {  	_ =	strace $0x9000004D  }
0x2ca: {  	[bflag:$0x2] =	sbarrier.arrive $0xFFFF  }
0x2cb: {  	p0 =	sne.s32 s0, $0x0;
	s0 =	rddreg [dreg:$0x2]  }
0x2cc: {  	s0 =	sadd.s32 @!p0 $0x100000, s0  }
0x2cd: {  	[sflag:s0] =	ssyncadd.tile.s32 @!p0 $0x1;
	_ =	shalt  }
.Lfunc_end2:
_tile_overlayer_lowered:
.L_overlay_start_2:
0x2ce: {  	(tag) =	ssettag $0x2  }
0x2cf: {  	s0 =	rddreg [dreg:$0x0];
	s2 =	stileid.u32  }
0x2d0: {  	s1 =	rddreg [dreg:$0x1];
	p0 =	sne.s32 s2, $0x0  }
0x2d1: {  	s3 =	rddreg [dreg:$0x2];
	[bflag:$0x3] =	sbarrier.arrive $0xFFFF;
	s2 =	simm.s32 @!p0 $0x1C04  }
0x2d2: {  	[timem:s3], [sflag:s2] =	dma.local @!p0 [hbm:s0], s1  }
0x2d3: {  	s0 =	simm.s32 @!p0 $0x4  }
0x2d4: {  	_ =	swait.ge @!p0 [sflag:s0], s1  }
0x2d5: {  	s1 =	ssub.s32 @!p0 $0x0, s1;
	[sflag:s0] =	ssyncset.done @!p0 $0x0  }
0x2d6: {  	[sflag:s0] =	ssyncadd.s32 @!p0 s1  }
0x2d7: {  	[bflag:$0x3] =	sbarrier.arrive $0xFFFF  }
0x2d8: {  	_ =	shalt  }

// kernel: kernel.9.cloned.1.call-start
scs
__scs_entry_jumppad:
0x0: {  	(pc) =	sbr.rel $0x88, $3  }
0x1: {  	(tag) =	ssettag $0x0;
	lr =	simm.s32 $0x1  }
0x2: {  	[smem:$0x3F97] =	sst lr;
	_ =	strace $0xD0000000  }
0x3: {  	_ = 	snop  }
0x4: {  	_ = 	snop  }
0x5: {  	_ = 	snop  }
0x6: {  	_ = 	snop  }
0x7: {  	_ = 	snop  }
__scs_overlays_trampoline_lowered:
0x8: {  	[smem:$0x3FA6] =	sst s0  }
0x9: {  	[smem:$0x3FA7] =	sst s1  }
0xa: {  	[smem:$0x3FA8] =	sst s2  }
0xb: {  	[smem:$0x3FA9] =	sst s3  }
0xc: {  	[smem:$0x3FAA] =	sst s4  }
0xd: {  	[smem:$0x3FAB] =	sst s5  }
0xe: {  	[smem:$0x3FAC] =	sst s6  }
0xf: {  	[smem:$0x3FAD] =	sst s7  }
0x10: {  	[smem:$0x3FAE] =	sst s8  }
0x11: {  	[smem:$0x3FAF] =	sst s9;
	s0 =	simm.s32 @!p0 $0x0  }
0x12: {  	s1 =	sld [smem:$0x3F95];
	s0 =	simm.s32 @p0 $0x1  }
0x13: {  	[smem:$0x3FB0] =	sst s0;
	s0 =	simm.s32 @!p1 $0x0  }
0x14: {  	s2 =	sld [smem:$0x3F94];
	s0 =	simm.s32 @p1 $0x1  }
0x15: {  	[smem:$0x3FB1] =	sst s0;
	s0 =	simm.s32 @!p2 $0x0  }
0x16: {  	s3 =	sld [smem:$0x3FDB];
	s0 =	simm.s32 @p2 $0x1  }
0x17: {  	s4 =	simm.s32 $0x1BF5;
	[smem:$0x3FB3] =	sst s0  }
0x18: {  	s0 =	sld [smem:$0x3F96];
	_ =	swait.ge [sflag:s4], $0x0  }
0x19: {  	s7 =	sld [smem:$0x3F97]  }
0x1a: {  	s8 =	sadd.s32 $0xFFFFE003, lr  }
0x1b: {  	s9 =	sadd.s32 $0xFFFFFEF7, lr;
	s5 =	simm.s32 $0xFFFFFFFF;
	p2 =	slt.u32 s8, $0xFFFFF086  }
0x1c: {  	p1 =	slt.u32 s9, $0xF7A;
	s5 =	simm.s32 @!p2 $0x0  }
0x1d: {  	s5 =	simm.s32 @p1 $0x1;
	p0 =	seq.s32 s7, s2  }
0x1e: {  	s7 =	smul.u32 @!p0 $0xF7A, s2;
	p2 =	seq.s32 @!p0 s5, $0x0  }
0x1f: {  	s9 =	smul.u32 $0xF7A, s1;
	s8 =	simm.s32 @!p0 $0x1BF5;
	p2 =	por !p2, p0  }
0x20: {  	[sflag:s8] =	ssyncset.s32 @!p0 $0xFFFFF086;
	s6 =	sadd.s32 @!p0 s3, s7;
	s7 =	simm.s32 @!p0 $0x108  }
0x21: {  	s3 =	sadd.s32 s3, s9;
	s6 =	sadd.s32 @!p0 $0x88, s6;
	s7 =	simm.s32 @p2 $0x1082  }
0x22: {  	[simem:s7], [sflag:s8] =	dma.local @!p0 [hbm:s6], $0xF7A  }
0x23: {  	s9 =	sor.u32 $0xD0000000, s2;
	s6 =	simm.s32 $0x108;
	_ =	swait.ge @!p0 [sflag:s8], $0x0  }
0x24: {  	s3 =	sadd.s32 $0x88, s3;
	s6 =	simm.s32 @!p1 $0x1082;
	[sflag:s4] =	ssyncset.s32 $0xFFFFF086  }
0x25: {  	[simem:s6], [sflag:s4] =	dma.local [hbm:s3], $0xF7A  }
0x26: {  	[smem:$0x3F97] =	sst s1;
	(tag) =	ssettag s2;
	_ =	strace s9  }
0x27: {  	s1 =	sld [smem:$0x3FA7]  }
0x28: {  	s2 =	sld [smem:$0x3FA8]  }
0x29: {  	s4 =	sld [smem:$0x3FAA]  }
0x2a: {  	p0 =	seq.s32 s5, $0x0;
	s5 =	sld [smem:$0x3FAB]  }
0x2b: {  	s6 =	sld [smem:$0x3FAC]  }
0x2c: {  	s7 =	sld [smem:$0x3FAD]  }
0x2d: {  	s3 =	simm.s32 $0x108;
	s8 =	sld [smem:$0x3FAE]  }
0x2e: {  	s3 =	simm.s32 @!p0 $0x1082;
	s9 =	sld [smem:$0x3FAF]  }
0x2f: {  	lr =	sadd.s32 s0, s3;
	s0 =	sld [smem:$0x3FA6]  }
0x30: {  	s3 =	sld [smem:$0x3FA9]  }
0x31: {  	[smem:$0x3FB2] =	sst s10  }
0x32: {  	s10 =	sld [smem:$0x3FB0];
	_ =	sdelay $0x3  }
0x33: {  	p0 =	seq.s32 s10, $0x1;
	s10 =	sld [smem:$0x3FB2];
	_ =	sdelay $0x3  }
0x34: {  	[smem:$0x3FB2] =	sst s10  }
0x35: {  	s10 =	sld [smem:$0x3FB1];
	_ =	sdelay $0x3  }
0x36: {  	p1 =	seq.s32 s10, $0x1;
	s10 =	sld [smem:$0x3FB2];
	_ =	sdelay $0x3  }
0x37: {  	[smem:$0x3FB2] =	sst s10  }
0x38: {  	s10 =	sld [smem:$0x3FB3]  }
0x39: {  	_ = 	snop;
	(pc) =	sbr.ind lr, $3  }
0x3a: {  	_ = 	snop  }
0x3b: {  	_ = 	snop  }
0x3c: {  	p2 =	seq.s32 s10, $0x1;
	s10 =	sld [smem:$0x3FB2]  }
0x3d: {  	_ =	shalt  }
0x3e: {  	_ =	shalt  }
0x3f: {  	_ =	shalt  }
0x40: {  	_ =	shalt  }
0x41: {  	_ =	shalt  }
0x42: {  	_ =	shalt  }
0x43: {  	_ =	shalt  }
0x44: {  	_ =	shalt  }
0x45: {  	_ =	shalt  }
0x46: {  	_ =	shalt  }
0x47: {  	_ =	shalt  }
0x48: {  	_ =	shalt  }
0x49: {  	_ =	shalt  }
0x4a: {  	_ =	shalt  }
0x4b: {  	_ =	shalt  }
0x4c: {  	_ =	shalt  }
0x4d: {  	_ =	shalt  }
0x4e: {  	_ =	shalt  }
0x4f: {  	_ =	shalt  }
0x50: {  	_ =	shalt  }
0x51: {  	_ =	shalt  }
0x52: {  	_ =	shalt  }
0x53: {  	_ =	shalt  }
0x54: {  	_ =	shalt  }
0x55: {  	_ =	shalt  }
0x56: {  	_ =	shalt  }
0x57: {  	_ =	shalt  }
0x58: {  	_ =	shalt  }
0x59: {  	_ =	shalt  }
0x5a: {  	_ =	shalt  }
0x5b: {  	_ =	shalt  }
0x5c: {  	_ =	shalt  }
0x5d: {  	_ =	shalt  }
0x5e: {  	_ =	shalt  }
0x5f: {  	_ =	shalt  }
0x60: {  	_ =	shalt  }
0x61: {  	_ =	shalt  }
0x62: {  	_ =	shalt  }
0x63: {  	_ =	shalt  }
0x64: {  	_ =	shalt  }
0x65: {  	_ =	shalt  }
0x66: {  	_ =	shalt  }
0x67: {  	_ =	shalt  }
0x68: {  	_ =	shalt  }
0x69: {  	_ =	shalt  }
0x6a: {  	_ =	shalt  }
0x6b: {  	_ =	shalt  }
0x6c: {  	_ =	shalt  }
0x6d: {  	_ =	shalt  }
0x6e: {  	_ =	shalt  }
0x6f: {  	_ =	shalt  }
0x70: {  	_ =	shalt  }
0x71: {  	_ =	shalt  }
0x72: {  	_ =	shalt  }
0x73: {  	_ =	shalt  }
0x74: {  	_ =	shalt  }
0x75: {  	_ =	shalt  }
0x76: {  	_ =	shalt  }
0x77: {  	_ =	shalt  }
0x78: {  	_ =	shalt  }
0x79: {  	_ =	shalt  }
0x7a: {  	_ =	shalt  }
0x7b: {  	_ =	shalt  }
0x7c: {  	_ =	shalt  }
0x7d: {  	_ =	shalt  }
0x7e: {  	_ =	shalt  }
0x7f: {  	_ =	shalt  }
0x80: {  	_ =	shalt  }
0x81: {  	_ =	shalt  }
0x82: {  	_ =	shalt  }
0x83: {  	_ =	shalt  }
0x84: {  	_ =	shalt  }
0x85: {  	_ =	shalt  }
0x86: {  	_ =	shalt  }
0x87: {  	_ =	shalt  }
.Lfunc_end0:
.L_simem_size_0:
called_computation_lowered:
.L_overlay_start_0:
0x88: {  	s2 =	sld [smem:$0x3FD9]  }
0x89: {  	s3 =	sld [smem:$0x3FFE];
	_ =	sdelay $0x1  }
0x8a: {  	s1 =	srdreg.scid  }
0x8b: {  	s0 =	sand.u32 $0x1, s1  }
0x8c: {  	s17 =	sshll.u32 s0, $0xA;
	s2 =	sadd.s32 s3, s2  }
0x8d: {  	s2 =	sadd.s32 s2, s17  }
0x8e: {  	[smem:$0x3FBE] =	sst s2  }
0x8f: {  	_ = 	snop  }
0x90: {  	s2 =	sld [smem:$0x3FC9]  }
0x91: {  	s18 =	sld [smem:$0x3FD0];
	(tm) =	ssettm $0x1  }
0x92: {  	s4 =	sld [smem:$0x3FFB];
	_ =	sdelay $0x3  }
0x93: {  	_ =	strace s4  }
0x94: {  	s4 =	sld [smem:$0x3FFC];
	_ =	sdelay $0x3  }
0x95: {  	_ =	strace s4  }
0x96: {  	s4 =	sld [smem:$0x3FFD];
	_ =	sdelay $0x3  }
0x97: {  	_ =	strace s4  }
0x98: {  	_ =	strace $0x8FFFFFFF  }
0x99: {  	s19 =	sld [smem:$0x3FDB];
	_ =	sdelay $0x1  }
0x9a: {  	s5 =	simm.s32 $_scs_section_size  }
0x9b: {  	s6 =	simm.s32 $_size__tile_overlayer_lowered;
	s7 =	simm.s32 $_tile_overlayer_lowered  }
0x9c: {  	s22 =	simm.s32 $0x1BFF;
	s21 =	sshll.u32 s7, $0x1;
	s4 =	sadd.s32 s5, s19  }
0x9d: {  	s8 =	simm.s32 $0x0;
	s20 =	sshll.u32 s6, $0x1;
	s6 =	sadd.s32 s21, s4  }
0x9e: {  	[timem:s8], [sflag:s22] =	dma.local [hbm:s6], s20  }
0x9f: {  	_ =	swait.ge [sflag:s22], s20  }
0xa0: {  	s5 =	ssub.s32 $0x0, s20;
	[sflag:s22] =	ssyncset.done $0x0  }
0xa1: {  	[sflag:s22] =	ssyncadd.s32 s5;
	_ =	sdelay $0x1  }
0xa2: {  	s23 =	simm.s32 $0x1B8B  }
0xa3: {  	_ =	swait.ge [sflag:s23], $0x1  }
0xa4: {  	[sflag:s23] =	ssyncset.done $0x0  }
0xa5: {  	s25 =	simm.s32 $0x1B8E;
	s24 =	sld [smem:$0x3FFE];
	[sflag:s23] =	ssyncadd.s32 $0xFFFFFFFF  }
0xa6: {  	s26 =	simm.s32 $execute0_lowered;
	[smem:$0x3FD2] =	sst s25  }
0xa7: {  	s6 =	sshll.u32 s26, $0x1;
	_ =	strace $0x80000046;
	[dreg:$0x1] =	wrdreg $0xFFFFFFFF  }
0xa8: {  	s28 =	simm.s32 $_size_execute0_lowered;
	s4 =	sadd.s32 s4, s6;
	[dreg:$0x0] =	wrdreg $0x0  }
0xa9: {  	s6 =	sshll.u32 s28, $0x1;
	[dreg:$0x2] =	wrdreg s4  }
0xaa: {  	[dreg:$0x3] =	wrdreg s6  }
0xab: {  	[dreg:$0x4] =	wrdreg $0xC0  }
0xac: {  	_ =	task [dreg:s8], $0x5FFFF  }
0xad: {  	[dreg:$0x1] =	wrdreg $0xFFFFFFFF  }
0xae: {  	[dreg:$0x0] =	wrdreg $0x60  }
0xaf: {  	[dreg:$0x2] =	wrdreg s2  }
0xb0: {  	[dreg:$0x3] =	wrdreg s24  }
0xb1: {  	[dreg:$0x4] =	wrdreg s18  }
0xb2: {  	[dreg:$0x5] =	wrdreg $0xB2200  }
0xb3: {  	[dreg:$0x6] =	wrdreg $0x1F2500  }
0xb4: {  	[dreg:$0x7] =	wrdreg $0x9  }
0xb5: {  	_ =	task.clear_ibuf [dreg:s8], $0x8FFFF;
	_ =	strace $0x90000046  }
0xb6: {  	s29 =	simm.s32 $0x9;
	_ =	strace $0x80000048  }
0xb7: {  	_ =	swait.ge [sflag:s29], $0x1  }
0xb8: {  	[sflag:s29] =	ssyncadd.s32 $0xFFFFFFFF  }
0xb9: {  	_ =	strace $0x90000048  }
0xba: {  	_ =	sfence  }
0xbb: {  	s30 =	sld [smem:$0x0];
	_ =	sdelay $0x2  }
0xbc: {  	s31 =	sshll.u32 s1, $0xD;
	s1 =	sshrl.u32 s1, $0x2  }
0xbd: {  	s3 =	sand.u32 $0x4000, s31;
	s1 =	sadd.s32 s1, s30  }
0xbe: {  	s0 =	sor.u32 s3, s0;
	s1 =	sshll.u32 s1, $0x11  }
0xbf: {  	s0 =	sor.u32 s1, s0  }
0xc0: {  	s0 =	sadd.s32 $0x8F2B, s0  }
0xc1: {  	[sflag:s0] =	ssyncadd.remote.s32 $0x1  }
0xc2: {  	_ =	sfence.sel $0xFFFF  }
0xc3: {  	[dreg:$0x0] =	wrdreg $0xFFFFFFFF;
	(pc) =	sbr.abs _section_cstart, $3  }
0xc4: {  	[dreg:$0x1] =	wrdreg $0xFFFFFFFF  }
0xc5: {  	_ =	task.clear_ibuf [dreg:s8], $0x2FFFF;
	_ =	strace $0x9FFFFFFF  }
0xc6: {  	(tm) =	ssettm $0x7FFFFFFF  }
0xc7: {  	_ =	shalt  }
tec
execute0_lowered:
.L_overlay_start_1:
0x0: {  	(tag) =	ssettag $0x1  }
0x1: {  	s1 =	rddreg [dreg:$0x0]  }
0x2: {  	s0 =	srdreg.scid;
	s2 =	rddreg [dreg:$0x1]  }
0x3: {  	s5 =	stileid.u32;
	s6 =	rddreg [dreg:$0x2];
	s10 =	simm.s32 $0x0  }
0x4: {  	s15 =	simm.s32 $0xC;
	s28 =	simm.s32 $0xB;
	s29 =	simm.s32 $0x1F220  }
0x5: {  	s30 =	simm.s32 $0x6;
	s31 =	simm.s32 $0x3;
	s8 =	smul.u32 $0x14000, s5  }
0x6: {  	s0 =	sand.u32 $0x1, s0;
	s9 =	smul.u32 $0x280, s5;
	[smem:$0x7FF] =	sst s10  }
0x7: {  	s20 =	sshll.u32 s5, $0x6;
	s3 =	sshll.u32 s0, $0x4;
	s16 =	smul.u32 $0x2800, s0  }
0x8: {  	s13 =	ssub.s32 $0x2, s0;
	s0 =	smul.u32 $0x140000, s0;
	s4 =	sor.u32 s5, s3  }
0x9: {  	s3 =	rddreg [dreg:$0x3];
	s11 =	sshrl.u32 s8, $0x3;
	s18 =	sshrl.u32 s9, $0x3  }
0xa: {  	s19 =	sshrl.u32 s13, $0x1;
	s7 =	smul.u32 $0x2710, s4;
	s4 =	rddreg [dreg:$0x4]  }
0xb: {  	_ =	strace $0x80000047;
	s17 =	sadd.s32 s11, s2;
	s10 =	sadd.s32 s9, s16  }
0xc: {  	s11 =	sadd.s32 s18, s2;
	s14 =	sadd.s32 s8, s3;
	s0 =	sadd.s32 s8, s0  }
0xd: {  	s18 =	simm.s32 $0x28;
	s10 =	sshrl.u32 s10, $0x3;
	s21 =	sadd.s32 $0x17200, s17  }
0xe: {  	s9 =	sadd.s32 s9, s4;
	s22 =	sadd.s32 $0x16C00, s11;
	s0 =	sshrl.u32 s0, $0x3  }
0xf: {  	s17 =	simm.s32 $0x8;
	s7 =	sshrl.u32 s7, $0x3;
	[dreg:$0x6] =	wrdreg s21  }
0x10: {  	[dreg:$0x7] =	wrdreg s22;
	s0 =	sadd.s32 s6, s0;
	s6 =	sshrl.u32 s14, $0x3  }
0x11: {  	s8 =	sshrl.u32 s9, $0x3;
	s22 =	simm.s32 $0x7620;
	s21 =	simm.s32 $0x5  }
0x12: {  	s9 =	simm.s32 $0x0;
	s12 =	sadd.s32 s7, s2;
	[dreg:$0xa] =	wrdreg s0  }
0x13: {  	s2 =	sadd.s32 s10, s2;
	s10 =	ssub.s32 s13, s19;
	[dreg:$0xd] =	wrdreg s6  }
0x14: {  	s7 =	sor.u32 $0x1C0C, s20;
	[dreg:$0xe] =	wrdreg s8;
	s23 =	sadd.s32 $0x3200, s12  }
0x15: {  	s19 =	simm.s32 $0x4E20;
	s24 =	sadd.s32 $0xCE40, s12;
	[dreg:$0x8] =	wrdreg s23  }
0x16: {  	s20 =	simm.s32 $0x6220;
	s25 =	sadd.s32 $0x3F200, s2;
	[dreg:$0x9] =	wrdreg s24  }
0x17: {  	s0 =	simm.s32 $0x4;
	s26 =	smax.u32 s10, $0x1;
	[dreg:$0xb] =	wrdreg s25  }
0x18: {  	s2 =	simm.s32 $0x7;
	[dreg:$0xc] =	wrdreg s26;
	s23 =	simm.s32 $0x8A20  }
0x19: {  	v0 =	vimm.f32 $1.000000000e+00;
	s24 =	simm.s32 $0x1;
	s25 =	simm.s32 $0x9E20;
	s26 =	simm.s32 $0x2  }
.LBB2_1:
0x1a: {  	s5 =	rddreg [dreg:$0x6]  }
0x1b: {  	[spmem:s6], [sflag:s7] =	dma.local [hbm:s5], $0x2800  }
0x1c: {  	_ =	swait.ge [sflag:s15], $0x2800  }
0x1d: {  	[sflag:s15] =	ssyncset.done $0x0  }
0x1e: {  	s13 =	rddreg [dreg:$0x7];
	[sflag:s15] =	ssyncadd.s32 $0xFFFFD800  }
0x1f: {  	[spmem:s8], [sflag:s7] =	dma.local [hbm:s13], $0x50  }
0x20: {  	_ =	swait.ge [sflag:s15], $0x50  }
0x21: {  	[sflag:s15] =	ssyncset.done $0x0  }
0x22: {  	[sflag:s15] =	ssyncadd.s32 $0xFFFFFFB0  }
0x23: {  	[tilespmem:$0x1F220] =	vst v0  }
0x24: {  	[tilespmem:$0x1F230] =	vst v0  }
0x25: {  	s14 =	simm.s32 $0x0;
	s16 =	rddreg [dreg:$0x8];
	[tilespmem:$0x1F240] =	vst v0  }
0x26: {  	[tilespmem:s14], [sflag:$0xC] =	stream.linear.gather [hbm4b:s16+s14], $0x2710, $0x38;
	[tilespmem:$0x1F4D0] =	vst v63  }
0x27: {  	_ =	swait.ge [sflag:s15], $0x2710  }
0x28: {  	[sflag:s15] =	ssyncset.done $0x0  }
0x29: {  	s10 =	simm.s32 $0x2710;
	s8 =	rddreg [dreg:$0x9];
	[sflag:s15] =	ssyncadd.s32 $0xFFFFD8F0  }
0x2a: {  	[tilespmem:s10], [sflag:$0xC] =	stream.linear.gather [hbm4b:s8+s14], $0x2710, $0x38;
	[tilespmem:$0x1F4D0] =	vst v63  }
0x2b: {  	_ =	swait.ge [sflag:s15], $0x2710  }
0x2c: {  	[sflag:s15] =	ssyncset.done $0x0  }
0x2d: {  	[sflag:s15] =	ssyncadd.s32 $0xFFFFD8F0  }
0x2e: {  	[bflag:$0x0] =	sbarrier.arrive $0xFFFF  }
0x2f: {  	[tilespmem:s19], [sflag:$0x1] =	stream.indirect.gather [hbm4b:s1+s18], $0x80, s14, s18, $0xb8;
	[tilespmem:$0x1F4D0] =	vst v63  }
0x30: {  	p0 =	por $0x1, $0x1  }
0x31: {  	[tilespmem:s20], [sflag:$0x2] =	stream.indirect.gather [hbm4b:s1+s18], $0x80, s18, s18, $0xb8;
	[tilespmem:$0x1F4D0] =	vst v63  }
0x32: {  	s11 =	simm.s32 $0x50;
	s10 =	simm.s32 @!p0 $0x9  }
0x33: {  	[tilespmem:s22], [sflag:$0x3] =	stream.indirect.gather [hbm4b:s1+s18], $0x80, s11, s18, $0xb8;
	[tilespmem:$0x1F4D0] =	vst v63  }
0x34: {  	_ =	swait.ge @!p0 [sflag:s10], $0x1400  }
0x35: {  	[sflag:s10] =	ssyncset.done @!p0 $0x0  }
0x36: {  	s11 =	simm.s32 $0x78;
	[sflag:s10] =	ssyncadd.s32 @!p0 $0xFFFFEC00  }
0x37: {  	[tilespmem:s23], [sflag:$0x4] =	stream.indirect.gather [hbm4b:s1+s18], $0x80, s11, s18, $0xb8;
	[tilespmem:$0x1F4D0] =	vst v63  }
0x38: {  	_ =	swait.ge [sflag:s24], $0x1400  }
0x39: {  	p0 =	por $0x0, $0x0;
	[sflag:s24] =	ssyncset.done $0x0  }
0x3a: {  	s10 =	simm.s32 $0x2710;
	s11 =	simm.s32 @p0 $0xB;
	[sflag:s24] =	ssyncadd.s32 $0xFFFFEC00  }
0x3b: {  	[spmem:s3] =	stream.indirect.scatter.add.f32 [tilespmem:s19], [sflag:$0x6], $0x80, s10, s18, $0xb8;
	[tilespmem:$0x1F4D0] =	vst v63  }
0x3c: {  	_ =	swait.ge @p0 [sflag:s11], $0x28  }
0x3d: {  	[sflag:s11] =	ssyncset.done @p0 $0x0  }
0x3e: {  	s12 =	simm.s32 @p0 $0x28;
	[sflag:s11] =	ssyncadd.s32 @p0 $0xFFFFFFD8;
	s11 =	simm.s32 @p0 $0x1F220  }
0x3f: {  	[spmem:s4] =	stream.indirect.scatter.add.f32 @p0 [tilespmem:s11], [sflag:$0xB], $0x1, s10, s12, $0xb8;
	[tilespmem:$0x1F4D0] =	vst v63  }
0x40: {  	s11 =	simm.s32 @p0 $0xA  }
0x41: {  	_ =	swait.ge @p0 [sflag:s11], $0x1400  }
0x42: {  	[sflag:s11] =	ssyncset.done @p0 $0x0  }
0x43: {  	s12 =	simm.s32 @!p0 $0x28;
	[sflag:s11] =	ssyncadd.s32 @p0 $0xFFFFEC00;
	s11 =	simm.s32 @!p0 $0x1F220  }
0x44: {  	[spmem:s4] =	stream.indirect.scatter.add.f32 @!p0 [tilespmem:s11], [sflag:$0xB], $0x1, s10, s12, $0xb8;
	[tilespmem:$0x1F4D0] =	vst v63  }
0x45: {  	s12 =	simm.s32 $0xA0  }
0x46: {  	[tilespmem:s25], [sflag:$0x5] =	stream.indirect.gather [hbm4b:s1+s18], $0x80, s12, s18, $0xb8;
	[tilespmem:$0x1F4D0] =	vst v63  }
0x47: {  	_ =	swait.ge [sflag:s26], $0x1400  }
0x48: {  	[sflag:s26] =	ssyncset.done $0x0  }
0x49: {  	s13 =	simm.s32 $0x2738;
	[sflag:s26] =	ssyncadd.s32 $0xFFFFEC00  }
0x4a: {  	[spmem:s3] =	stream.indirect.scatter.add.f32 [tilespmem:s20], [sflag:$0x7], $0x80, s13, s18, $0xb8;
	[tilespmem:$0x1F4D0] =	vst v63  }
0x4b: {  	_ =	swait.ge [sflag:s28], $0x28  }
0x4c: {  	[sflag:s28] =	ssyncset.done $0x0  }
0x4d: {  	[sflag:s28] =	ssyncadd.s32 $0xFFFFFFD8  }
0x4e: {  	[spmem:s4] =	stream.indirect.scatter.add.f32 [tilespmem:s29], [sflag:$0xB], $0x1, s13, s18, $0xb8;
	[tilespmem:$0x1F4D0] =	vst v63  }
0x4f: {  	p0 =	por $0x0, $0x0;
	_ =	swait.ge [sflag:s30], $0x1400  }
0x50: {  	s10 =	simm.s32 @!p0 $0x4E20;
	[sflag:s30] =	ssyncset.done $0x0  }
0x51: {  	s11 =	simm.s32 @!p0 $0xC8;
	s12 =	simm.s32 @!p0 $0x28;
	[sflag:s30] =	ssyncadd.s32 $0xFFFFEC00  }
0x52: {  	[tilespmem:s10], [sflag:$0x1] =	stream.indirect.gather @!p0 [hbm4b:s1+s12], $0x80, s11, s12, $0xb8;
	[tilespmem:$0x1F4D0] =	vst v63  }
0x53: {  	_ =	swait.ge [sflag:s31], $0x1400  }
0x54: {  	[sflag:s31] =	ssyncset.done $0x0  }
0x55: {  	s14 =	simm.s32 $0x2760;
	[sflag:s31] =	ssyncadd.s32 $0xFFFFEC00  }
0x56: {  	[spmem:s3] =	stream.indirect.scatter.add.f32 [tilespmem:s22], [sflag:$0x8], $0x80, s14, s18, $0xb8;
	[tilespmem:$0x1F4D0] =	vst v63  }
0x57: {  	_ =	swait.ge [sflag:s28], $0x28  }
0x58: {  	[sflag:s28] =	ssyncset.done $0x0  }
0x59: {  	[sflag:s28] =	ssyncadd.s32 $0xFFFFFFD8  }
0x5a: {  	[spmem:s4] =	stream.indirect.scatter.add.f32 [tilespmem:s29], [sflag:$0xB], $0x1, s14, s18, $0xb8;
	[tilespmem:$0x1F4D0] =	vst v63  }
0x5b: {  	_ =	swait.ge [sflag:s2], $0x1400  }
0x5c: {  	[sflag:s2] =	ssyncset.done $0x0  }
0x5d: {  	s10 =	simm.s32 @!p0 $0xF0;
	s11 =	simm.s32 @!p0 $0x6220;
	[sflag:s2] =	ssyncadd.s32 $0xFFFFEC00  }
0x5e: {  	[tilespmem:s11], [sflag:$0x2] =	stream.indirect.gather @!p0 [hbm4b:s1+s12], $0x80, s10, s12, $0xb8;
	[tilespmem:$0x1F4D0] =	vst v63  }
0x5f: {  	_ =	swait.ge [sflag:s0], $0x1400  }
0x60: {  	[sflag:s0] =	ssyncset.done $0x0  }
0x61: {  	s16 =	simm.s32 $0x2788;
	[sflag:s0] =	ssyncadd.s32 $0xFFFFEC00  }
0x62: {  	[spmem:s3] =	stream.indirect.scatter.add.f32 [tilespmem:s23], [sflag:$0x9], $0x80, s16, s18, $0xb8;
	[tilespmem:$0x1F4D0] =	vst v63  }
0x63: {  	_ =	swait.ge [sflag:s28], $0x28  }
0x64: {  	[sflag:s28] =	ssyncset.done $0x0  }
0x65: {  	[sflag:s28] =	ssyncadd.s32 $0xFFFFFFD8  }
0x66: {  	[spmem:s4] =	stream.indirect.scatter.add.f32 [tilespmem:s29], [sflag:$0xB], $0x1, s16, s18, $0xb8;
	[tilespmem:$0x1F4D0] =	vst v63  }
0x67: {  	_ =	swait.ge [sflag:s17], $0x1400  }
0x68: {  	[sflag:s17] =	ssyncset.done $0x0  }
0x69: {  	s10 =	simm.s32 @!p0 $0x118;
	s11 =	simm.s32 @!p0 $0x7620;
	[sflag:s17] =	ssyncadd.s32 $0xFFFFEC00  }
0x6a: {  	[tilespmem:s11], [sflag:$0x3] =	stream.indirect.gather @!p0 [hbm4b:s1+s12], $0x80, s10, s12, $0xb8;
	[tilespmem:$0x1F4D0] =	vst v63  }
0x6b: {  	_ =	swait.ge [sflag:s21], $0x1400  }
0x6c: {  	[sflag:s21] =	ssyncset.done $0x0  }
0x6d: {  	p1 =	por $0x0, $0x0;
	s12 =	simm.s32 $0x27B0;
	[sflag:s21] =	ssyncadd.s32 $0xFFFFEC00  }
0x6e: {  	[spmem:s3] =	stream.indirect.scatter.add.f32 [tilespmem:s25], [sflag:$0xA], $0x80, s12, s18, $0xb8;
	[tilespmem:$0x1F4D0] =	vst v63  }
0x6f: {  	s10 =	simm.s32 $0x320;
	s11 =	simm.s32 $0x640;
	_ =	swait.ge [sflag:s28], $0x28  }
.LBB2_2:
0x70: {  	s5 =	simm.s32 @!p1 $0x9  }
0x71: {  	[sflag:s28] =	ssyncset.done $0x0;
	s13 =	smov.u32 s11;
	s11 =	sadd.s32 $0x320, s11  }
0x72: {  	p0 =	sne.s32 s11, $0x9C40;
	[sflag:s28] =	ssyncadd.s32 $0xFFFFFFD8  }
0x73: {  	[spmem:s4] =	stream.indirect.scatter.add.f32 [tilespmem:s29], [sflag:$0xB], $0x1, s12, s18, $0xb8;
	[tilespmem:$0x1F4D0] =	vst v63  }
0x74: {  	s12 =	sshra.s32 s10, $0x2;
	_ =	swait.ge @!p1 [sflag:s5], $0x1400  }
0x75: {  	s6 =	sadd.s32 $0x78, s12;
	[sflag:s5] =	ssyncset.done @!p1 $0x0  }
0x76: {  	[sflag:s5] =	ssyncadd.s32 @!p1 $0xFFFFEC00  }
0x77: {  	[tilespmem:s23], [sflag:$0x4] =	stream.indirect.gather [hbm4b:s1+s18], $0x80, s6, s18, $0xb8;
	[tilespmem:$0x1F4D0] =	vst v63  }
0x78: {  	_ =	swait.ge [sflag:s24], $0x1400  }
0x79: {  	p1 =	sne.s32 s10, $0x0;
	s5 =	sadd.s32 $0x2710, s12;
	[sflag:s24] =	ssyncset.done $0x0  }
0x7a: {  	s6 =	simm.s32 @p1 $0xB;
	[sflag:s24] =	ssyncadd.s32 $0xFFFFEC00  }
0x7b: {  	[spmem:s3] =	stream.indirect.scatter.add.f32 [tilespmem:s19], [sflag:$0x6], $0x80, s5, s18, $0xb8;
	[tilespmem:$0x1F4D0] =	vst v63  }
0x7c: {  	_ =	swait.ge @p1 [sflag:s6], $0x28  }
0x7d: {  	s8 =	simm.s32 @p1 $0x28;
	s14 =	simm.s32 @p1 $0x1F220;
	[sflag:s6] =	ssyncset.done @p1 $0x0  }
0x7e: {  	[sflag:s6] =	ssyncadd.s32 @p1 $0xFFFFFFD8;
	s6 =	simm.s32 @p1 $0xA  }
0x7f: {  	[spmem:s4] =	stream.indirect.scatter.add.f32 @p1 [tilespmem:s14], [sflag:$0xB], $0x1, s5, s8, $0xb8;
	[tilespmem:$0x1F4D0] =	vst v63  }
0x80: {  	_ =	swait.ge @p1 [sflag:s6], $0x1400  }
0x81: {  	s8 =	simm.s32 @!p1 $0x28;
	s14 =	simm.s32 @!p1 $0x1F220;
	[sflag:s6] =	ssyncset.done @p1 $0x0  }
0x82: {  	[sflag:s6] =	ssyncadd.s32 @p1 $0xFFFFEC00;
	s6 =	sadd.s32 $0xA0, s12  }
0x83: {  	[spmem:s4] =	stream.indirect.scatter.add.f32 @!p1 [tilespmem:s14], [sflag:$0xB], $0x1, s5, s8, $0xb8;
	[tilespmem:$0x1F4D0] =	vst v63  }
0x84: {  	_ = 	snop  }
0x85: {  	[tilespmem:s25], [sflag:$0x5] =	stream.indirect.gather [hbm4b:s1+s18], $0x80, s6, s18, $0xb8;
	[tilespmem:$0x1F4D0] =	vst v63  }
0x86: {  	_ =	swait.ge [sflag:s26], $0x1400  }
0x87: {  	s5 =	sadd.s32 $0x2738, s12;
	[sflag:s26] =	ssyncset.done $0x0  }
0x88: {  	[sflag:s26] =	ssyncadd.s32 $0xFFFFEC00  }
0x89: {  	[spmem:s3] =	stream.indirect.scatter.add.f32 [tilespmem:s20], [sflag:$0x7], $0x80, s5, s18, $0xb8;
	[tilespmem:$0x1F4D0] =	vst v63  }
0x8a: {  	_ =	swait.ge [sflag:s28], $0x28  }
0x8b: {  	[sflag:s28] =	ssyncset.done $0x0  }
0x8c: {  	p1 =	seq.s32 s10, $0x9920;
	[sflag:s28] =	ssyncadd.s32 $0xFFFFFFD8  }
0x8d: {  	[spmem:s4] =	stream.indirect.scatter.add.f32 [tilespmem:s29], [sflag:$0xB], $0x1, s5, s18, $0xb8;
	[tilespmem:$0x1F4D0] =	vst v63  }
0x8e: {  	s6 =	simm.s32 @!p1 $0x4E20;
	s5 =	sshra.s32 @!p1 s10, $0x2;
	_ =	swait.ge [sflag:s30], $0x1400  }
0x8f: {  	s14 =	simm.s32 @!p1 $0x28;
	s8 =	sadd.s32 @!p1 $0xC8, s5;
	[sflag:s30] =	ssyncset.done $0x0  }
0x90: {  	s16 =	sadd.s32 @!p1 $0xF0, s5;
	s5 =	sadd.s32 @!p1 $0x118, s5;
	[sflag:s30] =	ssyncadd.s32 $0xFFFFEC00  }
0x91: {  	[tilespmem:s6], [sflag:$0x1] =	stream.indirect.gather @!p1 [hbm4b:s1+s14], $0x80, s8, s14, $0xb8;
	[tilespmem:$0x1F4D0] =	vst v63  }
0x92: {  	s10 =	smov.u32 s13;
	_ =	swait.ge [sflag:s31], $0x1400  }
0x93: {  	s6 =	sadd.s32 $0x2760, s12;
	[sflag:s31] =	ssyncset.done $0x0  }
0x94: {  	[sflag:s31] =	ssyncadd.s32 $0xFFFFEC00  }
0x95: {  	[spmem:s3] =	stream.indirect.scatter.add.f32 [tilespmem:s22], [sflag:$0x8], $0x80, s6, s18, $0xb8;
	[tilespmem:$0x1F4D0] =	vst v63  }
0x96: {  	_ =	swait.ge [sflag:s28], $0x28  }
0x97: {  	[sflag:s28] =	ssyncset.done $0x0  }
0x98: {  	[sflag:s28] =	ssyncadd.s32 $0xFFFFFFD8  }
0x99: {  	[spmem:s4] =	stream.indirect.scatter.add.f32 [tilespmem:s29], [sflag:$0xB], $0x1, s6, s18, $0xb8;
	[tilespmem:$0x1F4D0] =	vst v63  }
0x9a: {  	_ =	swait.ge [sflag:s2], $0x1400  }
0x9b: {  	s6 =	simm.s32 @!p1 $0x6220;
	[sflag:s2] =	ssyncset.done $0x0  }
0x9c: {  	[sflag:s2] =	ssyncadd.s32 $0xFFFFEC00  }
0x9d: {  	[tilespmem:s6], [sflag:$0x2] =	stream.indirect.gather @!p1 [hbm4b:s1+s14], $0x80, s16, s14, $0xb8;
	[tilespmem:$0x1F4D0] =	vst v63  }
0x9e: {  	_ =	swait.ge [sflag:s0], $0x1400  }
0x9f: {  	s6 =	sadd.s32 $0x2788, s12;
	[sflag:s0] =	ssyncset.done $0x0  }
0xa0: {  	[sflag:s0] =	ssyncadd.s32 $0xFFFFEC00  }
0xa1: {  	[spmem:s3] =	stream.indirect.scatter.add.f32 [tilespmem:s23], [sflag:$0x9], $0x80, s6, s18, $0xb8;
	[tilespmem:$0x1F4D0] =	vst v63  }
0xa2: {  	_ =	swait.ge [sflag:s28], $0x28  }
0xa3: {  	[sflag:s28] =	ssyncset.done $0x0  }
0xa4: {  	[sflag:s28] =	ssyncadd.s32 $0xFFFFFFD8  }
0xa5: {  	[spmem:s4] =	stream.indirect.scatter.add.f32 [tilespmem:s29], [sflag:$0xB], $0x1, s6, s18, $0xb8;
	[tilespmem:$0x1F4D0] =	vst v63  }
0xa6: {  	_ =	swait.ge [sflag:s17], $0x1400  }
0xa7: {  	s6 =	simm.s32 @!p1 $0x7620;
	[sflag:s17] =	ssyncset.done $0x0  }
0xa8: {  	[sflag:s17] =	ssyncadd.s32 $0xFFFFEC00  }
0xa9: {  	[tilespmem:s6], [sflag:$0x3] =	stream.indirect.gather @!p1 [hbm4b:s1+s14], $0x80, s5, s14, $0xb8;
	[tilespmem:$0x1F4D0] =	vst v63  }
.Ltmp0:
0xaa: {  	_ =	swait.ge [sflag:s21], $0x1400;
	(pc) =	sbr.rel @p0 .LBB2_2-.Ltmp0, $4  }
0xab: {  	s12 =	sadd.s32 $0x27B0, s12;
	[sflag:s21] =	ssyncset.done $0x0  }
0xac: {  	[sflag:s21] =	ssyncadd.s32 $0xFFFFEC00  }
0xad: {  	[spmem:s3] =	stream.indirect.scatter.add.f32 [tilespmem:s25], [sflag:$0xA], $0x80, s12, s18, $0xb8;
	[tilespmem:$0x1F4D0] =	vst v63  }
0xae: {  	p1 =	seq.s32 s10, $0x0;
	_ =	swait.ge [sflag:s28], $0x28  }
0xaf: {  	[sflag:s28] =	ssyncset.done $0x0  }
0xb0: {  	s5 =	simm.s32 @!p1 $0x9;
	[sflag:s28] =	ssyncadd.s32 $0xFFFFFFD8  }
0xb1: {  	[spmem:s4] =	stream.indirect.scatter.add.f32 [tilespmem:s29], [sflag:$0xB], $0x1, s12, s18, $0xb8;
	[tilespmem:$0x1F4D0] =	vst v63  }
0xb2: {  	_ =	swait.ge @!p1 [sflag:s5], $0x1400  }
0xb3: {  	s11 =	sshra.s32 s10, $0x2;
	[sflag:s5] =	ssyncset.done @!p1 $0x0  }
0xb4: {  	s6 =	sadd.s32 $0x78, s11;
	[sflag:s5] =	ssyncadd.s32 @!p1 $0xFFFFEC00  }
0xb5: {  	[tilespmem:s23], [sflag:$0x4] =	stream.indirect.gather [hbm4b:s1+s18], $0x80, s6, s18, $0xb8;
	[tilespmem:$0x1F4D0] =	vst v63  }
0xb6: {  	_ =	swait.ge [sflag:s24], $0x1400  }
0xb7: {  	p0 =	sne.s32 s10, $0x0;
	[sflag:s24] =	ssyncset.done $0x0  }
0xb8: {  	s5 =	sadd.s32 $0x2710, s11;
	s6 =	simm.s32 @p0 $0xB;
	[sflag:s24] =	ssyncadd.s32 $0xFFFFEC00  }
0xb9: {  	[spmem:s3] =	stream.indirect.scatter.add.f32 [tilespmem:s19], [sflag:$0x6], $0x80, s5, s18, $0xb8;
	[tilespmem:$0x1F4D0] =	vst v63  }
0xba: {  	_ =	swait.ge @p0 [sflag:s6], $0x28  }
0xbb: {  	[sflag:s6] =	ssyncset.done @p0 $0x0  }
0xbc: {  	s8 =	simm.s32 @p0 $0x28;
	[sflag:s6] =	ssyncadd.s32 @p0 $0xFFFFFFD8;
	s6 =	simm.s32 @p0 $0x1F220  }
0xbd: {  	[spmem:s4] =	stream.indirect.scatter.add.f32 @p0 [tilespmem:s6], [sflag:$0xB], $0x1, s5, s8, $0xb8;
	[tilespmem:$0x1F4D0] =	vst v63  }
0xbe: {  	s6 =	simm.s32 @p0 $0xA  }
0xbf: {  	_ =	swait.ge @p0 [sflag:s6], $0x1400  }
0xc0: {  	[sflag:s6] =	ssyncset.done @p0 $0x0  }
0xc1: {  	s8 =	simm.s32 @!p0 $0x28;
	[sflag:s6] =	ssyncadd.s32 @p0 $0xFFFFEC00;
	s6 =	simm.s32 @!p0 $0x1F220  }
0xc2: {  	[spmem:s4] =	stream.indirect.scatter.add.f32 @!p0 [tilespmem:s6], [sflag:$0xB], $0x1, s5, s8, $0xb8;
	[tilespmem:$0x1F4D0] =	vst v63  }
0xc3: {  	s13 =	sadd.s32 $0xA0, s11  }
0xc4: {  	[tilespmem:s25], [sflag:$0x5] =	stream.indirect.gather [hbm4b:s1+s18], $0x80, s13, s18, $0xb8;
	[tilespmem:$0x1F4D0] =	vst v63  }
0xc5: {  	_ =	swait.ge [sflag:s26], $0x1400  }
0xc6: {  	[sflag:s26] =	ssyncset.done $0x0  }
0xc7: {  	s14 =	sadd.s32 $0x2738, s11;
	[sflag:s26] =	ssyncadd.s32 $0xFFFFEC00  }
0xc8: {  	[spmem:s3] =	stream.indirect.scatter.add.f32 [tilespmem:s20], [sflag:$0x7], $0x80, s14, s18, $0xb8;
	[tilespmem:$0x1F4D0] =	vst v63  }
0xc9: {  	_ =	swait.ge [sflag:s28], $0x28  }
0xca: {  	[sflag:s28] =	ssyncset.done $0x0  }
0xcb: {  	[sflag:s28] =	ssyncadd.s32 $0xFFFFFFD8  }
0xcc: {  	[spmem:s4] =	stream.indirect.scatter.add.f32 [tilespmem:s29], [sflag:$0xB], $0x1, s14, s18, $0xb8;
	[tilespmem:$0x1F4D0] =	vst v63  }
0xcd: {  	p0 =	seq.s32 s10, $0x9920;
	_ =	swait.ge [sflag:s30], $0x1400  }
0xce: {  	s5 =	sshra.s32 @!p0 s10, $0x2;
	s6 =	simm.s32 @!p0 $0x4E20;
	[sflag:s30] =	ssyncset.done $0x0  }
0xcf: {  	s10 =	simm.s32 @!p0 $0x28;
	s8 =	sadd.s32 @!p0 $0xC8, s5;
	[sflag:s30] =	ssyncadd.s32 $0xFFFFEC00  }
0xd0: {  	[tilespmem:s6], [sflag:$0x1] =	stream.indirect.gather @!p0 [hbm4b:s1+s10], $0x80, s8, s10, $0xb8;
	[tilespmem:$0x1F4D0] =	vst v63  }
0xd1: {  	_ =	swait.ge [sflag:s31], $0x1400  }
0xd2: {  	[sflag:s31] =	ssyncset.done $0x0  }
0xd3: {  	s16 =	sadd.s32 $0x2760, s11;
	[sflag:s31] =	ssyncadd.s32 $0xFFFFEC00  }
0xd4: {  	[spmem:s3] =	stream.indirect.scatter.add.f32 [tilespmem:s22], [sflag:$0x8], $0x80, s16, s18, $0xb8;
	[tilespmem:$0x1F4D0] =	vst v63  }
0xd5: {  	_ =	swait.ge [sflag:s28], $0x28  }
0xd6: {  	[sflag:s28] =	ssyncset.done $0x0  }
0xd7: {  	[sflag:s28] =	ssyncadd.s32 $0xFFFFFFD8  }
0xd8: {  	[spmem:s4] =	stream.indirect.scatter.add.f32 [tilespmem:s29], [sflag:$0xB], $0x1, s16, s18, $0xb8;
	[tilespmem:$0x1F4D0] =	vst v63  }
0xd9: {  	_ =	swait.ge [sflag:s2], $0x1400  }
0xda: {  	[sflag:s2] =	ssyncset.done $0x0  }
0xdb: {  	s6 =	sadd.s32 @!p0 $0xF0, s5;
	s8 =	simm.s32 @!p0 $0x6220;
	[sflag:s2] =	ssyncadd.s32 $0xFFFFEC00  }
0xdc: {  	[tilespmem:s8], [sflag:$0x2] =	stream.indirect.gather @!p0 [hbm4b:s1+s10], $0x80, s6, s10, $0xb8;
	[tilespmem:$0x1F4D0] =	vst v63  }
0xdd: {  	_ =	swait.ge [sflag:s0], $0x1400  }
0xde: {  	[sflag:s0] =	ssyncset.done $0x0  }
0xdf: {  	s8 =	sadd.s32 $0x2788, s11;
	[sflag:s0] =	ssyncadd.s32 $0xFFFFEC00  }
0xe0: {  	[spmem:s3] =	stream.indirect.scatter.add.f32 [tilespmem:s23], [sflag:$0x9], $0x80, s8, s18, $0xb8;
	[tilespmem:$0x1F4D0] =	vst v63  }
0xe1: {  	_ =	swait.ge [sflag:s28], $0x28  }
0xe2: {  	[sflag:s28] =	ssyncset.done $0x0  }
0xe3: {  	[sflag:s28] =	ssyncadd.s32 $0xFFFFFFD8  }
0xe4: {  	[spmem:s4] =	stream.indirect.scatter.add.f32 [tilespmem:s29], [sflag:$0xB], $0x1, s8, s18, $0xb8;
	[tilespmem:$0x1F4D0] =	vst v63  }
0xe5: {  	_ =	swait.ge [sflag:s17], $0x1400  }
0xe6: {  	[sflag:s17] =	ssyncset.done $0x0  }
0xe7: {  	s5 =	sadd.s32 @!p0 $0x118, s5;
	s6 =	simm.s32 @!p0 $0x7620;
	[sflag:s17] =	ssyncadd.s32 $0xFFFFEC00  }
0xe8: {  	[tilespmem:s6], [sflag:$0x3] =	stream.indirect.gather @!p0 [hbm4b:s1+s10], $0x80, s5, s10, $0xb8;
	[tilespmem:$0x1F4D0] =	vst v63  }
0xe9: {  	_ =	swait.ge [sflag:s21], $0x1400  }
0xea: {  	[sflag:s21] =	ssyncset.done $0x0  }
0xeb: {  	s10 =	sadd.s32 $0x27B0, s11;
	[sflag:s21] =	ssyncadd.s32 $0xFFFFEC00  }
0xec: {  	[spmem:s3] =	stream.indirect.scatter.add.f32 [tilespmem:s25], [sflag:$0xA], $0x80, s10, s18, $0xb8;
	[tilespmem:$0x1F4D0] =	vst v63  }
0xed: {  	_ =	swait.ge [sflag:s28], $0x28  }
0xee: {  	[sflag:s28] =	ssyncset.done $0x0  }
0xef: {  	s11 =	simm.s32 $0x9;
	[sflag:s28] =	ssyncadd.s32 $0xFFFFFFD8  }
0xf0: {  	[spmem:s4] =	stream.indirect.scatter.add.f32 [tilespmem:s29], [sflag:$0xB], $0x1, s10, s18, $0xb8;
	[tilespmem:$0x1F4D0] =	vst v63  }
0xf1: {  	_ =	swait.ge [sflag:s11], $0x1400  }
0xf2: {  	[sflag:s11] =	ssyncset.done $0x0  }
0xf3: {  	s12 =	simm.s32 $0xA;
	[sflag:s11] =	ssyncadd.s32 $0xFFFFEC00  }
0xf4: {  	_ =	swait.ge [sflag:s12], $0x1400  }
0xf5: {  	[sflag:s12] =	ssyncset.done $0x0  }
0xf6: {  	[sflag:s12] =	ssyncadd.s32 $0xFFFFEC00  }
0xf7: {  	_ =	swait.ge [sflag:s28], $0x28  }
0xf8: {  	[sflag:s28] =	ssyncset.done $0x0  }
0xf9: {  	[sflag:s28] =	ssyncadd.s32 $0xFFFFFFD8  }
0xfa: {  	[bflag:$0x0] =	sbarrier.arrive $0xFFFF  }
0xfb: {  	s13 =	rddreg [dreg:$0xa]  }
0xfc: {  	s6 =	rddreg [dreg:$0xd]  }
0xfd: {  	[hbm:s13], [sflag:s7] =	dma.local [spmem:s6], $0x2800  }
0xfe: {  	_ =	swait.ge [sflag:s15], $0x2800  }
0xff: {  	[sflag:s15] =	ssyncset.done $0x0;
	s14 =	rddreg [dreg:$0xb]  }
0x100: {  	s8 =	rddreg [dreg:$0xe];
	[sflag:s15] =	ssyncadd.s32 $0xFFFFD800  }
0x101: {  	[hbm:s14], [sflag:s7] =	dma.local [spmem:s8], $0x50  }
0x102: {  	_ =	swait.ge [sflag:s15], $0x50  }
0x103: {  	s9 =	sadd.s32 $0x1, s9;
	s16 =	rddreg [dreg:$0xc]  }
0x104: {  	p0 =	sne.s32 s9, s16  }
.Ltmp1:
0x105: {  	_ = 	snop;
	(pc) =	sbr.rel @p0 .LBB2_1-.Ltmp1, $3  }
0x106: {  	_ =	sdelay $0x1  }
0x107: {  	[sflag:s15] =	ssyncset.done $0x0  }
0x108: {  	[sflag:s15] =	ssyncadd.s32 $0xFFFFFFB0  }
0x109: {  	_ =	sfence.sel $0x180000  }
0x10a: {  	[bflag:$0x0] =	sbarrier.arrive $0xFFFF  }
0x10b: {  	_ =	strace $0x90000047  }
0x10c: {  	s0 =	stileid.u32;
	[bflag:$0x2] =	sbarrier.arrive $0xFFFF  }
0x10d: {  	p0 =	sne.s32 s0, $0x0;
	s0 =	rddreg [dreg:$0x5]  }
0x10e: {  	s0 =	sadd.s32 @!p0 $0x100000, s0  }
0x10f: {  	[sflag:s0] =	ssyncadd.tile.s32 @!p0 $0x1;
	_ =	shalt  }
.Lfunc_end2:
_tile_overlayer_lowered:
.L_overlay_start_2:
0x110: {  	(tag) =	ssettag $0x2  }
0x111: {  	s0 =	rddreg [dreg:$0x0];
	s2 =	stileid.u32  }
0x112: {  	s1 =	rddreg [dreg:$0x1];
	p0 =	sne.s32 s2, $0x0  }
0x113: {  	s3 =	rddreg [dreg:$0x2];
	[bflag:$0x3] =	sbarrier.arrive $0xFFFF;
	s2 =	simm.s32 @!p0 $0x1C0C  }
0x114: {  	[timem:s3], [sflag:s2] =	dma.local @!p0 [hbm:s0], s1  }
0x115: {  	s0 =	simm.s32 @!p0 $0xC  }
0x116: {  	_ =	swait.ge @!p0 [sflag:s0], s1  }
0x117: {  	s1 =	ssub.s32 @!p0 $0x0, s1;
	[sflag:s0] =	ssyncset.done @!p0 $0x0  }
0x118: {  	[sflag:s0] =	ssyncadd.s32 @!p0 s1  }
0x119: {  	[bflag:$0x3] =	sbarrier.arrive $0xFFFF  }
0x11a: {  	_ =	shalt  }

</sc_bundles>
